<compile_context>
chip_gen: v7x
topology: tpu7x:2x2x1
jax: 0.10.2.dev20260603
libtpu: 0.0.44.dev20260713+nightly
codegen_flags: <defaults>
</compile_context>

<pallas_src>
import functools
import math

import jax
import jax.numpy as jnp
from jax import lax
from jax.experimental import pallas as pl
from jax.experimental.pallas import tpu as pltpu
from jax.experimental.pallas import tpu_sc as plsc

D_MODEL = 128
NUM_CORES = 2
NUM_SUBCORES = 16
NW = NUM_CORES * NUM_SUBCORES
ROWS = 4096 * 200
B_PER_W = ROWS // NW
CHUNK = 128
NCHUNK = B_PER_W // CHUNK
SCALE = math.sqrt(float(D_MODEL))

_mesh = plsc.VectorSubcoreMesh(core_axis_name="c", subcore_axis_name="s")


NB = 3
OCHUNK = 2 * CHUNK
NOUTER = B_PER_W // OCHUNK


@functools.partial(
    pl.kernel,
    out_type=jax.ShapeDtypeStruct((ROWS, D_MODEL), jnp.float32),
    mesh=_mesh,
    scratch_types=[
        pltpu.VMEM((NCHUNK, CHUNK), jnp.int32),
        pltpu.VMEM((OCHUNK, D_MODEL), jnp.float32),
        pltpu.VMEM((OCHUNK, D_MODEL), jnp.float32),
        pltpu.VMEM((OCHUNK, D_MODEL), jnp.float32),
        pltpu.SemaphoreType.DMA,
        pltpu.SemaphoreType.DMA,
    ],
)
def _embed(table_hbm, idx_hbm, out_hbm, idx_v, b0, b1, b2, gsem, osem):
    bufs = (b0, b1, b2)
    wid = lax.axis_index("s") * NUM_CORES + lax.axis_index("c")
    base = wid * B_PER_W
    pltpu.sync_copy(idx_hbm.at[wid], idx_v)

    def g_start(j, buf):
        pltpu.make_async_copy(
            table_hbm.at[idx_v.at[2 * j]], buf.at[pl.ds(0, CHUNK)], gsem
        ).start()
        pltpu.make_async_copy(
            table_hbm.at[idx_v.at[2 * j + 1]], buf.at[pl.ds(CHUNK, CHUNK)], gsem
        ).start()

    def g_wait(buf):
        for _ in range(2):
            pltpu.make_async_copy(
                table_hbm.at[idx_v.at[0]], buf.at[pl.ds(0, CHUNK)], gsem
            ).wait()

    def o_start(j, buf):
        pltpu.make_async_copy(
            buf, out_hbm.at[pl.ds(base + j * OCHUNK, OCHUNK)], osem
        ).start()

    def o_wait():
        pltpu.make_async_copy(b0, out_hbm.at[pl.ds(base, OCHUNK)], osem).wait()

    def scale(buf):
        @plsc.parallel_loop(0, OCHUNK, step=1, unroll=4)
        def _row(r):
            for s in range(D_MODEL // 16):
                sl = pl.ds(s * 16, 16)
                buf[r, sl] = buf[r, sl] * SCALE

    g_start(0, b0)
    g_start(1, b1)
    for j in range(NB):
        buf = bufs[j]
        g_wait(buf)
        scale(buf)
        o_start(j, buf)
        if j >= 1:
            o_wait()
        g_start(j + 2, bufs[(j + 2) % NB])

    def group_body(gi, carry):
        j0 = NB * gi
        for b in range(NB):
            j = j0 + b
            buf = bufs[b]
            g_wait(buf)
            scale(buf)
            o_start(j, buf)
            o_wait()
            g_start(j + 2, bufs[(b + 2) % NB])
        return carry

    lax.fori_loop(1, (NOUTER - NB - 1) // NB, group_body, 0)

    for j in range(NOUTER - 4, NOUTER):
        buf = bufs[j % NB]
        g_wait(buf)
        scale(buf)
        o_start(j, buf)
        o_wait()
        if j + 2 < NOUTER:
            g_start(j + 2, bufs[(j + 2) % NB])
    o_wait()


def kernel(indices, W):
    idx = indices.astype(jnp.int32).reshape(NW, NCHUNK, CHUNK)
    out = _embed(W, idx)
    return out.reshape(indices.shape + (D_MODEL,))

# --- scband reference (transcript-rebuilt; emitter-appended) ---
"""Pipeline reference for scband-input-embedding-3135326126389 (READ-ONLY COPY).

The authoritative reference and input builder live on the scoring server;
editing this copy changes nothing except your own understanding.
"""

import math
import jax, jax.numpy as jnp
import numpy as np

VOCAB = 1000000
D_MODEL = 128
B = 4096
T = 200

def setup_inputs(seed: int = 0) -> dict:
    key = jax.random.key(seed)
    k_idx, k_w = jax.random.split(key)
    indices = jax.random.randint(k_idx, (B, T), 0, VOCAB, dtype=jnp.int64 if jax.config.jax_enable_x64 else jnp.int32)
    W = jax.random.normal(k_w, (VOCAB, D_MODEL), dtype=jnp.float32) * 0.02
    return {"indices": indices, "W": W}

def reference(indices, W):
    # InputEmbedding.forward: embedding lookup scaled by sqrt(d_model)
    x = jnp.take(W, indices, axis=0) * math.sqrt(D_MODEL)
    return x

if __name__ == "__main__":
    import jax
    _d = setup_inputs()
    print(jax.jit(kernel)(*tuple(_d.values())))

</pallas_src>

<mosaic_0001>
#map = affine_map<(d0, d1) -> (0, 0)>
#map1 = affine_map<(d0, d1) -> (0, 0, 0)>
module attributes {stable_mosaic.version = 14 : i64} {
  func.func @_embed(%arg0: i32, %arg1: i32, %arg2: memref<1000000x128xf32, #tpu.memory_space<hbm>>, %arg3: memref<32x200x128xi32, #tpu.memory_space<hbm>>, %arg4: memref<819200x128xf32, #tpu.memory_space<hbm>>, %arg5: memref<200x128xi32, #tpu.memory_space<vmem>>, %arg6: memref<256x128xf32, #tpu.memory_space<vmem>>, %arg7: memref<256x128xf32, #tpu.memory_space<vmem>>, %arg8: memref<256x128xf32, #tpu.memory_space<vmem>>, %arg9: memref<!tpu.dma_semaphore, #tpu.memory_space<semaphore_mem>>, %arg10: memref<!tpu.dma_semaphore, #tpu.memory_space<semaphore_mem>>) attributes {dimension_semantics = [#tpu.dimension_semantics<core_parallel>, #tpu.dimension_semantics<subcore_parallel>], iteration_bounds = array<i64: 2, 16>, scalar_prefetch = 0 : i64, scratch_operands = 6 : i64, tpu.core_type = #tpu.core_type<sc_vector_subcore>, window_params = [{transform_indices = #map}, {transform_indices = #map1}, {transform_indices = #map}]} {
    %mul3A = arith.constant 2 : i32
    %mul3A_0 = arith.muli %arg1, %mul3A : i32
    %add3A = arith.addi %mul3A_0, %arg0 : i32
    %mul3A_1 = arith.constant 25600 : i32
    %mul3A_2 = arith.muli %add3A, %mul3A_1 : i32
    "tpu.region"() ({
      %run_scoped3A = tpu.sem_alloc : memref<!tpu.dma_semaphore, #tpu.memory_space<semaphore_mem>>
      %dma_start3A_376 = arith.constant 0 : i32
      %dma_start3A_377 = arith.constant 0 : i32
      %dma_start3A_378 = tpu.memref_slice %arg3[%add3A, %dma_start3A_376, %dma_start3A_377] : memref<32x200x128xi32, #tpu.memory_space<hbm>> -> memref<1x200x128xi32, #tpu.memory_space<hbm>>
      %dma_start3A_379 = tpu.memref_squeeze %dma_start3A_378 : memref<1x200x128xi32, #tpu.memory_space<hbm>> -> memref<200x128xi32, #tpu.memory_space<hbm>>
      %dma_start3A_380 = arith.constant 0 : i32
      %dma_start3A_381 = arith.constant 0 : i32
      %dma_start3A_382 = tpu.memref_slice %arg3[%add3A, %dma_start3A_380, %dma_start3A_381] : memref<32x200x128xi32, #tpu.memory_space<hbm>> -> memref<1x200x128xi32, #tpu.memory_space<hbm>>
      %dma_start3A_383 = tpu.memref_squeeze %dma_start3A_382 : memref<1x200x128xi32, #tpu.memory_space<hbm>> -> memref<200x128xi32, #tpu.memory_space<hbm>>
      tpu.enqueue_dma source(%dma_start3A_383 : memref<200x128xi32, #tpu.memory_space<hbm>>) target(%arg5 : memref<200x128xi32, #tpu.memory_space<vmem>>) target_semaphore(%run_scoped3A : memref<!tpu.dma_semaphore, #tpu.memory_space<semaphore_mem>>)
      %dma_wait3A_384 = arith.constant 0 : i32
      %dma_wait3A_385 = arith.constant 0 : i32
      %dma_wait3A_386 = tpu.memref_slice %arg3[%add3A, %dma_wait3A_384, %dma_wait3A_385] : memref<32x200x128xi32, #tpu.memory_space<hbm>> -> memref<1x200x128xi32, #tpu.memory_space<hbm>>
      %dma_wait3A_387 = tpu.memref_squeeze %dma_wait3A_386 : memref<1x200x128xi32, #tpu.memory_space<hbm>> -> memref<200x128xi32, #tpu.memory_space<hbm>>
      %dma_wait3A_388 = arith.constant 0 : i32
      %dma_wait3A_389 = arith.constant 0 : i32
      %dma_wait3A_390 = tpu.memref_slice %arg3[%add3A, %dma_wait3A_388, %dma_wait3A_389] : memref<32x200x128xi32, #tpu.memory_space<hbm>> -> memref<1x200x128xi32, #tpu.memory_space<hbm>>
      %dma_wait3A_391 = tpu.memref_squeeze %dma_wait3A_390 : memref<1x200x128xi32, #tpu.memory_space<hbm>> -> memref<200x128xi32, #tpu.memory_space<hbm>>
      tpu.wait_dma2 semaphore(%run_scoped3A : memref<!tpu.dma_semaphore, #tpu.memory_space<semaphore_mem>>) src(%dma_wait3A_391 : memref<200x128xi32, #tpu.memory_space<hbm>>) dst(%arg5 : memref<200x128xi32, #tpu.memory_space<vmem>>)
      tpu.yield
    }) : () -> ()
    %dma_start3A = arith.constant 0 : i32
    %dma_start3A_3 = arith.constant 0 : i32
    %dma_start3A_4 = arith.constant 0 : i32
    %dma_start3A_5 = tpu.memref_slice %arg6[%dma_start3A_3, %dma_start3A_4] : memref<256x128xf32, #tpu.memory_space<vmem>> -> memref<128x128xf32, #tpu.memory_space<vmem>>
    %dma_start3A_6 = arith.constant 0 : i32
    %dma_start3A_7 = tpu.memref_slice %arg5[%dma_start3A, %dma_start3A_6] : memref<200x128xi32, #tpu.memory_space<vmem>> -> memref<1x128xi32, #tpu.memory_space<vmem>>
    %dma_start3A_8 = tpu.memref_squeeze %dma_start3A_7 : memref<1x128xi32, #tpu.memory_space<vmem>> -> memref<128xi32, #tpu.memory_space<vmem>>
    %dma_start3A_9 = arith.constant 0 : i32
    %dma_start3A_10 = arith.constant 0 : i32
    %dma_start3A_11 = tpu.memref_slice %arg2[%dma_start3A_9, %dma_start3A_10] : memref<1000000x128xf32, #tpu.memory_space<hbm>> -> memref<1000000x128xf32, #tpu.memory_space<hbm>>
    tpu.enqueue_indirect_dma source(%dma_start3A_11 : memref<1000000x128xf32, #tpu.memory_space<hbm>>) target(%dma_start3A_5 : memref<128x128xf32, #tpu.memory_space<vmem>>) offsets(%dma_start3A_8 : memref<128xi32, #tpu.memory_space<vmem>>) semaphore(%arg9 : memref<!tpu.dma_semaphore, #tpu.memory_space<semaphore_mem>>)
    %dma_start3A_12 = arith.constant 1 : i32
    %dma_start3A_13 = arith.constant 128 : i32
    %dma_start3A_14 = arith.constant 0 : i32
    %dma_start3A_15 = tpu.memref_slice %arg6[%dma_start3A_13, %dma_start3A_14] : memref<256x128xf32, #tpu.memory_space<vmem>> -> memref<128x128xf32, #tpu.memory_space<vmem>>
    %dma_start3A_16 = arith.constant 0 : i32
    %dma_start3A_17 = tpu.memref_slice %arg5[%dma_start3A_12, %dma_start3A_16] : memref<200x128xi32, #tpu.memory_space<vmem>> -> memref<1x128xi32, #tpu.memory_space<vmem>>
    %dma_start3A_18 = tpu.memref_squeeze %dma_start3A_17 : memref<1x128xi32, #tpu.memory_space<vmem>> -> memref<128xi32, #tpu.memory_space<vmem>>
    %dma_start3A_19 = arith.constant 0 : i32
    %dma_start3A_20 = arith.constant 0 : i32
    %dma_start3A_21 = tpu.memref_slice %arg2[%dma_start3A_19, %dma_start3A_20] : memref<1000000x128xf32, #tpu.memory_space<hbm>> -> memref<1000000x128xf32, #tpu.memory_space<hbm>>
    tpu.enqueue_indirect_dma source(%dma_start3A_21 : memref<1000000x128xf32, #tpu.memory_space<hbm>>) target(%dma_start3A_15 : memref<128x128xf32, #tpu.memory_space<vmem>>) offsets(%dma_start3A_18 : memref<128xi32, #tpu.memory_space<vmem>>) semaphore(%arg9 : memref<!tpu.dma_semaphore, #tpu.memory_space<semaphore_mem>>)
    %dma_start3A_22 = arith.constant 2 : i32
    %dma_start3A_23 = arith.constant 0 : i32
    %dma_start3A_24 = arith.constant 0 : i32
    %dma_start3A_25 = tpu.memref_slice %arg7[%dma_start3A_23, %dma_start3A_24] : memref<256x128xf32, #tpu.memory_space<vmem>> -> memref<128x128xf32, #tpu.memory_space<vmem>>
    %dma_start3A_26 = arith.constant 0 : i32
    %dma_start3A_27 = tpu.memref_slice %arg5[%dma_start3A_22, %dma_start3A_26] : memref<200x128xi32, #tpu.memory_space<vmem>> -> memref<1x128xi32, #tpu.memory_space<vmem>>
    %dma_start3A_28 = tpu.memref_squeeze %dma_start3A_27 : memref<1x128xi32, #tpu.memory_space<vmem>> -> memref<128xi32, #tpu.memory_space<vmem>>
    %dma_start3A_29 = arith.constant 0 : i32
    %dma_start3A_30 = arith.constant 0 : i32
    %dma_start3A_31 = tpu.memref_slice %arg2[%dma_start3A_29, %dma_start3A_30] : memref<1000000x128xf32, #tpu.memory_space<hbm>> -> memref<1000000x128xf32, #tpu.memory_space<hbm>>
    tpu.enqueue_indirect_dma source(%dma_start3A_31 : memref<1000000x128xf32, #tpu.memory_space<hbm>>) target(%dma_start3A_25 : memref<128x128xf32, #tpu.memory_space<vmem>>) offsets(%dma_start3A_28 : memref<128xi32, #tpu.memory_space<vmem>>) semaphore(%arg9 : memref<!tpu.dma_semaphore, #tpu.memory_space<semaphore_mem>>)
    %dma_start3A_32 = arith.constant 3 : i32
    %dma_start3A_33 = arith.constant 128 : i32
    %dma_start3A_34 = arith.constant 0 : i32
    %dma_start3A_35 = tpu.memref_slice %arg7[%dma_start3A_33, %dma_start3A_34] : memref<256x128xf32, #tpu.memory_space<vmem>> -> memref<128x128xf32, #tpu.memory_space<vmem>>
    %dma_start3A_36 = arith.constant 0 : i32
    %dma_start3A_37 = tpu.memref_slice %arg5[%dma_start3A_32, %dma_start3A_36] : memref<200x128xi32, #tpu.memory_space<vmem>> -> memref<1x128xi32, #tpu.memory_space<vmem>>
    %dma_start3A_38 = tpu.memref_squeeze %dma_start3A_37 : memref<1x128xi32, #tpu.memory_space<vmem>> -> memref<128xi32, #tpu.memory_space<vmem>>
    %dma_start3A_39 = arith.constant 0 : i32
    %dma_start3A_40 = arith.constant 0 : i32
    %dma_start3A_41 = tpu.memref_slice %arg2[%dma_start3A_39, %dma_start3A_40] : memref<1000000x128xf32, #tpu.memory_space<hbm>> -> memref<1000000x128xf32, #tpu.memory_space<hbm>>
    tpu.enqueue_indirect_dma source(%dma_start3A_41 : memref<1000000x128xf32, #tpu.memory_space<hbm>>) target(%dma_start3A_35 : memref<128x128xf32, #tpu.memory_space<vmem>>) offsets(%dma_start3A_38 : memref<128xi32, #tpu.memory_space<vmem>>) semaphore(%arg9 : memref<!tpu.dma_semaphore, #tpu.memory_space<semaphore_mem>>)
    %dma_wait3A = arith.constant 0 : i32
    %dma_wait3A_42 = arith.constant 0 : i32
    %dma_wait3A_43 = arith.constant 0 : i32
    %dma_wait3A_44 = tpu.memref_slice %arg6[%dma_wait3A_42, %dma_wait3A_43] : memref<256x128xf32, #tpu.memory_space<vmem>> -> memref<128x128xf32, #tpu.memory_space<vmem>>
    %dma_wait3A_45 = arith.constant 0 : i32
    %dma_wait3A_46 = tpu.memref_slice %arg5[%dma_wait3A, %dma_wait3A_45] : memref<200x128xi32, #tpu.memory_space<vmem>> -> memref<1x128xi32, #tpu.memory_space<vmem>>
    %dma_wait3A_47 = tpu.memref_squeeze %dma_wait3A_46 : memref<1x128xi32, #tpu.memory_space<vmem>> -> memref<128xi32, #tpu.memory_space<vmem>>
    %dma_wait3A_48 = arith.constant 0 : i32
    %dma_wait3A_49 = arith.constant 0 : i32
    %dma_wait3A_50 = tpu.memref_slice %arg2[%dma_wait3A_48, %dma_wait3A_49] : memref<1000000x128xf32, #tpu.memory_space<hbm>> -> memref<1000000x128xf32, #tpu.memory_space<hbm>>
    tpu.wait_indirect_dma semaphore(%arg9 : memref<!tpu.dma_semaphore, #tpu.memory_space<semaphore_mem>>) src(%dma_wait3A_50 : memref<1000000x128xf32, #tpu.memory_space<hbm>>) dst(%dma_wait3A_44 : memref<128x128xf32, #tpu.memory_space<vmem>>)
    %dma_wait3A_51 = arith.constant 0 : i32
    %dma_wait3A_52 = arith.constant 0 : i32
    %dma_wait3A_53 = arith.constant 0 : i32
    %dma_wait3A_54 = tpu.memref_slice %arg6[%dma_wait3A_52, %dma_wait3A_53] : memref<256x128xf32, #tpu.memory_space<vmem>> -> memref<128x128xf32, #tpu.memory_space<vmem>>
    %dma_wait3A_55 = arith.constant 0 : i32
    %dma_wait3A_56 = tpu.memref_slice %arg5[%dma_wait3A_51, %dma_wait3A_55] : memref<200x128xi32, #tpu.memory_space<vmem>> -> memref<1x128xi32, #tpu.memory_space<vmem>>
    %dma_wait3A_57 = tpu.memref_squeeze %dma_wait3A_56 : memref<1x128xi32, #tpu.memory_space<vmem>> -> memref<128xi32, #tpu.memory_space<vmem>>
    %dma_wait3A_58 = arith.constant 0 : i32
    %dma_wait3A_59 = arith.constant 0 : i32
    %dma_wait3A_60 = tpu.memref_slice %arg2[%dma_wait3A_58, %dma_wait3A_59] : memref<1000000x128xf32, #tpu.memory_space<hbm>> -> memref<1000000x128xf32, #tpu.memory_space<hbm>>
    tpu.wait_indirect_dma semaphore(%arg9 : memref<!tpu.dma_semaphore, #tpu.memory_space<semaphore_mem>>) src(%dma_wait3A_60 : memref<1000000x128xf32, #tpu.memory_space<hbm>>) dst(%dma_wait3A_54 : memref<128x128xf32, #tpu.memory_space<vmem>>)
    %parallel_loop3A = arith.constant 0 : i32
    %parallel_loop3A_61 = arith.constant 256 : i32
    %parallel_loop3A_62 = arith.constant 1 : i32
    scf.for %parallel_loop3A_376 = %parallel_loop3A to %parallel_loop3A_61 step %parallel_loop3A_62  : i32 {
      %parallel_loop3A_377 = arith.index_cast %parallel_loop3A_376 : i32 to index
      %parallel_loop3A_378 = arith.constant 0 : index
      %parallel_loop3A_379 = tpu.vector_load %arg6[%parallel_loop3A_377, %parallel_loop3A_378] {strides = array<i32>} : memref<256x128xf32, #tpu.memory_space<vmem>>, vector<1x16xf32>,
      %parallel_loop3A_380 = vector.shape_cast %parallel_loop3A_379 : vector<1x16xf32> to vector<16xf32>
      %parallel_loop3A_381 = arith.constant 11.3137083 : f32
      %parallel_loop3A_382 = vector.broadcast %parallel_loop3A_381 : f32 to vector<16xf32>
      %parallel_loop3A_383 = arith.mulf %parallel_loop3A_380, %parallel_loop3A_382 : vector<16xf32>
      %parallel_loop3A_384 = arith.index_cast %parallel_loop3A_376 : i32 to index
      %parallel_loop3A_385 = arith.constant 0 : index
      %parallel_loop3A_386 = tpu.vector_load %arg6[%parallel_loop3A_384, %parallel_loop3A_385] {strides = array<i32>} : memref<256x128xf32, #tpu.memory_space<vmem>>, vector<1x16xf32>,
      %parallel_loop3A_387 = vector.shape_cast %parallel_loop3A_386 : vector<1x16xf32> to vector<16xf32>
      %parallel_loop3A_388 = vector.shape_cast %parallel_loop3A_383 : vector<16xf32> to vector<1x16xf32>
      tpu.vector_store %arg6[%parallel_loop3A_384, %parallel_loop3A_385], %parallel_loop3A_388 {strides = array<i32>} : memref<256x128xf32, #tpu.memory_space<vmem>>, vector<1x16xf32>,
      %parallel_loop3A_389 = arith.index_cast %parallel_loop3A_376 : i32 to index
      %parallel_loop3A_390 = arith.constant 16 : index
      %parallel_loop3A_391 = tpu.vector_load %arg6[%parallel_loop3A_389, %parallel_loop3A_390] {strides = array<i32>} : memref<256x128xf32, #tpu.memory_space<vmem>>, vector<1x16xf32>,
      %parallel_loop3A_392 = vector.shape_cast %parallel_loop3A_391 : vector<1x16xf32> to vector<16xf32>
      %parallel_loop3A_393 = arith.constant 11.3137083 : f32
      %parallel_loop3A_394 = vector.broadcast %parallel_loop3A_393 : f32 to vector<16xf32>
      %parallel_loop3A_395 = arith.mulf %parallel_loop3A_392, %parallel_loop3A_394 : vector<16xf32>
      %parallel_loop3A_396 = arith.index_cast %parallel_loop3A_376 : i32 to index
      %parallel_loop3A_397 = arith.constant 16 : index
      %parallel_loop3A_398 = tpu.vector_load %arg6[%parallel_loop3A_396, %parallel_loop3A_397] {strides = array<i32>} : memref<256x128xf32, #tpu.memory_space<vmem>>, vector<1x16xf32>,
      %parallel_loop3A_399 = vector.shape_cast %parallel_loop3A_398 : vector<1x16xf32> to vector<16xf32>
      %parallel_loop3A_400 = vector.shape_cast %parallel_loop3A_395 : vector<16xf32> to vector<1x16xf32>
      tpu.vector_store %arg6[%parallel_loop3A_396, %parallel_loop3A_397], %parallel_loop3A_400 {strides = array<i32>} : memref<256x128xf32, #tpu.memory_space<vmem>>, vector<1x16xf32>,
      %parallel_loop3A_401 = arith.index_cast %parallel_loop3A_376 : i32 to index
      %parallel_loop3A_402 = arith.constant 32 : index
      %parallel_loop3A_403 = tpu.vector_load %arg6[%parallel_loop3A_401, %parallel_loop3A_402] {strides = array<i32>} : memref<256x128xf32, #tpu.memory_space<vmem>>, vector<1x16xf32>,
      %parallel_loop3A_404 = vector.shape_cast %parallel_loop3A_403 : vector<1x16xf32> to vector<16xf32>
      %parallel_loop3A_405 = arith.constant 11.3137083 : f32
      %parallel_loop3A_406 = vector.broadcast %parallel_loop3A_405 : f32 to vector<16xf32>
      %parallel_loop3A_407 = arith.mulf %parallel_loop3A_404, %parallel_loop3A_406 : vector<16xf32>
      %parallel_loop3A_408 = arith.index_cast %parallel_loop3A_376 : i32 to index
      %parallel_loop3A_409 = arith.constant 32 : index
      %parallel_loop3A_410 = tpu.vector_load %arg6[%parallel_loop3A_408, %parallel_loop3A_409] {strides = array<i32>} : memref<256x128xf32, #tpu.memory_space<vmem>>, vector<1x16xf32>,
      %parallel_loop3A_411 = vector.shape_cast %parallel_loop3A_410 : vector<1x16xf32> to vector<16xf32>
      %parallel_loop3A_412 = vector.shape_cast %parallel_loop3A_407 : vector<16xf32> to vector<1x16xf32>
      tpu.vector_store %arg6[%parallel_loop3A_408, %parallel_loop3A_409], %parallel_loop3A_412 {strides = array<i32>} : memref<256x128xf32, #tpu.memory_space<vmem>>, vector<1x16xf32>,
      %parallel_loop3A_413 = arith.index_cast %parallel_loop3A_376 : i32 to index
      %parallel_loop3A_414 = arith.constant 48 : index
      %parallel_loop3A_415 = tpu.vector_load %arg6[%parallel_loop3A_413, %parallel_loop3A_414] {strides = array<i32>} : memref<256x128xf32, #tpu.memory_space<vmem>>, vector<1x16xf32>,
      %parallel_loop3A_416 = vector.shape_cast %parallel_loop3A_415 : vector<1x16xf32> to vector<16xf32>
      %parallel_loop3A_417 = arith.constant 11.3137083 : f32
      %parallel_loop3A_418 = vector.broadcast %parallel_loop3A_417 : f32 to vector<16xf32>
      %parallel_loop3A_419 = arith.mulf %parallel_loop3A_416, %parallel_loop3A_418 : vector<16xf32>
      %parallel_loop3A_420 = arith.index_cast %parallel_loop3A_376 : i32 to index
      %parallel_loop3A_421 = arith.constant 48 : index
      %parallel_loop3A_422 = tpu.vector_load %arg6[%parallel_loop3A_420, %parallel_loop3A_421] {strides = array<i32>} : memref<256x128xf32, #tpu.memory_space<vmem>>, vector<1x16xf32>,
      %parallel_loop3A_423 = vector.shape_cast %parallel_loop3A_422 : vector<1x16xf32> to vector<16xf32>
      %parallel_loop3A_424 = vector.shape_cast %parallel_loop3A_419 : vector<16xf32> to vector<1x16xf32>
      tpu.vector_store %arg6[%parallel_loop3A_420, %parallel_loop3A_421], %parallel_loop3A_424 {strides = array<i32>} : memref<256x128xf32, #tpu.memory_space<vmem>>, vector<1x16xf32>,
      %parallel_loop3A_425 = arith.index_cast %parallel_loop3A_376 : i32 to index
      %parallel_loop3A_426 = arith.constant 64 : index
      %parallel_loop3A_427 = tpu.vector_load %arg6[%parallel_loop3A_425, %parallel_loop3A_426] {strides = array<i32>} : memref<256x128xf32, #tpu.memory_space<vmem>>, vector<1x16xf32>,
      %parallel_loop3A_428 = vector.shape_cast %parallel_loop3A_427 : vector<1x16xf32> to vector<16xf32>
      %parallel_loop3A_429 = arith.constant 11.3137083 : f32
      %parallel_loop3A_430 = vector.broadcast %parallel_loop3A_429 : f32 to vector<16xf32>
      %parallel_loop3A_431 = arith.mulf %parallel_loop3A_428, %parallel_loop3A_430 : vector<16xf32>
      %parallel_loop3A_432 = arith.index_cast %parallel_loop3A_376 : i32 to index
      %parallel_loop3A_433 = arith.constant 64 : index
      %parallel_loop3A_434 = tpu.vector_load %arg6[%parallel_loop3A_432, %parallel_loop3A_433] {strides = array<i32>} : memref<256x128xf32, #tpu.memory_space<vmem>>, vector<1x16xf32>,
      %parallel_loop3A_435 = vector.shape_cast %parallel_loop3A_434 : vector<1x16xf32> to vector<16xf32>
      %parallel_loop3A_436 = vector.shape_cast %parallel_loop3A_431 : vector<16xf32> to vector<1x16xf32>
      tpu.vector_store %arg6[%parallel_loop3A_432, %parallel_loop3A_433], %parallel_loop3A_436 {strides = array<i32>} : memref<256x128xf32, #tpu.memory_space<vmem>>, vector<1x16xf32>,
      %parallel_loop3A_437 = arith.index_cast %parallel_loop3A_376 : i32 to index
      %parallel_loop3A_438 = arith.constant 80 : index
      %parallel_loop3A_439 = tpu.vector_load %arg6[%parallel_loop3A_437, %parallel_loop3A_438] {strides = array<i32>} : memref<256x128xf32, #tpu.memory_space<vmem>>, vector<1x16xf32>,
      %parallel_loop3A_440 = vector.shape_cast %parallel_loop3A_439 : vector<1x16xf32> to vector<16xf32>
      %parallel_loop3A_441 = arith.constant 11.3137083 : f32
      %parallel_loop3A_442 = vector.broadcast %parallel_loop3A_441 : f32 to vector<16xf32>
      %parallel_loop3A_443 = arith.mulf %parallel_loop3A_440, %parallel_loop3A_442 : vector<16xf32>
      %parallel_loop3A_444 = arith.index_cast %parallel_loop3A_376 : i32 to index
      %parallel_loop3A_445 = arith.constant 80 : index
      %parallel_loop3A_446 = tpu.vector_load %arg6[%parallel_loop3A_444, %parallel_loop3A_445] {strides = array<i32>} : memref<256x128xf32, #tpu.memory_space<vmem>>, vector<1x16xf32>,
      %parallel_loop3A_447 = vector.shape_cast %parallel_loop3A_446 : vector<1x16xf32> to vector<16xf32>
      %parallel_loop3A_448 = vector.shape_cast %parallel_loop3A_443 : vector<16xf32> to vector<1x16xf32>
      tpu.vector_store %arg6[%parallel_loop3A_444, %parallel_loop3A_445], %parallel_loop3A_448 {strides = array<i32>} : memref<256x128xf32, #tpu.memory_space<vmem>>, vector<1x16xf32>,
      %parallel_loop3A_449 = arith.index_cast %parallel_loop3A_376 : i32 to index
      %parallel_loop3A_450 = arith.constant 96 : index
      %parallel_loop3A_451 = tpu.vector_load %arg6[%parallel_loop3A_449, %parallel_loop3A_450] {strides = array<i32>} : memref<256x128xf32, #tpu.memory_space<vmem>>, vector<1x16xf32>,
      %parallel_loop3A_452 = vector.shape_cast %parallel_loop3A_451 : vector<1x16xf32> to vector<16xf32>
      %parallel_loop3A_453 = arith.constant 11.3137083 : f32
      %parallel_loop3A_454 = vector.broadcast %parallel_loop3A_453 : f32 to vector<16xf32>
      %parallel_loop3A_455 = arith.mulf %parallel_loop3A_452, %parallel_loop3A_454 : vector<16xf32>
      %parallel_loop3A_456 = arith.index_cast %parallel_loop3A_376 : i32 to index
      %parallel_loop3A_457 = arith.constant 96 : index
      %parallel_loop3A_458 = tpu.vector_load %arg6[%parallel_loop3A_456, %parallel_loop3A_457] {strides = array<i32>} : memref<256x128xf32, #tpu.memory_space<vmem>>, vector<1x16xf32>,
      %parallel_loop3A_459 = vector.shape_cast %parallel_loop3A_458 : vector<1x16xf32> to vector<16xf32>
      %parallel_loop3A_460 = vector.shape_cast %parallel_loop3A_455 : vector<16xf32> to vector<1x16xf32>
      tpu.vector_store %arg6[%parallel_loop3A_456, %parallel_loop3A_457], %parallel_loop3A_460 {strides = array<i32>} : memref<256x128xf32, #tpu.memory_space<vmem>>, vector<1x16xf32>,
      %parallel_loop3A_461 = arith.index_cast %parallel_loop3A_376 : i32 to index
      %parallel_loop3A_462 = arith.constant 112 : index
      %parallel_loop3A_463 = tpu.vector_load %arg6[%parallel_loop3A_461, %parallel_loop3A_462] {strides = array<i32>} : memref<256x128xf32, #tpu.memory_space<vmem>>, vector<1x16xf32>,
      %parallel_loop3A_464 = vector.shape_cast %parallel_loop3A_463 : vector<1x16xf32> to vector<16xf32>
      %parallel_loop3A_465 = arith.constant 11.3137083 : f32
      %parallel_loop3A_466 = vector.broadcast %parallel_loop3A_465 : f32 to vector<16xf32>
      %parallel_loop3A_467 = arith.mulf %parallel_loop3A_464, %parallel_loop3A_466 : vector<16xf32>
      %parallel_loop3A_468 = arith.index_cast %parallel_loop3A_376 : i32 to index
      %parallel_loop3A_469 = arith.constant 112 : index
      %parallel_loop3A_470 = tpu.vector_load %arg6[%parallel_loop3A_468, %parallel_loop3A_469] {strides = array<i32>} : memref<256x128xf32, #tpu.memory_space<vmem>>, vector<1x16xf32>,
      %parallel_loop3A_471 = vector.shape_cast %parallel_loop3A_470 : vector<1x16xf32> to vector<16xf32>
      %parallel_loop3A_472 = vector.shape_cast %parallel_loop3A_467 : vector<16xf32> to vector<1x16xf32>
      tpu.vector_store %arg6[%parallel_loop3A_468, %parallel_loop3A_469], %parallel_loop3A_472 {strides = array<i32>} : memref<256x128xf32, #tpu.memory_space<vmem>>, vector<1x16xf32>,
    } {sc.loop_unroll_factor = 4 : i64, sc.parallel_access}
    %add3A_63 = arith.constant 0 : i32
    %add3A_64 = arith.addi %mul3A_2, %add3A_63 : i32
    %dma_start3A_65 = arith.constant 0 : i32
    %dma_start3A_66 = tpu.memref_slice %arg4[%add3A_64, %dma_start3A_65] : memref<819200x128xf32, #tpu.memory_space<hbm>> -> memref<256x128xf32, #tpu.memory_space<hbm>>
    %dma_start3A_67 = arith.constant 0 : i32
    %dma_start3A_68 = tpu.memref_slice %arg4[%add3A_64, %dma_start3A_67] : memref<819200x128xf32, #tpu.memory_space<hbm>> -> memref<256x128xf32, #tpu.memory_space<hbm>>
    tpu.enqueue_dma source(%arg6 : memref<256x128xf32, #tpu.memory_space<vmem>>) target(%dma_start3A_68 : memref<256x128xf32, #tpu.memory_space<hbm>>) target_semaphore(%arg10 : memref<!tpu.dma_semaphore, #tpu.memory_space<semaphore_mem>>)
    %dma_start3A_69 = arith.constant 4 : i32
    %dma_start3A_70 = arith.constant 0 : i32
    %dma_start3A_71 = arith.constant 0 : i32
    %dma_start3A_72 = tpu.memref_slice %arg8[%dma_start3A_70, %dma_start3A_71] : memref<256x128xf32, #tpu.memory_space<vmem>> -> memref<128x128xf32, #tpu.memory_space<vmem>>
    %dma_start3A_73 = arith.constant 0 : i32
    %dma_start3A_74 = tpu.memref_slice %arg5[%dma_start3A_69, %dma_start3A_73] : memref<200x128xi32, #tpu.memory_space<vmem>> -> memref<1x128xi32, #tpu.memory_space<vmem>>
    %dma_start3A_75 = tpu.memref_squeeze %dma_start3A_74 : memref<1x128xi32, #tpu.memory_space<vmem>> -> memref<128xi32, #tpu.memory_space<vmem>>
    %dma_start3A_76 = arith.constant 0 : i32
    %dma_start3A_77 = arith.constant 0 : i32
    %dma_start3A_78 = tpu.memref_slice %arg2[%dma_start3A_76, %dma_start3A_77] : memref<1000000x128xf32, #tpu.memory_space<hbm>> -> memref<1000000x128xf32, #tpu.memory_space<hbm>>
    tpu.enqueue_indirect_dma source(%dma_start3A_78 : memref<1000000x128xf32, #tpu.memory_space<hbm>>) target(%dma_start3A_72 : memref<128x128xf32, #tpu.memory_space<vmem>>) offsets(%dma_start3A_75 : memref<128xi32, #tpu.memory_space<vmem>>) semaphore(%arg9 : memref<!tpu.dma_semaphore, #tpu.memory_space<semaphore_mem>>)
    %dma_start3A_79 = arith.constant 5 : i32
    %dma_start3A_80 = arith.constant 128 : i32
    %dma_start3A_81 = arith.constant 0 : i32
    %dma_start3A_82 = tpu.memref_slice %arg8[%dma_start3A_80, %dma_start3A_81] : memref<256x128xf32, #tpu.memory_space<vmem>> -> memref<128x128xf32, #tpu.memory_space<vmem>>
    %dma_start3A_83 = arith.constant 0 : i32
    %dma_start3A_84 = tpu.memref_slice %arg5[%dma_start3A_79, %dma_start3A_83] : memref<200x128xi32, #tpu.memory_space<vmem>> -> memref<1x128xi32, #tpu.memory_space<vmem>>
    %dma_start3A_85 = tpu.memref_squeeze %dma_start3A_84 : memref<1x128xi32, #tpu.memory_space<vmem>> -> memref<128xi32, #tpu.memory_space<vmem>>
    %dma_start3A_86 = arith.constant 0 : i32
    %dma_start3A_87 = arith.constant 0 : i32
    %dma_start3A_88 = tpu.memref_slice %arg2[%dma_start3A_86, %dma_start3A_87] : memref<1000000x128xf32, #tpu.memory_space<hbm>> -> memref<1000000x128xf32, #tpu.memory_space<hbm>>
    tpu.enqueue_indirect_dma source(%dma_start3A_88 : memref<1000000x128xf32, #tpu.memory_space<hbm>>) target(%dma_start3A_82 : memref<128x128xf32, #tpu.memory_space<vmem>>) offsets(%dma_start3A_85 : memref<128xi32, #tpu.memory_space<vmem>>) semaphore(%arg9 : memref<!tpu.dma_semaphore, #tpu.memory_space<semaphore_mem>>)
    %dma_wait3A_89 = arith.constant 0 : i32
    %dma_wait3A_90 = arith.constant 0 : i32
    %dma_wait3A_91 = arith.constant 0 : i32
    %dma_wait3A_92 = tpu.memref_slice %arg7[%dma_wait3A_90, %dma_wait3A_91] : memref<256x128xf32, #tpu.memory_space<vmem>> -> memref<128x128xf32, #tpu.memory_space<vmem>>
    %dma_wait3A_93 = arith.constant 0 : i32
    %dma_wait3A_94 = tpu.memref_slice %arg5[%dma_wait3A_89, %dma_wait3A_93] : memref<200x128xi32, #tpu.memory_space<vmem>> -> memref<1x128xi32, #tpu.memory_space<vmem>>
    %dma_wait3A_95 = tpu.memref_squeeze %dma_wait3A_94 : memref<1x128xi32, #tpu.memory_space<vmem>> -> memref<128xi32, #tpu.memory_space<vmem>>
    %dma_wait3A_96 = arith.constant 0 : i32
    %dma_wait3A_97 = arith.constant 0 : i32
    %dma_wait3A_98 = tpu.memref_slice %arg2[%dma_wait3A_96, %dma_wait3A_97] : memref<1000000x128xf32, #tpu.memory_space<hbm>> -> memref<1000000x128xf32, #tpu.memory_space<hbm>>
    tpu.wait_indirect_dma semaphore(%arg9 : memref<!tpu.dma_semaphore, #tpu.memory_space<semaphore_mem>>) src(%dma_wait3A_98 : memref<1000000x128xf32, #tpu.memory_space<hbm>>) dst(%dma_wait3A_92 : memref<128x128xf32, #tpu.memory_space<vmem>>)
    %dma_wait3A_99 = arith.constant 0 : i32
    %dma_wait3A_100 = arith.constant 0 : i32
    %dma_wait3A_101 = arith.constant 0 : i32
    %dma_wait3A_102 = tpu.memref_slice %arg7[%dma_wait3A_100, %dma_wait3A_101] : memref<256x128xf32, #tpu.memory_space<vmem>> -> memref<128x128xf32, #tpu.memory_space<vmem>>
    %dma_wait3A_103 = arith.constant 0 : i32
    %dma_wait3A_104 = tpu.memref_slice %arg5[%dma_wait3A_99, %dma_wait3A_103] : memref<200x128xi32, #tpu.memory_space<vmem>> -> memref<1x128xi32, #tpu.memory_space<vmem>>
    %dma_wait3A_105 = tpu.memref_squeeze %dma_wait3A_104 : memref<1x128xi32, #tpu.memory_space<vmem>> -> memref<128xi32, #tpu.memory_space<vmem>>
    %dma_wait3A_106 = arith.constant 0 : i32
    %dma_wait3A_107 = arith.constant 0 : i32
    %dma_wait3A_108 = tpu.memref_slice %arg2[%dma_wait3A_106, %dma_wait3A_107] : memref<1000000x128xf32, #tpu.memory_space<hbm>> -> memref<1000000x128xf32, #tpu.memory_space<hbm>>
    tpu.wait_indirect_dma semaphore(%arg9 : memref<!tpu.dma_semaphore, #tpu.memory_space<semaphore_mem>>) src(%dma_wait3A_108 : memref<1000000x128xf32, #tpu.memory_space<hbm>>) dst(%dma_wait3A_102 : memref<128x128xf32, #tpu.memory_space<vmem>>)
    %parallel_loop3A_109 = arith.constant 0 : i32
    %parallel_loop3A_110 = arith.constant 256 : i32
    %parallel_loop3A_111 = arith.constant 1 : i32
    scf.for %parallel_loop3A_376 = %parallel_loop3A_109 to %parallel_loop3A_110 step %parallel_loop3A_111  : i32 {
      %parallel_loop3A_377 = arith.index_cast %parallel_loop3A_376 : i32 to index
      %parallel_loop3A_378 = arith.constant 0 : index
      %parallel_loop3A_379 = tpu.vector_load %arg7[%parallel_loop3A_377, %parallel_loop3A_378] {strides = array<i32>} : memref<256x128xf32, #tpu.memory_space<vmem>>, vector<1x16xf32>,
      %parallel_loop3A_380 = vector.shape_cast %parallel_loop3A_379 : vector<1x16xf32> to vector<16xf32>
      %parallel_loop3A_381 = arith.constant 11.3137083 : f32
      %parallel_loop3A_382 = vector.broadcast %parallel_loop3A_381 : f32 to vector<16xf32>
      %parallel_loop3A_383 = arith.mulf %parallel_loop3A_380, %parallel_loop3A_382 : vector<16xf32>
      %parallel_loop3A_384 = arith.index_cast %parallel_loop3A_376 : i32 to index
      %parallel_loop3A_385 = arith.constant 0 : index
      %parallel_loop3A_386 = tpu.vector_load %arg7[%parallel_loop3A_384, %parallel_loop3A_385] {strides = array<i32>} : memref<256x128xf32, #tpu.memory_space<vmem>>, vector<1x16xf32>,
      %parallel_loop3A_387 = vector.shape_cast %parallel_loop3A_386 : vector<1x16xf32> to vector<16xf32>
      %parallel_loop3A_388 = vector.shape_cast %parallel_loop3A_383 : vector<16xf32> to vector<1x16xf32>
      tpu.vector_store %arg7[%parallel_loop3A_384, %parallel_loop3A_385], %parallel_loop3A_388 {strides = array<i32>} : memref<256x128xf32, #tpu.memory_space<vmem>>, vector<1x16xf32>,
      %parallel_loop3A_389 = arith.index_cast %parallel_loop3A_376 : i32 to index
      %parallel_loop3A_390 = arith.constant 16 : index
      %parallel_loop3A_391 = tpu.vector_load %arg7[%parallel_loop3A_389, %parallel_loop3A_390] {strides = array<i32>} : memref<256x128xf32, #tpu.memory_space<vmem>>, vector<1x16xf32>,
      %parallel_loop3A_392 = vector.shape_cast %parallel_loop3A_391 : vector<1x16xf32> to vector<16xf32>
      %parallel_loop3A_393 = arith.constant 11.3137083 : f32
      %parallel_loop3A_394 = vector.broadcast %parallel_loop3A_393 : f32 to vector<16xf32>
      %parallel_loop3A_395 = arith.mulf %parallel_loop3A_392, %parallel_loop3A_394 : vector<16xf32>
      %parallel_loop3A_396 = arith.index_cast %parallel_loop3A_376 : i32 to index
      %parallel_loop3A_397 = arith.constant 16 : index
      %parallel_loop3A_398 = tpu.vector_load %arg7[%parallel_loop3A_396, %parallel_loop3A_397] {strides = array<i32>} : memref<256x128xf32, #tpu.memory_space<vmem>>, vector<1x16xf32>,
      %parallel_loop3A_399 = vector.shape_cast %parallel_loop3A_398 : vector<1x16xf32> to vector<16xf32>
      %parallel_loop3A_400 = vector.shape_cast %parallel_loop3A_395 : vector<16xf32> to vector<1x16xf32>
      tpu.vector_store %arg7[%parallel_loop3A_396, %parallel_loop3A_397], %parallel_loop3A_400 {strides = array<i32>} : memref<256x128xf32, #tpu.memory_space<vmem>>, vector<1x16xf32>,
      %parallel_loop3A_401 = arith.index_cast %parallel_loop3A_376 : i32 to index
      %parallel_loop3A_402 = arith.constant 32 : index
      %parallel_loop3A_403 = tpu.vector_load %arg7[%parallel_loop3A_401, %parallel_loop3A_402] {strides = array<i32>} : memref<256x128xf32, #tpu.memory_space<vmem>>, vector<1x16xf32>,
      %parallel_loop3A_404 = vector.shape_cast %parallel_loop3A_403 : vector<1x16xf32> to vector<16xf32>
      %parallel_loop3A_405 = arith.constant 11.3137083 : f32
      %parallel_loop3A_406 = vector.broadcast %parallel_loop3A_405 : f32 to vector<16xf32>
      %parallel_loop3A_407 = arith.mulf %parallel_loop3A_404, %parallel_loop3A_406 : vector<16xf32>
      %parallel_loop3A_408 = arith.index_cast %parallel_loop3A_376 : i32 to index
      %parallel_loop3A_409 = arith.constant 32 : index
      %parallel_loop3A_410 = tpu.vector_load %arg7[%parallel_loop3A_408, %parallel_loop3A_409] {strides = array<i32>} : memref<256x128xf32, #tpu.memory_space<vmem>>, vector<1x16xf32>,
      %parallel_loop3A_411 = vector.shape_cast %parallel_loop3A_410 : vector<1x16xf32> to vector<16xf32>
      %parallel_loop3A_412 = vector.shape_cast %parallel_loop3A_407 : vector<16xf32> to vector<1x16xf32>
      tpu.vector_store %arg7[%parallel_loop3A_408, %parallel_loop3A_409], %parallel_loop3A_412 {strides = array<i32>} : memref<256x128xf32, #tpu.memory_space<vmem>>, vector<1x16xf32>,
      %parallel_loop3A_413 = arith.index_cast %parallel_loop3A_376 : i32 to index
      %parallel_loop3A_414 = arith.constant 48 : index
      %parallel_loop3A_415 = tpu.vector_load %arg7[%parallel_loop3A_413, %parallel_loop3A_414] {strides = array<i32>} : memref<256x128xf32, #tpu.memory_space<vmem>>, vector<1x16xf32>,
      %parallel_loop3A_416 = vector.shape_cast %parallel_loop3A_415 : vector<1x16xf32> to vector<16xf32>
      %parallel_loop3A_417 = arith.constant 11.3137083 : f32
      %parallel_loop3A_418 = vector.broadcast %parallel_loop3A_417 : f32 to vector<16xf32>
      %parallel_loop3A_419 = arith.mulf %parallel_loop3A_416, %parallel_loop3A_418 : vector<16xf32>
      %parallel_loop3A_420 = arith.index_cast %parallel_loop3A_376 : i32 to index
      %parallel_loop3A_421 = arith.constant 48 : index
      %parallel_loop3A_422 = tpu.vector_load %arg7[%parallel_loop3A_420, %parallel_loop3A_421] {strides = array<i32>} : memref<256x128xf32, #tpu.memory_space<vmem>>, vector<1x16xf32>,
      %parallel_loop3A_423 = vector.shape_cast %parallel_loop3A_422 : vector<1x16xf32> to vector<16xf32>
      %parallel_loop3A_424 = vector.shape_cast %parallel_loop3A_419 : vector<16xf32> to vector<1x16xf32>
      tpu.vector_store %arg7[%parallel_loop3A_420, %parallel_loop3A_421], %parallel_loop3A_424 {strides = array<i32>} : memref<256x128xf32, #tpu.memory_space<vmem>>, vector<1x16xf32>,
      %parallel_loop3A_425 = arith.index_cast %parallel_loop3A_376 : i32 to index
      %parallel_loop3A_426 = arith.constant 64 : index
      %parallel_loop3A_427 = tpu.vector_load %arg7[%parallel_loop3A_425, %parallel_loop3A_426] {strides = array<i32>} : memref<256x128xf32, #tpu.memory_space<vmem>>, vector<1x16xf32>,
      %parallel_loop3A_428 = vector.shape_cast %parallel_loop3A_427 : vector<1x16xf32> to vector<16xf32>
      %parallel_loop3A_429 = arith.constant 11.3137083 : f32
      %parallel_loop3A_430 = vector.broadcast %parallel_loop3A_429 : f32 to vector<16xf32>
      %parallel_loop3A_431 = arith.mulf %parallel_loop3A_428, %parallel_loop3A_430 : vector<16xf32>
      %parallel_loop3A_432 = arith.index_cast %parallel_loop3A_376 : i32 to index
      %parallel_loop3A_433 = arith.constant 64 : index
      %parallel_loop3A_434 = tpu.vector_load %arg7[%parallel_loop3A_432, %parallel_loop3A_433] {strides = array<i32>} : memref<256x128xf32, #tpu.memory_space<vmem>>, vector<1x16xf32>,
      %parallel_loop3A_435 = vector.shape_cast %parallel_loop3A_434 : vector<1x16xf32> to vector<16xf32>
      %parallel_loop3A_436 = vector.shape_cast %parallel_loop3A_431 : vector<16xf32> to vector<1x16xf32>
      tpu.vector_store %arg7[%parallel_loop3A_432, %parallel_loop3A_433], %parallel_loop3A_436 {strides = array<i32>} : memref<256x128xf32, #tpu.memory_space<vmem>>, vector<1x16xf32>,
      %parallel_loop3A_437 = arith.index_cast %parallel_loop3A_376 : i32 to index
      %parallel_loop3A_438 = arith.constant 80 : index
      %parallel_loop3A_439 = tpu.vector_load %arg7[%parallel_loop3A_437, %parallel_loop3A_438] {strides = array<i32>} : memref<256x128xf32, #tpu.memory_space<vmem>>, vector<1x16xf32>,
      %parallel_loop3A_440 = vector.shape_cast %parallel_loop3A_439 : vector<1x16xf32> to vector<16xf32>
      %parallel_loop3A_441 = arith.constant 11.3137083 : f32
      %parallel_loop3A_442 = vector.broadcast %parallel_loop3A_441 : f32 to vector<16xf32>
      %parallel_loop3A_443 = arith.mulf %parallel_loop3A_440, %parallel_loop3A_442 : vector<16xf32>
      %parallel_loop3A_444 = arith.index_cast %parallel_loop3A_376 : i32 to index
      %parallel_loop3A_445 = arith.constant 80 : index
      %parallel_loop3A_446 = tpu.vector_load %arg7[%parallel_loop3A_444, %parallel_loop3A_445] {strides = array<i32>} : memref<256x128xf32, #tpu.memory_space<vmem>>, vector<1x16xf32>,
      %parallel_loop3A_447 = vector.shape_cast %parallel_loop3A_446 : vector<1x16xf32> to vector<16xf32>
      %parallel_loop3A_448 = vector.shape_cast %parallel_loop3A_443 : vector<16xf32> to vector<1x16xf32>
      tpu.vector_store %arg7[%parallel_loop3A_444, %parallel_loop3A_445], %parallel_loop3A_448 {strides = array<i32>} : memref<256x128xf32, #tpu.memory_space<vmem>>, vector<1x16xf32>,
      %parallel_loop3A_449 = arith.index_cast %parallel_loop3A_376 : i32 to index
      %parallel_loop3A_450 = arith.constant 96 : index
      %parallel_loop3A_451 = tpu.vector_load %arg7[%parallel_loop3A_449, %parallel_loop3A_450] {strides = array<i32>} : memref<256x128xf32, #tpu.memory_space<vmem>>, vector<1x16xf32>,
      %parallel_loop3A_452 = vector.shape_cast %parallel_loop3A_451 : vector<1x16xf32> to vector<16xf32>
      %parallel_loop3A_453 = arith.constant 11.3137083 : f32
      %parallel_loop3A_454 = vector.broadcast %parallel_loop3A_453 : f32 to vector<16xf32>
      %parallel_loop3A_455 = arith.mulf %parallel_loop3A_452, %parallel_loop3A_454 : vector<16xf32>
      %parallel_loop3A_456 = arith.index_cast %parallel_loop3A_376 : i32 to index
      %parallel_loop3A_457 = arith.constant 96 : index
      %parallel_loop3A_458 = tpu.vector_load %arg7[%parallel_loop3A_456, %parallel_loop3A_457] {strides = array<i32>} : memref<256x128xf32, #tpu.memory_space<vmem>>, vector<1x16xf32>,
      %parallel_loop3A_459 = vector.shape_cast %parallel_loop3A_458 : vector<1x16xf32> to vector<16xf32>
      %parallel_loop3A_460 = vector.shape_cast %parallel_loop3A_455 : vector<16xf32> to vector<1x16xf32>
      tpu.vector_store %arg7[%parallel_loop3A_456, %parallel_loop3A_457], %parallel_loop3A_460 {strides = array<i32>} : memref<256x128xf32, #tpu.memory_space<vmem>>, vector<1x16xf32>,
      %parallel_loop3A_461 = arith.index_cast %parallel_loop3A_376 : i32 to index
      %parallel_loop3A_462 = arith.constant 112 : index
      %parallel_loop3A_463 = tpu.vector_load %arg7[%parallel_loop3A_461, %parallel_loop3A_462] {strides = array<i32>} : memref<256x128xf32, #tpu.memory_space<vmem>>, vector<1x16xf32>,
      %parallel_loop3A_464 = vector.shape_cast %parallel_loop3A_463 : vector<1x16xf32> to vector<16xf32>
      %parallel_loop3A_465 = arith.constant 11.3137083 : f32
      %parallel_loop3A_466 = vector.broadcast %parallel_loop3A_465 : f32 to vector<16xf32>
      %parallel_loop3A_467 = arith.mulf %parallel_loop3A_464, %parallel_loop3A_466 : vector<16xf32>
      %parallel_loop3A_468 = arith.index_cast %parallel_loop3A_376 : i32 to index
      %parallel_loop3A_469 = arith.constant 112 : index
      %parallel_loop3A_470 = tpu.vector_load %arg7[%parallel_loop3A_468, %parallel_loop3A_469] {strides = array<i32>} : memref<256x128xf32, #tpu.memory_space<vmem>>, vector<1x16xf32>,
      %parallel_loop3A_471 = vector.shape_cast %parallel_loop3A_470 : vector<1x16xf32> to vector<16xf32>
      %parallel_loop3A_472 = vector.shape_cast %parallel_loop3A_467 : vector<16xf32> to vector<1x16xf32>
      tpu.vector_store %arg7[%parallel_loop3A_468, %parallel_loop3A_469], %parallel_loop3A_472 {strides = array<i32>} : memref<256x128xf32, #tpu.memory_space<vmem>>, vector<1x16xf32>,
    } {sc.loop_unroll_factor = 4 : i64, sc.parallel_access}
    %add3A_112 = arith.constant 256 : i32
    %add3A_113 = arith.addi %mul3A_2, %add3A_112 : i32
    %dma_start3A_114 = arith.constant 0 : i32
    %dma_start3A_115 = tpu.memref_slice %arg4[%add3A_113, %dma_start3A_114] : memref<819200x128xf32, #tpu.memory_space<hbm>> -> memref<256x128xf32, #tpu.memory_space<hbm>>
    %dma_start3A_116 = arith.constant 0 : i32
    %dma_start3A_117 = tpu.memref_slice %arg4[%add3A_113, %dma_start3A_116] : memref<819200x128xf32, #tpu.memory_space<hbm>> -> memref<256x128xf32, #tpu.memory_space<hbm>>
    tpu.enqueue_dma source(%arg7 : memref<256x128xf32, #tpu.memory_space<vmem>>) target(%dma_start3A_117 : memref<256x128xf32, #tpu.memory_space<hbm>>) target_semaphore(%arg10 : memref<!tpu.dma_semaphore, #tpu.memory_space<semaphore_mem>>)
    %dma_wait3A_118 = arith.constant 0 : i32
    %dma_wait3A_119 = tpu.memref_slice %arg4[%mul3A_2, %dma_wait3A_118] : memref<819200x128xf32, #tpu.memory_space<hbm>> -> memref<256x128xf32, #tpu.memory_space<hbm>>
    %dma_wait3A_120 = arith.constant 0 : i32
    %dma_wait3A_121 = tpu.memref_slice %arg4[%mul3A_2, %dma_wait3A_120] : memref<819200x128xf32, #tpu.memory_space<hbm>> -> memref<256x128xf32, #tpu.memory_space<hbm>>
    tpu.wait_dma2 semaphore(%arg10 : memref<!tpu.dma_semaphore, #tpu.memory_space<semaphore_mem>>) src(%arg6 : memref<256x128xf32, #tpu.memory_space<vmem>>) dst(%dma_wait3A_121 : memref<256x128xf32, #tpu.memory_space<hbm>>)
    %dma_start3A_122 = arith.constant 6 : i32
    %dma_start3A_123 = arith.constant 0 : i32
    %dma_start3A_124 = arith.constant 0 : i32
    %dma_start3A_125 = tpu.memref_slice %arg6[%dma_start3A_123, %dma_start3A_124] : memref<256x128xf32, #tpu.memory_space<vmem>> -> memref<128x128xf32, #tpu.memory_space<vmem>>
    %dma_start3A_126 = arith.constant 0 : i32
    %dma_start3A_127 = tpu.memref_slice %arg5[%dma_start3A_122, %dma_start3A_126] : memref<200x128xi32, #tpu.memory_space<vmem>> -> memref<1x128xi32, #tpu.memory_space<vmem>>
    %dma_start3A_128 = tpu.memref_squeeze %dma_start3A_127 : memref<1x128xi32, #tpu.memory_space<vmem>> -> memref<128xi32, #tpu.memory_space<vmem>>
    %dma_start3A_129 = arith.constant 0 : i32
    %dma_start3A_130 = arith.constant 0 : i32
    %dma_start3A_131 = tpu.memref_slice %arg2[%dma_start3A_129, %dma_start3A_130] : memref<1000000x128xf32, #tpu.memory_space<hbm>> -> memref<1000000x128xf32, #tpu.memory_space<hbm>>
    tpu.enqueue_indirect_dma source(%dma_start3A_131 : memref<1000000x128xf32, #tpu.memory_space<hbm>>) target(%dma_start3A_125 : memref<128x128xf32, #tpu.memory_space<vmem>>) offsets(%dma_start3A_128 : memref<128xi32, #tpu.memory_space<vmem>>) semaphore(%arg9 : memref<!tpu.dma_semaphore, #tpu.memory_space<semaphore_mem>>)
    %dma_start3A_132 = arith.constant 7 : i32
    %dma_start3A_133 = arith.constant 128 : i32
    %dma_start3A_134 = arith.constant 0 : i32
    %dma_start3A_135 = tpu.memref_slice %arg6[%dma_start3A_133, %dma_start3A_134] : memref<256x128xf32, #tpu.memory_space<vmem>> -> memref<128x128xf32, #tpu.memory_space<vmem>>
    %dma_start3A_136 = arith.constant 0 : i32
    %dma_start3A_137 = tpu.memref_slice %arg5[%dma_start3A_132, %dma_start3A_136] : memref<200x128xi32, #tpu.memory_space<vmem>> -> memref<1x128xi32, #tpu.memory_space<vmem>>
    %dma_start3A_138 = tpu.memref_squeeze %dma_start3A_137 : memref<1x128xi32, #tpu.memory_space<vmem>> -> memref<128xi32, #tpu.memory_space<vmem>>
    %dma_start3A_139 = arith.constant 0 : i32
    %dma_start3A_140 = arith.constant 0 : i32
    %dma_start3A_141 = tpu.memref_slice %arg2[%dma_start3A_139, %dma_start3A_140] : memref<1000000x128xf32, #tpu.memory_space<hbm>> -> memref<1000000x128xf32, #tpu.memory_space<hbm>>
    tpu.enqueue_indirect_dma source(%dma_start3A_141 : memref<1000000x128xf32, #tpu.memory_space<hbm>>) target(%dma_start3A_135 : memref<128x128xf32, #tpu.memory_space<vmem>>) offsets(%dma_start3A_138 : memref<128xi32, #tpu.memory_space<vmem>>) semaphore(%arg9 : memref<!tpu.dma_semaphore, #tpu.memory_space<semaphore_mem>>)
    %dma_wait3A_142 = arith.constant 0 : i32
    %dma_wait3A_143 = arith.constant 0 : i32
    %dma_wait3A_144 = arith.constant 0 : i32
    %dma_wait3A_145 = tpu.memref_slice %arg8[%dma_wait3A_143, %dma_wait3A_144] : memref<256x128xf32, #tpu.memory_space<vmem>> -> memref<128x128xf32, #tpu.memory_space<vmem>>
    %dma_wait3A_146 = arith.constant 0 : i32
    %dma_wait3A_147 = tpu.memref_slice %arg5[%dma_wait3A_142, %dma_wait3A_146] : memref<200x128xi32, #tpu.memory_space<vmem>> -> memref<1x128xi32, #tpu.memory_space<vmem>>
    %dma_wait3A_148 = tpu.memref_squeeze %dma_wait3A_147 : memref<1x128xi32, #tpu.memory_space<vmem>> -> memref<128xi32, #tpu.memory_space<vmem>>
    %dma_wait3A_149 = arith.constant 0 : i32
    %dma_wait3A_150 = arith.constant 0 : i32
    %dma_wait3A_151 = tpu.memref_slice %arg2[%dma_wait3A_149, %dma_wait3A_150] : memref<1000000x128xf32, #tpu.memory_space<hbm>> -> memref<1000000x128xf32, #tpu.memory_space<hbm>>
    tpu.wait_indirect_dma semaphore(%arg9 : memref<!tpu.dma_semaphore, #tpu.memory_space<semaphore_mem>>) src(%dma_wait3A_151 : memref<1000000x128xf32, #tpu.memory_space<hbm>>) dst(%dma_wait3A_145 : memref<128x128xf32, #tpu.memory_space<vmem>>)
    %dma_wait3A_152 = arith.constant 0 : i32
    %dma_wait3A_153 = arith.constant 0 : i32
    %dma_wait3A_154 = arith.constant 0 : i32
    %dma_wait3A_155 = tpu.memref_slice %arg8[%dma_wait3A_153, %dma_wait3A_154] : memref<256x128xf32, #tpu.memory_space<vmem>> -> memref<128x128xf32, #tpu.memory_space<vmem>>
    %dma_wait3A_156 = arith.constant 0 : i32
    %dma_wait3A_157 = tpu.memref_slice %arg5[%dma_wait3A_152, %dma_wait3A_156] : memref<200x128xi32, #tpu.memory_space<vmem>> -> memref<1x128xi32, #tpu.memory_space<vmem>>
    %dma_wait3A_158 = tpu.memref_squeeze %dma_wait3A_157 : memref<1x128xi32, #tpu.memory_space<vmem>> -> memref<128xi32, #tpu.memory_space<vmem>>
    %dma_wait3A_159 = arith.constant 0 : i32
    %dma_wait3A_160 = arith.constant 0 : i32
    %dma_wait3A_161 = tpu.memref_slice %arg2[%dma_wait3A_159, %dma_wait3A_160] : memref<1000000x128xf32, #tpu.memory_space<hbm>> -> memref<1000000x128xf32, #tpu.memory_space<hbm>>
    tpu.wait_indirect_dma semaphore(%arg9 : memref<!tpu.dma_semaphore, #tpu.memory_space<semaphore_mem>>) src(%dma_wait3A_161 : memref<1000000x128xf32, #tpu.memory_space<hbm>>) dst(%dma_wait3A_155 : memref<128x128xf32, #tpu.memory_space<vmem>>)
    %parallel_loop3A_162 = arith.constant 0 : i32
    %parallel_loop3A_163 = arith.constant 256 : i32
    %parallel_loop3A_164 = arith.constant 1 : i32
    scf.for %parallel_loop3A_376 = %parallel_loop3A_162 to %parallel_loop3A_163 step %parallel_loop3A_164  : i32 {
      %parallel_loop3A_377 = arith.index_cast %parallel_loop3A_376 : i32 to index
      %parallel_loop3A_378 = arith.constant 0 : index
      %parallel_loop3A_379 = tpu.vector_load %arg8[%parallel_loop3A_377, %parallel_loop3A_378] {strides = array<i32>} : memref<256x128xf32, #tpu.memory_space<vmem>>, vector<1x16xf32>,
      %parallel_loop3A_380 = vector.shape_cast %parallel_loop3A_379 : vector<1x16xf32> to vector<16xf32>
      %parallel_loop3A_381 = arith.constant 11.3137083 : f32
      %parallel_loop3A_382 = vector.broadcast %parallel_loop3A_381 : f32 to vector<16xf32>
      %parallel_loop3A_383 = arith.mulf %parallel_loop3A_380, %parallel_loop3A_382 : vector<16xf32>
      %parallel_loop3A_384 = arith.index_cast %parallel_loop3A_376 : i32 to index
      %parallel_loop3A_385 = arith.constant 0 : index
      %parallel_loop3A_386 = tpu.vector_load %arg8[%parallel_loop3A_384, %parallel_loop3A_385] {strides = array<i32>} : memref<256x128xf32, #tpu.memory_space<vmem>>, vector<1x16xf32>,
      %parallel_loop3A_387 = vector.shape_cast %parallel_loop3A_386 : vector<1x16xf32> to vector<16xf32>
      %parallel_loop3A_388 = vector.shape_cast %parallel_loop3A_383 : vector<16xf32> to vector<1x16xf32>
      tpu.vector_store %arg8[%parallel_loop3A_384, %parallel_loop3A_385], %parallel_loop3A_388 {strides = array<i32>} : memref<256x128xf32, #tpu.memory_space<vmem>>, vector<1x16xf32>,
      %parallel_loop3A_389 = arith.index_cast %parallel_loop3A_376 : i32 to index
      %parallel_loop3A_390 = arith.constant 16 : index
      %parallel_loop3A_391 = tpu.vector_load %arg8[%parallel_loop3A_389, %parallel_loop3A_390] {strides = array<i32>} : memref<256x128xf32, #tpu.memory_space<vmem>>, vector<1x16xf32>,
      %parallel_loop3A_392 = vector.shape_cast %parallel_loop3A_391 : vector<1x16xf32> to vector<16xf32>
      %parallel_loop3A_393 = arith.constant 11.3137083 : f32
      %parallel_loop3A_394 = vector.broadcast %parallel_loop3A_393 : f32 to vector<16xf32>
      %parallel_loop3A_395 = arith.mulf %parallel_loop3A_392, %parallel_loop3A_394 : vector<16xf32>
      %parallel_loop3A_396 = arith.index_cast %parallel_loop3A_376 : i32 to index
      %parallel_loop3A_397 = arith.constant 16 : index
      %parallel_loop3A_398 = tpu.vector_load %arg8[%parallel_loop3A_396, %parallel_loop3A_397] {strides = array<i32>} : memref<256x128xf32, #tpu.memory_space<vmem>>, vector<1x16xf32>,
      %parallel_loop3A_399 = vector.shape_cast %parallel_loop3A_398 : vector<1x16xf32> to vector<16xf32>
      %parallel_loop3A_400 = vector.shape_cast %parallel_loop3A_395 : vector<16xf32> to vector<1x16xf32>
      tpu.vector_store %arg8[%parallel_loop3A_396, %parallel_loop3A_397], %parallel_loop3A_400 {strides = array<i32>} : memref<256x128xf32, #tpu.memory_space<vmem>>, vector<1x16xf32>,
      %parallel_loop3A_401 = arith.index_cast %parallel_loop3A_376 : i32 to index
      %parallel_loop3A_402 = arith.constant 32 : index
      %parallel_loop3A_403 = tpu.vector_load %arg8[%parallel_loop3A_401, %parallel_loop3A_402] {strides = array<i32>} : memref<256x128xf32, #tpu.memory_space<vmem>>, vector<1x16xf32>,
      %parallel_loop3A_404 = vector.shape_cast %parallel_loop3A_403 : vector<1x16xf32> to vector<16xf32>
      %parallel_loop3A_405 = arith.constant 11.3137083 : f32
      %parallel_loop3A_406 = vector.broadcast %parallel_loop3A_405 : f32 to vector<16xf32>
      %parallel_loop3A_407 = arith.mulf %parallel_loop3A_404, %parallel_loop3A_406 : vector<16xf32>
      %parallel_loop3A_408 = arith.index_cast %parallel_loop3A_376 : i32 to index
      %parallel_loop3A_409 = arith.constant 32 : index
      %parallel_loop3A_410 = tpu.vector_load %arg8[%parallel_loop3A_408, %parallel_loop3A_409] {strides = array<i32>} : memref<256x128xf32, #tpu.memory_space<vmem>>, vector<1x16xf32>,
      %parallel_loop3A_411 = vector.shape_cast %parallel_loop3A_410 : vector<1x16xf32> to vector<16xf32>
      %parallel_loop3A_412 = vector.shape_cast %parallel_loop3A_407 : vector<16xf32> to vector<1x16xf32>
      tpu.vector_store %arg8[%parallel_loop3A_408, %parallel_loop3A_409], %parallel_loop3A_412 {strides = array<i32>} : memref<256x128xf32, #tpu.memory_space<vmem>>, vector<1x16xf32>,
      %parallel_loop3A_413 = arith.index_cast %parallel_loop3A_376 : i32 to index
      %parallel_loop3A_414 = arith.constant 48 : index
      %parallel_loop3A_415 = tpu.vector_load %arg8[%parallel_loop3A_413, %parallel_loop3A_414] {strides = array<i32>} : memref<256x128xf32, #tpu.memory_space<vmem>>, vector<1x16xf32>,
      %parallel_loop3A_416 = vector.shape_cast %parallel_loop3A_415 : vector<1x16xf32> to vector<16xf32>
      %parallel_loop3A_417 = arith.constant 11.3137083 : f32
      %parallel_loop3A_418 = vector.broadcast %parallel_loop3A_417 : f32 to vector<16xf32>
      %parallel_loop3A_419 = arith.mulf %parallel_loop3A_416, %parallel_loop3A_418 : vector<16xf32>
      %parallel_loop3A_420 = arith.index_cast %parallel_loop3A_376 : i32 to index
      %parallel_loop3A_421 = arith.constant 48 : index
      %parallel_loop3A_422 = tpu.vector_load %arg8[%parallel_loop3A_420, %parallel_loop3A_421] {strides = array<i32>} : memref<256x128xf32, #tpu.memory_space<vmem>>, vector<1x16xf32>,
      %parallel_loop3A_423 = vector.shape_cast %parallel_loop3A_422 : vector<1x16xf32> to vector<16xf32>
      %parallel_loop3A_424 = vector.shape_cast %parallel_loop3A_419 : vector<16xf32> to vector<1x16xf32>
      tpu.vector_store %arg8[%parallel_loop3A_420, %parallel_loop3A_421], %parallel_loop3A_424 {strides = array<i32>} : memref<256x128xf32, #tpu.memory_space<vmem>>, vector<1x16xf32>,
      %parallel_loop3A_425 = arith.index_cast %parallel_loop3A_376 : i32 to index
      %parallel_loop3A_426 = arith.constant 64 : index
      %parallel_loop3A_427 = tpu.vector_load %arg8[%parallel_loop3A_425, %parallel_loop3A_426] {strides = array<i32>} : memref<256x128xf32, #tpu.memory_space<vmem>>, vector<1x16xf32>,
      %parallel_loop3A_428 = vector.shape_cast %parallel_loop3A_427 : vector<1x16xf32> to vector<16xf32>
      %parallel_loop3A_429 = arith.constant 11.3137083 : f32
      %parallel_loop3A_430 = vector.broadcast %parallel_loop3A_429 : f32 to vector<16xf32>
      %parallel_loop3A_431 = arith.mulf %parallel_loop3A_428, %parallel_loop3A_430 : vector<16xf32>
      %parallel_loop3A_432 = arith.index_cast %parallel_loop3A_376 : i32 to index
      %parallel_loop3A_433 = arith.constant 64 : index
      %parallel_loop3A_434 = tpu.vector_load %arg8[%parallel_loop3A_432, %parallel_loop3A_433] {strides = array<i32>} : memref<256x128xf32, #tpu.memory_space<vmem>>, vector<1x16xf32>,
      %parallel_loop3A_435 = vector.shape_cast %parallel_loop3A_434 : vector<1x16xf32> to vector<16xf32>
      %parallel_loop3A_436 = vector.shape_cast %parallel_loop3A_431 : vector<16xf32> to vector<1x16xf32>
      tpu.vector_store %arg8[%parallel_loop3A_432, %parallel_loop3A_433], %parallel_loop3A_436 {strides = array<i32>} : memref<256x128xf32, #tpu.memory_space<vmem>>, vector<1x16xf32>,
      %parallel_loop3A_437 = arith.index_cast %parallel_loop3A_376 : i32 to index
      %parallel_loop3A_438 = arith.constant 80 : index
      %parallel_loop3A_439 = tpu.vector_load %arg8[%parallel_loop3A_437, %parallel_loop3A_438] {strides = array<i32>} : memref<256x128xf32, #tpu.memory_space<vmem>>, vector<1x16xf32>,
      %parallel_loop3A_440 = vector.shape_cast %parallel_loop3A_439 : vector<1x16xf32> to vector<16xf32>
      %parallel_loop3A_441 = arith.constant 11.3137083 : f32
      %parallel_loop3A_442 = vector.broadcast %parallel_loop3A_441 : f32 to vector<16xf32>
      %parallel_loop3A_443 = arith.mulf %parallel_loop3A_440, %parallel_loop3A_442 : vector<16xf32>
      %parallel_loop3A_444 = arith.index_cast %parallel_loop3A_376 : i32 to index
      %parallel_loop3A_445 = arith.constant 80 : index
      %parallel_loop3A_446 = tpu.vector_load %arg8[%parallel_loop3A_444, %parallel_loop3A_445] {strides = array<i32>} : memref<256x128xf32, #tpu.memory_space<vmem>>, vector<1x16xf32>,
      %parallel_loop3A_447 = vector.shape_cast %parallel_loop3A_446 : vector<1x16xf32> to vector<16xf32>
      %parallel_loop3A_448 = vector.shape_cast %parallel_loop3A_443 : vector<16xf32> to vector<1x16xf32>
      tpu.vector_store %arg8[%parallel_loop3A_444, %parallel_loop3A_445], %parallel_loop3A_448 {strides = array<i32>} : memref<256x128xf32, #tpu.memory_space<vmem>>, vector<1x16xf32>,
      %parallel_loop3A_449 = arith.index_cast %parallel_loop3A_376 : i32 to index
      %parallel_loop3A_450 = arith.constant 96 : index
      %parallel_loop3A_451 = tpu.vector_load %arg8[%parallel_loop3A_449, %parallel_loop3A_450] {strides = array<i32>} : memref<256x128xf32, #tpu.memory_space<vmem>>, vector<1x16xf32>,
      %parallel_loop3A_452 = vector.shape_cast %parallel_loop3A_451 : vector<1x16xf32> to vector<16xf32>
      %parallel_loop3A_453 = arith.constant 11.3137083 : f32
      %parallel_loop3A_454 = vector.broadcast %parallel_loop3A_453 : f32 to vector<16xf32>
      %parallel_loop3A_455 = arith.mulf %parallel_loop3A_452, %parallel_loop3A_454 : vector<16xf32>
      %parallel_loop3A_456 = arith.index_cast %parallel_loop3A_376 : i32 to index
      %parallel_loop3A_457 = arith.constant 96 : index
      %parallel_loop3A_458 = tpu.vector_load %arg8[%parallel_loop3A_456, %parallel_loop3A_457] {strides = array<i32>} : memref<256x128xf32, #tpu.memory_space<vmem>>, vector<1x16xf32>,
      %parallel_loop3A_459 = vector.shape_cast %parallel_loop3A_458 : vector<1x16xf32> to vector<16xf32>
      %parallel_loop3A_460 = vector.shape_cast %parallel_loop3A_455 : vector<16xf32> to vector<1x16xf32>
      tpu.vector_store %arg8[%parallel_loop3A_456, %parallel_loop3A_457], %parallel_loop3A_460 {strides = array<i32>} : memref<256x128xf32, #tpu.memory_space<vmem>>, vector<1x16xf32>,
      %parallel_loop3A_461 = arith.index_cast %parallel_loop3A_376 : i32 to index
      %parallel_loop3A_462 = arith.constant 112 : index
      %parallel_loop3A_463 = tpu.vector_load %arg8[%parallel_loop3A_461, %parallel_loop3A_462] {strides = array<i32>} : memref<256x128xf32, #tpu.memory_space<vmem>>, vector<1x16xf32>,
      %parallel_loop3A_464 = vector.shape_cast %parallel_loop3A_463 : vector<1x16xf32> to vector<16xf32>
      %parallel_loop3A_465 = arith.constant 11.3137083 : f32
      %parallel_loop3A_466 = vector.broadcast %parallel_loop3A_465 : f32 to vector<16xf32>
      %parallel_loop3A_467 = arith.mulf %parallel_loop3A_464, %parallel_loop3A_466 : vector<16xf32>
      %parallel_loop3A_468 = arith.index_cast %parallel_loop3A_376 : i32 to index
      %parallel_loop3A_469 = arith.constant 112 : index
      %parallel_loop3A_470 = tpu.vector_load %arg8[%parallel_loop3A_468, %parallel_loop3A_469] {strides = array<i32>} : memref<256x128xf32, #tpu.memory_space<vmem>>, vector<1x16xf32>,
      %parallel_loop3A_471 = vector.shape_cast %parallel_loop3A_470 : vector<1x16xf32> to vector<16xf32>
      %parallel_loop3A_472 = vector.shape_cast %parallel_loop3A_467 : vector<16xf32> to vector<1x16xf32>
      tpu.vector_store %arg8[%parallel_loop3A_468, %parallel_loop3A_469], %parallel_loop3A_472 {strides = array<i32>} : memref<256x128xf32, #tpu.memory_space<vmem>>, vector<1x16xf32>,
    } {sc.loop_unroll_factor = 4 : i64, sc.parallel_access}
    %add3A_165 = arith.constant 512 : i32
    %add3A_166 = arith.addi %mul3A_2, %add3A_165 : i32
    %dma_start3A_167 = arith.constant 0 : i32
    %dma_start3A_168 = tpu.memref_slice %arg4[%add3A_166, %dma_start3A_167] : memref<819200x128xf32, #tpu.memory_space<hbm>> -> memref<256x128xf32, #tpu.memory_space<hbm>>
    %dma_start3A_169 = arith.constant 0 : i32
    %dma_start3A_170 = tpu.memref_slice %arg4[%add3A_166, %dma_start3A_169] : memref<819200x128xf32, #tpu.memory_space<hbm>> -> memref<256x128xf32, #tpu.memory_space<hbm>>
    tpu.enqueue_dma source(%arg8 : memref<256x128xf32, #tpu.memory_space<vmem>>) target(%dma_start3A_170 : memref<256x128xf32, #tpu.memory_space<hbm>>) target_semaphore(%arg10 : memref<!tpu.dma_semaphore, #tpu.memory_space<semaphore_mem>>)
    %dma_wait3A_171 = arith.constant 0 : i32
    %dma_wait3A_172 = tpu.memref_slice %arg4[%mul3A_2, %dma_wait3A_171] : memref<819200x128xf32, #tpu.memory_space<hbm>> -> memref<256x128xf32, #tpu.memory_space<hbm>>
    %dma_wait3A_173 = arith.constant 0 : i32
    %dma_wait3A_174 = tpu.memref_slice %arg4[%mul3A_2, %dma_wait3A_173] : memref<819200x128xf32, #tpu.memory_space<hbm>> -> memref<256x128xf32, #tpu.memory_space<hbm>>
    tpu.wait_dma2 semaphore(%arg10 : memref<!tpu.dma_semaphore, #tpu.memory_space<semaphore_mem>>) src(%arg6 : memref<256x128xf32, #tpu.memory_space<vmem>>) dst(%dma_wait3A_174 : memref<256x128xf32, #tpu.memory_space<hbm>>)
    %dma_start3A_175 = arith.constant 8 : i32
    %dma_start3A_176 = arith.constant 0 : i32
    %dma_start3A_177 = arith.constant 0 : i32
    %dma_start3A_178 = tpu.memref_slice %arg7[%dma_start3A_176, %dma_start3A_177] : memref<256x128xf32, #tpu.memory_space<vmem>> -> memref<128x128xf32, #tpu.memory_space<vmem>>
    %dma_start3A_179 = arith.constant 0 : i32
    %dma_start3A_180 = tpu.memref_slice %arg5[%dma_start3A_175, %dma_start3A_179] : memref<200x128xi32, #tpu.memory_space<vmem>> -> memref<1x128xi32, #tpu.memory_space<vmem>>
    %dma_start3A_181 = tpu.memref_squeeze %dma_start3A_180 : memref<1x128xi32, #tpu.memory_space<vmem>> -> memref<128xi32, #tpu.memory_space<vmem>>
    %dma_start3A_182 = arith.constant 0 : i32
    %dma_start3A_183 = arith.constant 0 : i32
    %dma_start3A_184 = tpu.memref_slice %arg2[%dma_start3A_182, %dma_start3A_183] : memref<1000000x128xf32, #tpu.memory_space<hbm>> -> memref<1000000x128xf32, #tpu.memory_space<hbm>>
    tpu.enqueue_indirect_dma source(%dma_start3A_184 : memref<1000000x128xf32, #tpu.memory_space<hbm>>) target(%dma_start3A_178 : memref<128x128xf32, #tpu.memory_space<vmem>>) offsets(%dma_start3A_181 : memref<128xi32, #tpu.memory_space<vmem>>) semaphore(%arg9 : memref<!tpu.dma_semaphore, #tpu.memory_space<semaphore_mem>>)
    %dma_start3A_185 = arith.constant 9 : i32
    %dma_start3A_186 = arith.constant 128 : i32
    %dma_start3A_187 = arith.constant 0 : i32
    %dma_start3A_188 = tpu.memref_slice %arg7[%dma_start3A_186, %dma_start3A_187] : memref<256x128xf32, #tpu.memory_space<vmem>> -> memref<128x128xf32, #tpu.memory_space<vmem>>
    %dma_start3A_189 = arith.constant 0 : i32
    %dma_start3A_190 = tpu.memref_slice %arg5[%dma_start3A_185, %dma_start3A_189] : memref<200x128xi32, #tpu.memory_space<vmem>> -> memref<1x128xi32, #tpu.memory_space<vmem>>
    %dma_start3A_191 = tpu.memref_squeeze %dma_start3A_190 : memref<1x128xi32, #tpu.memory_space<vmem>> -> memref<128xi32, #tpu.memory_space<vmem>>
    %dma_start3A_192 = arith.constant 0 : i32
    %dma_start3A_193 = arith.constant 0 : i32
    %dma_start3A_194 = tpu.memref_slice %arg2[%dma_start3A_192, %dma_start3A_193] : memref<1000000x128xf32, #tpu.memory_space<hbm>> -> memref<1000000x128xf32, #tpu.memory_space<hbm>>
    tpu.enqueue_indirect_dma source(%dma_start3A_194 : memref<1000000x128xf32, #tpu.memory_space<hbm>>) target(%dma_start3A_188 : memref<128x128xf32, #tpu.memory_space<vmem>>) offsets(%dma_start3A_191 : memref<128xi32, #tpu.memory_space<vmem>>) semaphore(%arg9 : memref<!tpu.dma_semaphore, #tpu.memory_space<semaphore_mem>>)
    %scan3A = arith.constant 0 : i32
    %scan3A_195 = arith.constant 1 : i32
    %scan3A_196 = arith.constant 31 : i32
    %scan3A_197 = arith.addi %scan3A_195, %scan3A_196 : i32
    %scan3A_198 = arith.constant 1 : i32
    scf.for %scan3A_376 = %scan3A_195 to %scan3A_197 step %scan3A_198  : i32 {
      %mul3A_377 = arith.constant 3 : i32
      %mul3A_378 = arith.muli %mul3A_377, %scan3A_376 : i32
      %add3A_379 = arith.constant 0 : i32
      %add3A_380 = arith.addi %mul3A_378, %add3A_379 : i32
      %dma_wait3A_381 = arith.constant 0 : i32
      %dma_wait3A_382 = arith.constant 0 : i32
      %dma_wait3A_383 = arith.constant 0 : i32
      %dma_wait3A_384 = tpu.memref_slice %arg6[%dma_wait3A_382, %dma_wait3A_383] : memref<256x128xf32, #tpu.memory_space<vmem>> -> memref<128x128xf32, #tpu.memory_space<vmem>>
      %dma_wait3A_385 = arith.constant 0 : i32
      %dma_wait3A_386 = tpu.memref_slice %arg5[%dma_wait3A_381, %dma_wait3A_385] : memref<200x128xi32, #tpu.memory_space<vmem>> -> memref<1x128xi32, #tpu.memory_space<vmem>>
      %dma_wait3A_387 = tpu.memref_squeeze %dma_wait3A_386 : memref<1x128xi32, #tpu.memory_space<vmem>> -> memref<128xi32, #tpu.memory_space<vmem>>
      %dma_wait3A_388 = arith.constant 0 : i32
      %dma_wait3A_389 = arith.constant 0 : i32
      %dma_wait3A_390 = tpu.memref_slice %arg2[%dma_wait3A_388, %dma_wait3A_389] : memref<1000000x128xf32, #tpu.memory_space<hbm>> -> memref<1000000x128xf32, #tpu.memory_space<hbm>>
      tpu.wait_indirect_dma semaphore(%arg9 : memref<!tpu.dma_semaphore, #tpu.memory_space<semaphore_mem>>) src(%dma_wait3A_390 : memref<1000000x128xf32, #tpu.memory_space<hbm>>) dst(%dma_wait3A_384 : memref<128x128xf32, #tpu.memory_space<vmem>>)
      %dma_wait3A_391 = arith.constant 0 : i32
      %dma_wait3A_392 = arith.constant 0 : i32
      %dma_wait3A_393 = arith.constant 0 : i32
      %dma_wait3A_394 = tpu.memref_slice %arg6[%dma_wait3A_392, %dma_wait3A_393] : memref<256x128xf32, #tpu.memory_space<vmem>> -> memref<128x128xf32, #tpu.memory_space<vmem>>
      %dma_wait3A_395 = arith.constant 0 : i32
      %dma_wait3A_396 = tpu.memref_slice %arg5[%dma_wait3A_391, %dma_wait3A_395] : memref<200x128xi32, #tpu.memory_space<vmem>> -> memref<1x128xi32, #tpu.memory_space<vmem>>
      %dma_wait3A_397 = tpu.memref_squeeze %dma_wait3A_396 : memref<1x128xi32, #tpu.memory_space<vmem>> -> memref<128xi32, #tpu.memory_space<vmem>>
      %dma_wait3A_398 = arith.constant 0 : i32
      %dma_wait3A_399 = arith.constant 0 : i32
      %dma_wait3A_400 = tpu.memref_slice %arg2[%dma_wait3A_398, %dma_wait3A_399] : memref<1000000x128xf32, #tpu.memory_space<hbm>> -> memref<1000000x128xf32, #tpu.memory_space<hbm>>
      tpu.wait_indirect_dma semaphore(%arg9 : memref<!tpu.dma_semaphore, #tpu.memory_space<semaphore_mem>>) src(%dma_wait3A_400 : memref<1000000x128xf32, #tpu.memory_space<hbm>>) dst(%dma_wait3A_394 : memref<128x128xf32, #tpu.memory_space<vmem>>)
      %parallel_loop3A_401 = arith.constant 0 : i32
      %parallel_loop3A_402 = arith.constant 256 : i32
      %parallel_loop3A_403 = arith.constant 1 : i32
      scf.for %parallel_loop3A_565 = %parallel_loop3A_401 to %parallel_loop3A_402 step %parallel_loop3A_403  : i32 {
        %parallel_loop3A_566 = arith.index_cast %parallel_loop3A_565 : i32 to index
        %parallel_loop3A_567 = arith.constant 0 : index
        %parallel_loop3A_568 = tpu.vector_load %arg6[%parallel_loop3A_566, %parallel_loop3A_567] {strides = array<i32>} : memref<256x128xf32, #tpu.memory_space<vmem>>, vector<1x16xf32>,
        %parallel_loop3A_569 = vector.shape_cast %parallel_loop3A_568 : vector<1x16xf32> to vector<16xf32>
        %parallel_loop3A_570 = arith.constant 11.3137083 : f32
        %parallel_loop3A_571 = vector.broadcast %parallel_loop3A_570 : f32 to vector<16xf32>
        %parallel_loop3A_572 = arith.mulf %parallel_loop3A_569, %parallel_loop3A_571 : vector<16xf32>
        %parallel_loop3A_573 = arith.index_cast %parallel_loop3A_565 : i32 to index
        %parallel_loop3A_574 = arith.constant 0 : index
        %parallel_loop3A_575 = tpu.vector_load %arg6[%parallel_loop3A_573, %parallel_loop3A_574] {strides = array<i32>} : memref<256x128xf32, #tpu.memory_space<vmem>>, vector<1x16xf32>,
        %parallel_loop3A_576 = vector.shape_cast %parallel_loop3A_575 : vector<1x16xf32> to vector<16xf32>
        %parallel_loop3A_577 = vector.shape_cast %parallel_loop3A_572 : vector<16xf32> to vector<1x16xf32>
        tpu.vector_store %arg6[%parallel_loop3A_573, %parallel_loop3A_574], %parallel_loop3A_577 {strides = array<i32>} : memref<256x128xf32, #tpu.memory_space<vmem>>, vector<1x16xf32>,
        %parallel_loop3A_578 = arith.index_cast %parallel_loop3A_565 : i32 to index
        %parallel_loop3A_579 = arith.constant 16 : index
        %parallel_loop3A_580 = tpu.vector_load %arg6[%parallel_loop3A_578, %parallel_loop3A_579] {strides = array<i32>} : memref<256x128xf32, #tpu.memory_space<vmem>>, vector<1x16xf32>,
        %parallel_loop3A_581 = vector.shape_cast %parallel_loop3A_580 : vector<1x16xf32> to vector<16xf32>
        %parallel_loop3A_582 = arith.constant 11.3137083 : f32
        %parallel_loop3A_583 = vector.broadcast %parallel_loop3A_582 : f32 to vector<16xf32>
        %parallel_loop3A_584 = arith.mulf %parallel_loop3A_581, %parallel_loop3A_583 : vector<16xf32>
        %parallel_loop3A_585 = arith.index_cast %parallel_loop3A_565 : i32 to index
        %parallel_loop3A_586 = arith.constant 16 : index
        %parallel_loop3A_587 = tpu.vector_load %arg6[%parallel_loop3A_585, %parallel_loop3A_586] {strides = array<i32>} : memref<256x128xf32, #tpu.memory_space<vmem>>, vector<1x16xf32>,
        %parallel_loop3A_588 = vector.shape_cast %parallel_loop3A_587 : vector<1x16xf32> to vector<16xf32>
        %parallel_loop3A_589 = vector.shape_cast %parallel_loop3A_584 : vector<16xf32> to vector<1x16xf32>
        tpu.vector_store %arg6[%parallel_loop3A_585, %parallel_loop3A_586], %parallel_loop3A_589 {strides = array<i32>} : memref<256x128xf32, #tpu.memory_space<vmem>>, vector<1x16xf32>,
        %parallel_loop3A_590 = arith.index_cast %parallel_loop3A_565 : i32 to index
        %parallel_loop3A_591 = arith.constant 32 : index
        %parallel_loop3A_592 = tpu.vector_load %arg6[%parallel_loop3A_590, %parallel_loop3A_591] {strides = array<i32>} : memref<256x128xf32, #tpu.memory_space<vmem>>, vector<1x16xf32>,
        %parallel_loop3A_593 = vector.shape_cast %parallel_loop3A_592 : vector<1x16xf32> to vector<16xf32>
        %parallel_loop3A_594 = arith.constant 11.3137083 : f32
        %parallel_loop3A_595 = vector.broadcast %parallel_loop3A_594 : f32 to vector<16xf32>
        %parallel_loop3A_596 = arith.mulf %parallel_loop3A_593, %parallel_loop3A_595 : vector<16xf32>
        %parallel_loop3A_597 = arith.index_cast %parallel_loop3A_565 : i32 to index
        %parallel_loop3A_598 = arith.constant 32 : index
        %parallel_loop3A_599 = tpu.vector_load %arg6[%parallel_loop3A_597, %parallel_loop3A_598] {strides = array<i32>} : memref<256x128xf32, #tpu.memory_space<vmem>>, vector<1x16xf32>,
        %parallel_loop3A_600 = vector.shape_cast %parallel_loop3A_599 : vector<1x16xf32> to vector<16xf32>
        %parallel_loop3A_601 = vector.shape_cast %parallel_loop3A_596 : vector<16xf32> to vector<1x16xf32>
        tpu.vector_store %arg6[%parallel_loop3A_597, %parallel_loop3A_598], %parallel_loop3A_601 {strides = array<i32>} : memref<256x128xf32, #tpu.memory_space<vmem>>, vector<1x16xf32>,
        %parallel_loop3A_602 = arith.index_cast %parallel_loop3A_565 : i32 to index
        %parallel_loop3A_603 = arith.constant 48 : index
        %parallel_loop3A_604 = tpu.vector_load %arg6[%parallel_loop3A_602, %parallel_loop3A_603] {strides = array<i32>} : memref<256x128xf32, #tpu.memory_space<vmem>>, vector<1x16xf32>,
        %parallel_loop3A_605 = vector.shape_cast %parallel_loop3A_604 : vector<1x16xf32> to vector<16xf32>
        %parallel_loop3A_606 = arith.constant 11.3137083 : f32
        %parallel_loop3A_607 = vector.broadcast %parallel_loop3A_606 : f32 to vector<16xf32>
        %parallel_loop3A_608 = arith.mulf %parallel_loop3A_605, %parallel_loop3A_607 : vector<16xf32>
        %parallel_loop3A_609 = arith.index_cast %parallel_loop3A_565 : i32 to index
        %parallel_loop3A_610 = arith.constant 48 : index
        %parallel_loop3A_611 = tpu.vector_load %arg6[%parallel_loop3A_609, %parallel_loop3A_610] {strides = array<i32>} : memref<256x128xf32, #tpu.memory_space<vmem>>, vector<1x16xf32>,
        %parallel_loop3A_612 = vector.shape_cast %parallel_loop3A_611 : vector<1x16xf32> to vector<16xf32>
        %parallel_loop3A_613 = vector.shape_cast %parallel_loop3A_608 : vector<16xf32> to vector<1x16xf32>
        tpu.vector_store %arg6[%parallel_loop3A_609, %parallel_loop3A_610], %parallel_loop3A_613 {strides = array<i32>} : memref<256x128xf32, #tpu.memory_space<vmem>>, vector<1x16xf32>,
        %parallel_loop3A_614 = arith.index_cast %parallel_loop3A_565 : i32 to index
        %parallel_loop3A_615 = arith.constant 64 : index
        %parallel_loop3A_616 = tpu.vector_load %arg6[%parallel_loop3A_614, %parallel_loop3A_615] {strides = array<i32>} : memref<256x128xf32, #tpu.memory_space<vmem>>, vector<1x16xf32>,
        %parallel_loop3A_617 = vector.shape_cast %parallel_loop3A_616 : vector<1x16xf32> to vector<16xf32>
        %parallel_loop3A_618 = arith.constant 11.3137083 : f32
        %parallel_loop3A_619 = vector.broadcast %parallel_loop3A_618 : f32 to vector<16xf32>
        %parallel_loop3A_620 = arith.mulf %parallel_loop3A_617, %parallel_loop3A_619 : vector<16xf32>
        %parallel_loop3A_621 = arith.index_cast %parallel_loop3A_565 : i32 to index
        %parallel_loop3A_622 = arith.constant 64 : index
        %parallel_loop3A_623 = tpu.vector_load %arg6[%parallel_loop3A_621, %parallel_loop3A_622] {strides = array<i32>} : memref<256x128xf32, #tpu.memory_space<vmem>>, vector<1x16xf32>,
        %parallel_loop3A_624 = vector.shape_cast %parallel_loop3A_623 : vector<1x16xf32> to vector<16xf32>
        %parallel_loop3A_625 = vector.shape_cast %parallel_loop3A_620 : vector<16xf32> to vector<1x16xf32>
        tpu.vector_store %arg6[%parallel_loop3A_621, %parallel_loop3A_622], %parallel_loop3A_625 {strides = array<i32>} : memref<256x128xf32, #tpu.memory_space<vmem>>, vector<1x16xf32>,
        %parallel_loop3A_626 = arith.index_cast %parallel_loop3A_565 : i32 to index
        %parallel_loop3A_627 = arith.constant 80 : index
        %parallel_loop3A_628 = tpu.vector_load %arg6[%parallel_loop3A_626, %parallel_loop3A_627] {strides = array<i32>} : memref<256x128xf32, #tpu.memory_space<vmem>>, vector<1x16xf32>,
        %parallel_loop3A_629 = vector.shape_cast %parallel_loop3A_628 : vector<1x16xf32> to vector<16xf32>
        %parallel_loop3A_630 = arith.constant 11.3137083 : f32
        %parallel_loop3A_631 = vector.broadcast %parallel_loop3A_630 : f32 to vector<16xf32>
        %parallel_loop3A_632 = arith.mulf %parallel_loop3A_629, %parallel_loop3A_631 : vector<16xf32>
        %parallel_loop3A_633 = arith.index_cast %parallel_loop3A_565 : i32 to index
        %parallel_loop3A_634 = arith.constant 80 : index
        %parallel_loop3A_635 = tpu.vector_load %arg6[%parallel_loop3A_633, %parallel_loop3A_634] {strides = array<i32>} : memref<256x128xf32, #tpu.memory_space<vmem>>, vector<1x16xf32>,
        %parallel_loop3A_636 = vector.shape_cast %parallel_loop3A_635 : vector<1x16xf32> to vector<16xf32>
        %parallel_loop3A_637 = vector.shape_cast %parallel_loop3A_632 : vector<16xf32> to vector<1x16xf32>
        tpu.vector_store %arg6[%parallel_loop3A_633, %parallel_loop3A_634], %parallel_loop3A_637 {strides = array<i32>} : memref<256x128xf32, #tpu.memory_space<vmem>>, vector<1x16xf32>,
        %parallel_loop3A_638 = arith.index_cast %parallel_loop3A_565 : i32 to index
        %parallel_loop3A_639 = arith.constant 96 : index
        %parallel_loop3A_640 = tpu.vector_load %arg6[%parallel_loop3A_638, %parallel_loop3A_639] {strides = array<i32>} : memref<256x128xf32, #tpu.memory_space<vmem>>, vector<1x16xf32>,
        %parallel_loop3A_641 = vector.shape_cast %parallel_loop3A_640 : vector<1x16xf32> to vector<16xf32>
        %parallel_loop3A_642 = arith.constant 11.3137083 : f32
        %parallel_loop3A_643 = vector.broadcast %parallel_loop3A_642 : f32 to vector<16xf32>
        %parallel_loop3A_644 = arith.mulf %parallel_loop3A_641, %parallel_loop3A_643 : vector<16xf32>
        %parallel_loop3A_645 = arith.index_cast %parallel_loop3A_565 : i32 to index
        %parallel_loop3A_646 = arith.constant 96 : index
        %parallel_loop3A_647 = tpu.vector_load %arg6[%parallel_loop3A_645, %parallel_loop3A_646] {strides = array<i32>} : memref<256x128xf32, #tpu.memory_space<vmem>>, vector<1x16xf32>,
        %parallel_loop3A_648 = vector.shape_cast %parallel_loop3A_647 : vector<1x16xf32> to vector<16xf32>
        %parallel_loop3A_649 = vector.shape_cast %parallel_loop3A_644 : vector<16xf32> to vector<1x16xf32>
        tpu.vector_store %arg6[%parallel_loop3A_645, %parallel_loop3A_646], %parallel_loop3A_649 {strides = array<i32>} : memref<256x128xf32, #tpu.memory_space<vmem>>, vector<1x16xf32>,
        %parallel_loop3A_650 = arith.index_cast %parallel_loop3A_565 : i32 to index
        %parallel_loop3A_651 = arith.constant 112 : index
        %parallel_loop3A_652 = tpu.vector_load %arg6[%parallel_loop3A_650, %parallel_loop3A_651] {strides = array<i32>} : memref<256x128xf32, #tpu.memory_space<vmem>>, vector<1x16xf32>,
        %parallel_loop3A_653 = vector.shape_cast %parallel_loop3A_652 : vector<1x16xf32> to vector<16xf32>
        %parallel_loop3A_654 = arith.constant 11.3137083 : f32
        %parallel_loop3A_655 = vector.broadcast %parallel_loop3A_654 : f32 to vector<16xf32>
        %parallel_loop3A_656 = arith.mulf %parallel_loop3A_653, %parallel_loop3A_655 : vector<16xf32>
        %parallel_loop3A_657 = arith.index_cast %parallel_loop3A_565 : i32 to index
        %parallel_loop3A_658 = arith.constant 112 : index
        %parallel_loop3A_659 = tpu.vector_load %arg6[%parallel_loop3A_657, %parallel_loop3A_658] {strides = array<i32>} : memref<256x128xf32, #tpu.memory_space<vmem>>, vector<1x16xf32>,
        %parallel_loop3A_660 = vector.shape_cast %parallel_loop3A_659 : vector<1x16xf32> to vector<16xf32>
        %parallel_loop3A_661 = vector.shape_cast %parallel_loop3A_656 : vector<16xf32> to vector<1x16xf32>
        tpu.vector_store %arg6[%parallel_loop3A_657, %parallel_loop3A_658], %parallel_loop3A_661 {strides = array<i32>} : memref<256x128xf32, #tpu.memory_space<vmem>>, vector<1x16xf32>,
      } {sc.loop_unroll_factor = 4 : i64, sc.parallel_access}
      %mul3A_404 = arith.constant 256 : i32
      %mul3A_405 = arith.muli %add3A_380, %mul3A_404 : i32
      %add3A_406 = arith.addi %mul3A_2, %mul3A_405 : i32
      %dma_start3A_407 = arith.constant 0 : i32
      %dma_start3A_408 = tpu.memref_slice %arg4[%add3A_406, %dma_start3A_407] : memref<819200x128xf32, #tpu.memory_space<hbm>> -> memref<256x128xf32, #tpu.memory_space<hbm>>
      %dma_start3A_409 = arith.constant 0 : i32
      %dma_start3A_410 = tpu.memref_slice %arg4[%add3A_406, %dma_start3A_409] : memref<819200x128xf32, #tpu.memory_space<hbm>> -> memref<256x128xf32, #tpu.memory_space<hbm>>
      tpu.enqueue_dma source(%arg6 : memref<256x128xf32, #tpu.memory_space<vmem>>) target(%dma_start3A_410 : memref<256x128xf32, #tpu.memory_space<hbm>>) target_semaphore(%arg10 : memref<!tpu.dma_semaphore, #tpu.memory_space<semaphore_mem>>)
      %dma_wait3A_411 = arith.constant 0 : i32
      %dma_wait3A_412 = tpu.memref_slice %arg4[%mul3A_2, %dma_wait3A_411] : memref<819200x128xf32, #tpu.memory_space<hbm>> -> memref<256x128xf32, #tpu.memory_space<hbm>>
      %dma_wait3A_413 = arith.constant 0 : i32
      %dma_wait3A_414 = tpu.memref_slice %arg4[%mul3A_2, %dma_wait3A_413] : memref<819200x128xf32, #tpu.memory_space<hbm>> -> memref<256x128xf32, #tpu.memory_space<hbm>>
      tpu.wait_dma2 semaphore(%arg10 : memref<!tpu.dma_semaphore, #tpu.memory_space<semaphore_mem>>) src(%arg6 : memref<256x128xf32, #tpu.memory_space<vmem>>) dst(%dma_wait3A_414 : memref<256x128xf32, #tpu.memory_space<hbm>>)
      %add3A_415 = arith.constant 2 : i32
      %add3A_416 = arith.addi %add3A_380, %add3A_415 : i32
      %mul3A_417 = arith.constant 2 : i32
      %mul3A_418 = arith.muli %mul3A_417, %add3A_416 : i32
      %dma_start3A_419 = arith.constant 0 : i32
      %dma_start3A_420 = arith.constant 0 : i32
      %dma_start3A_421 = tpu.memref_slice %arg8[%dma_start3A_419, %dma_start3A_420] : memref<256x128xf32, #tpu.memory_space<vmem>> -> memref<128x128xf32, #tpu.memory_space<vmem>>
      %dma_start3A_422 = arith.constant 0 : i32
      %dma_start3A_423 = tpu.memref_slice %arg5[%mul3A_418, %dma_start3A_422] : memref<200x128xi32, #tpu.memory_space<vmem>> -> memref<1x128xi32, #tpu.memory_space<vmem>>
      %dma_start3A_424 = tpu.memref_squeeze %dma_start3A_423 : memref<1x128xi32, #tpu.memory_space<vmem>> -> memref<128xi32, #tpu.memory_space<vmem>>
      %dma_start3A_425 = arith.constant 0 : i32
      %dma_start3A_426 = arith.constant 0 : i32
      %dma_start3A_427 = tpu.memref_slice %arg2[%dma_start3A_425, %dma_start3A_426] : memref<1000000x128xf32, #tpu.memory_space<hbm>> -> memref<1000000x128xf32, #tpu.memory_space<hbm>>
      tpu.enqueue_indirect_dma source(%dma_start3A_427 : memref<1000000x128xf32, #tpu.memory_space<hbm>>) target(%dma_start3A_421 : memref<128x128xf32, #tpu.memory_space<vmem>>) offsets(%dma_start3A_424 : memref<128xi32, #tpu.memory_space<vmem>>) semaphore(%arg9 : memref<!tpu.dma_semaphore, #tpu.memory_space<semaphore_mem>>)
      %mul3A_428 = arith.constant 2 : i32
      %mul3A_429 = arith.muli %mul3A_428, %add3A_416 : i32
      %add3A_430 = arith.constant 1 : i32
      %add3A_431 = arith.addi %mul3A_429, %add3A_430 : i32
      %dma_start3A_432 = arith.constant 128 : i32
      %dma_start3A_433 = arith.constant 0 : i32
      %dma_start3A_434 = tpu.memref_slice %arg8[%dma_start3A_432, %dma_start3A_433] : memref<256x128xf32, #tpu.memory_space<vmem>> -> memref<128x128xf32, #tpu.memory_space<vmem>>
      %dma_start3A_435 = arith.constant 0 : i32
      %dma_start3A_436 = tpu.memref_slice %arg5[%add3A_431, %dma_start3A_435] : memref<200x128xi32, #tpu.memory_space<vmem>> -> memref<1x128xi32, #tpu.memory_space<vmem>>
      %dma_start3A_437 = tpu.memref_squeeze %dma_start3A_436 : memref<1x128xi32, #tpu.memory_space<vmem>> -> memref<128xi32, #tpu.memory_space<vmem>>
      %dma_start3A_438 = arith.constant 0 : i32
      %dma_start3A_439 = arith.constant 0 : i32
      %dma_start3A_440 = tpu.memref_slice %arg2[%dma_start3A_438, %dma_start3A_439] : memref<1000000x128xf32, #tpu.memory_space<hbm>> -> memref<1000000x128xf32, #tpu.memory_space<hbm>>
      tpu.enqueue_indirect_dma source(%dma_start3A_440 : memref<1000000x128xf32, #tpu.memory_space<hbm>>) target(%dma_start3A_434 : memref<128x128xf32, #tpu.memory_space<vmem>>) offsets(%dma_start3A_437 : memref<128xi32, #tpu.memory_space<vmem>>) semaphore(%arg9 : memref<!tpu.dma_semaphore, #tpu.memory_space<semaphore_mem>>)
      %add3A_441 = arith.constant 1 : i32
      %add3A_442 = arith.addi %mul3A_378, %add3A_441 : i32
      %dma_wait3A_443 = arith.constant 0 : i32
      %dma_wait3A_444 = arith.constant 0 : i32
      %dma_wait3A_445 = arith.constant 0 : i32
      %dma_wait3A_446 = tpu.memref_slice %arg7[%dma_wait3A_444, %dma_wait3A_445] : memref<256x128xf32, #tpu.memory_space<vmem>> -> memref<128x128xf32, #tpu.memory_space<vmem>>
      %dma_wait3A_447 = arith.constant 0 : i32
      %dma_wait3A_448 = tpu.memref_slice %arg5[%dma_wait3A_443, %dma_wait3A_447] : memref<200x128xi32, #tpu.memory_space<vmem>> -> memref<1x128xi32, #tpu.memory_space<vmem>>
      %dma_wait3A_449 = tpu.memref_squeeze %dma_wait3A_448 : memref<1x128xi32, #tpu.memory_space<vmem>> -> memref<128xi32, #tpu.memory_space<vmem>>
      %dma_wait3A_450 = arith.constant 0 : i32
      %dma_wait3A_451 = arith.constant 0 : i32
      %dma_wait3A_452 = tpu.memref_slice %arg2[%dma_wait3A_450, %dma_wait3A_451] : memref<1000000x128xf32, #tpu.memory_space<hbm>> -> memref<1000000x128xf32, #tpu.memory_space<hbm>>
      tpu.wait_indirect_dma semaphore(%arg9 : memref<!tpu.dma_semaphore, #tpu.memory_space<semaphore_mem>>) src(%dma_wait3A_452 : memref<1000000x128xf32, #tpu.memory_space<hbm>>) dst(%dma_wait3A_446 : memref<128x128xf32, #tpu.memory_space<vmem>>)
      %dma_wait3A_453 = arith.constant 0 : i32
      %dma_wait3A_454 = arith.constant 0 : i32
      %dma_wait3A_455 = arith.constant 0 : i32
      %dma_wait3A_456 = tpu.memref_slice %arg7[%dma_wait3A_454, %dma_wait3A_455] : memref<256x128xf32, #tpu.memory_space<vmem>> -> memref<128x128xf32, #tpu.memory_space<vmem>>
      %dma_wait3A_457 = arith.constant 0 : i32
      %dma_wait3A_458 = tpu.memref_slice %arg5[%dma_wait3A_453, %dma_wait3A_457] : memref<200x128xi32, #tpu.memory_space<vmem>> -> memref<1x128xi32, #tpu.memory_space<vmem>>
      %dma_wait3A_459 = tpu.memref_squeeze %dma_wait3A_458 : memref<1x128xi32, #tpu.memory_space<vmem>> -> memref<128xi32, #tpu.memory_space<vmem>>
      %dma_wait3A_460 = arith.constant 0 : i32
      %dma_wait3A_461 = arith.constant 0 : i32
      %dma_wait3A_462 = tpu.memref_slice %arg2[%dma_wait3A_460, %dma_wait3A_461] : memref<1000000x128xf32, #tpu.memory_space<hbm>> -> memref<1000000x128xf32, #tpu.memory_space<hbm>>
      tpu.wait_indirect_dma semaphore(%arg9 : memref<!tpu.dma_semaphore, #tpu.memory_space<semaphore_mem>>) src(%dma_wait3A_462 : memref<1000000x128xf32, #tpu.memory_space<hbm>>) dst(%dma_wait3A_456 : memref<128x128xf32, #tpu.memory_space<vmem>>)
      %parallel_loop3A_463 = arith.constant 0 : i32
      %parallel_loop3A_464 = arith.constant 256 : i32
      %parallel_loop3A_465 = arith.constant 1 : i32
      scf.for %parallel_loop3A_565 = %parallel_loop3A_463 to %parallel_loop3A_464 step %parallel_loop3A_465  : i32 {
        %parallel_loop3A_566 = arith.index_cast %parallel_loop3A_565 : i32 to index
        %parallel_loop3A_567 = arith.constant 0 : index
        %parallel_loop3A_568 = tpu.vector_load %arg7[%parallel_loop3A_566, %parallel_loop3A_567] {strides = array<i32>} : memref<256x128xf32, #tpu.memory_space<vmem>>, vector<1x16xf32>,
        %parallel_loop3A_569 = vector.shape_cast %parallel_loop3A_568 : vector<1x16xf32> to vector<16xf32>
        %parallel_loop3A_570 = arith.constant 11.3137083 : f32
        %parallel_loop3A_571 = vector.broadcast %parallel_loop3A_570 : f32 to vector<16xf32>
        %parallel_loop3A_572 = arith.mulf %parallel_loop3A_569, %parallel_loop3A_571 : vector<16xf32>
        %parallel_loop3A_573 = arith.index_cast %parallel_loop3A_565 : i32 to index
        %parallel_loop3A_574 = arith.constant 0 : index
        %parallel_loop3A_575 = tpu.vector_load %arg7[%parallel_loop3A_573, %parallel_loop3A_574] {strides = array<i32>} : memref<256x128xf32, #tpu.memory_space<vmem>>, vector<1x16xf32>,
        %parallel_loop3A_576 = vector.shape_cast %parallel_loop3A_575 : vector<1x16xf32> to vector<16xf32>
        %parallel_loop3A_577 = vector.shape_cast %parallel_loop3A_572 : vector<16xf32> to vector<1x16xf32>
        tpu.vector_store %arg7[%parallel_loop3A_573, %parallel_loop3A_574], %parallel_loop3A_577 {strides = array<i32>} : memref<256x128xf32, #tpu.memory_space<vmem>>, vector<1x16xf32>,
        %parallel_loop3A_578 = arith.index_cast %parallel_loop3A_565 : i32 to index
        %parallel_loop3A_579 = arith.constant 16 : index
        %parallel_loop3A_580 = tpu.vector_load %arg7[%parallel_loop3A_578, %parallel_loop3A_579] {strides = array<i32>} : memref<256x128xf32, #tpu.memory_space<vmem>>, vector<1x16xf32>,
        %parallel_loop3A_581 = vector.shape_cast %parallel_loop3A_580 : vector<1x16xf32> to vector<16xf32>
        %parallel_loop3A_582 = arith.constant 11.3137083 : f32
        %parallel_loop3A_583 = vector.broadcast %parallel_loop3A_582 : f32 to vector<16xf32>
        %parallel_loop3A_584 = arith.mulf %parallel_loop3A_581, %parallel_loop3A_583 : vector<16xf32>
        %parallel_loop3A_585 = arith.index_cast %parallel_loop3A_565 : i32 to index
        %parallel_loop3A_586 = arith.constant 16 : index
        %parallel_loop3A_587 = tpu.vector_load %arg7[%parallel_loop3A_585, %parallel_loop3A_586] {strides = array<i32>} : memref<256x128xf32, #tpu.memory_space<vmem>>, vector<1x16xf32>,
        %parallel_loop3A_588 = vector.shape_cast %parallel_loop3A_587 : vector<1x16xf32> to vector<16xf32>
        %parallel_loop3A_589 = vector.shape_cast %parallel_loop3A_584 : vector<16xf32> to vector<1x16xf32>
        tpu.vector_store %arg7[%parallel_loop3A_585, %parallel_loop3A_586], %parallel_loop3A_589 {strides = array<i32>} : memref<256x128xf32, #tpu.memory_space<vmem>>, vector<1x16xf32>,
        %parallel_loop3A_590 = arith.index_cast %parallel_loop3A_565 : i32 to index
        %parallel_loop3A_591 = arith.constant 32 : index
        %parallel_loop3A_592 = tpu.vector_load %arg7[%parallel_loop3A_590, %parallel_loop3A_591] {strides = array<i32>} : memref<256x128xf32, #tpu.memory_space<vmem>>, vector<1x16xf32>,
        %parallel_loop3A_593 = vector.shape_cast %parallel_loop3A_592 : vector<1x16xf32> to vector<16xf32>
        %parallel_loop3A_594 = arith.constant 11.3137083 : f32
        %parallel_loop3A_595 = vector.broadcast %parallel_loop3A_594 : f32 to vector<16xf32>
        %parallel_loop3A_596 = arith.mulf %parallel_loop3A_593, %parallel_loop3A_595 : vector<16xf32>
        %parallel_loop3A_597 = arith.index_cast %parallel_loop3A_565 : i32 to index
        %parallel_loop3A_598 = arith.constant 32 : index
        %parallel_loop3A_599 = tpu.vector_load %arg7[%parallel_loop3A_597, %parallel_loop3A_598] {strides = array<i32>} : memref<256x128xf32, #tpu.memory_space<vmem>>, vector<1x16xf32>,
        %parallel_loop3A_600 = vector.shape_cast %parallel_loop3A_599 : vector<1x16xf32> to vector<16xf32>
        %parallel_loop3A_601 = vector.shape_cast %parallel_loop3A_596 : vector<16xf32> to vector<1x16xf32>
        tpu.vector_store %arg7[%parallel_loop3A_597, %parallel_loop3A_598], %parallel_loop3A_601 {strides = array<i32>} : memref<256x128xf32, #tpu.memory_space<vmem>>, vector<1x16xf32>,
        %parallel_loop3A_602 = arith.index_cast %parallel_loop3A_565 : i32 to index
        %parallel_loop3A_603 = arith.constant 48 : index
        %parallel_loop3A_604 = tpu.vector_load %arg7[%parallel_loop3A_602, %parallel_loop3A_603] {strides = array<i32>} : memref<256x128xf32, #tpu.memory_space<vmem>>, vector<1x16xf32>,
        %parallel_loop3A_605 = vector.shape_cast %parallel_loop3A_604 : vector<1x16xf32> to vector<16xf32>
        %parallel_loop3A_606 = arith.constant 11.3137083 : f32
        %parallel_loop3A_607 = vector.broadcast %parallel_loop3A_606 : f32 to vector<16xf32>
        %parallel_loop3A_608 = arith.mulf %parallel_loop3A_605, %parallel_loop3A_607 : vector<16xf32>
        %parallel_loop3A_609 = arith.index_cast %parallel_loop3A_565 : i32 to index
        %parallel_loop3A_610 = arith.constant 48 : index
        %parallel_loop3A_611 = tpu.vector_load %arg7[%parallel_loop3A_609, %parallel_loop3A_610] {strides = array<i32>} : memref<256x128xf32, #tpu.memory_space<vmem>>, vector<1x16xf32>,
        %parallel_loop3A_612 = vector.shape_cast %parallel_loop3A_611 : vector<1x16xf32> to vector<16xf32>
        %parallel_loop3A_613 = vector.shape_cast %parallel_loop3A_608 : vector<16xf32> to vector<1x16xf32>
        tpu.vector_store %arg7[%parallel_loop3A_609, %parallel_loop3A_610], %parallel_loop3A_613 {strides = array<i32>} : memref<256x128xf32, #tpu.memory_space<vmem>>, vector<1x16xf32>,
        %parallel_loop3A_614 = arith.index_cast %parallel_loop3A_565 : i32 to index
        %parallel_loop3A_615 = arith.constant 64 : index
        %parallel_loop3A_616 = tpu.vector_load %arg7[%parallel_loop3A_614, %parallel_loop3A_615] {strides = array<i32>} : memref<256x128xf32, #tpu.memory_space<vmem>>, vector<1x16xf32>,
        %parallel_loop3A_617 = vector.shape_cast %parallel_loop3A_616 : vector<1x16xf32> to vector<16xf32>
        %parallel_loop3A_618 = arith.constant 11.3137083 : f32
        %parallel_loop3A_619 = vector.broadcast %parallel_loop3A_618 : f32 to vector<16xf32>
        %parallel_loop3A_620 = arith.mulf %parallel_loop3A_617, %parallel_loop3A_619 : vector<16xf32>
        %parallel_loop3A_621 = arith.index_cast %parallel_loop3A_565 : i32 to index
        %parallel_loop3A_622 = arith.constant 64 : index
        %parallel_loop3A_623 = tpu.vector_load %arg7[%parallel_loop3A_621, %parallel_loop3A_622] {strides = array<i32>} : memref<256x128xf32, #tpu.memory_space<vmem>>, vector<1x16xf32>,
        %parallel_loop3A_624 = vector.shape_cast %parallel_loop3A_623 : vector<1x16xf32> to vector<16xf32>
        %parallel_loop3A_625 = vector.shape_cast %parallel_loop3A_620 : vector<16xf32> to vector<1x16xf32>
        tpu.vector_store %arg7[%parallel_loop3A_621, %parallel_loop3A_622], %parallel_loop3A_625 {strides = array<i32>} : memref<256x128xf32, #tpu.memory_space<vmem>>, vector<1x16xf32>,
        %parallel_loop3A_626 = arith.index_cast %parallel_loop3A_565 : i32 to index
        %parallel_loop3A_627 = arith.constant 80 : index
        %parallel_loop3A_628 = tpu.vector_load %arg7[%parallel_loop3A_626, %parallel_loop3A_627] {strides = array<i32>} : memref<256x128xf32, #tpu.memory_space<vmem>>, vector<1x16xf32>,
        %parallel_loop3A_629 = vector.shape_cast %parallel_loop3A_628 : vector<1x16xf32> to vector<16xf32>
        %parallel_loop3A_630 = arith.constant 11.3137083 : f32
        %parallel_loop3A_631 = vector.broadcast %parallel_loop3A_630 : f32 to vector<16xf32>
        %parallel_loop3A_632 = arith.mulf %parallel_loop3A_629, %parallel_loop3A_631 : vector<16xf32>
        %parallel_loop3A_633 = arith.index_cast %parallel_loop3A_565 : i32 to index
        %parallel_loop3A_634 = arith.constant 80 : index
        %parallel_loop3A_635 = tpu.vector_load %arg7[%parallel_loop3A_633, %parallel_loop3A_634] {strides = array<i32>} : memref<256x128xf32, #tpu.memory_space<vmem>>, vector<1x16xf32>,
        %parallel_loop3A_636 = vector.shape_cast %parallel_loop3A_635 : vector<1x16xf32> to vector<16xf32>
        %parallel_loop3A_637 = vector.shape_cast %parallel_loop3A_632 : vector<16xf32> to vector<1x16xf32>
        tpu.vector_store %arg7[%parallel_loop3A_633, %parallel_loop3A_634], %parallel_loop3A_637 {strides = array<i32>} : memref<256x128xf32, #tpu.memory_space<vmem>>, vector<1x16xf32>,
        %parallel_loop3A_638 = arith.index_cast %parallel_loop3A_565 : i32 to index
        %parallel_loop3A_639 = arith.constant 96 : index
        %parallel_loop3A_640 = tpu.vector_load %arg7[%parallel_loop3A_638, %parallel_loop3A_639] {strides = array<i32>} : memref<256x128xf32, #tpu.memory_space<vmem>>, vector<1x16xf32>,
        %parallel_loop3A_641 = vector.shape_cast %parallel_loop3A_640 : vector<1x16xf32> to vector<16xf32>
        %parallel_loop3A_642 = arith.constant 11.3137083 : f32
        %parallel_loop3A_643 = vector.broadcast %parallel_loop3A_642 : f32 to vector<16xf32>
        %parallel_loop3A_644 = arith.mulf %parallel_loop3A_641, %parallel_loop3A_643 : vector<16xf32>
        %parallel_loop3A_645 = arith.index_cast %parallel_loop3A_565 : i32 to index
        %parallel_loop3A_646 = arith.constant 96 : index
        %parallel_loop3A_647 = tpu.vector_load %arg7[%parallel_loop3A_645, %parallel_loop3A_646] {strides = array<i32>} : memref<256x128xf32, #tpu.memory_space<vmem>>, vector<1x16xf32>,
        %parallel_loop3A_648 = vector.shape_cast %parallel_loop3A_647 : vector<1x16xf32> to vector<16xf32>
        %parallel_loop3A_649 = vector.shape_cast %parallel_loop3A_644 : vector<16xf32> to vector<1x16xf32>
        tpu.vector_store %arg7[%parallel_loop3A_645, %parallel_loop3A_646], %parallel_loop3A_649 {strides = array<i32>} : memref<256x128xf32, #tpu.memory_space<vmem>>, vector<1x16xf32>,
        %parallel_loop3A_650 = arith.index_cast %parallel_loop3A_565 : i32 to index
        %parallel_loop3A_651 = arith.constant 112 : index
        %parallel_loop3A_652 = tpu.vector_load %arg7[%parallel_loop3A_650, %parallel_loop3A_651] {strides = array<i32>} : memref<256x128xf32, #tpu.memory_space<vmem>>, vector<1x16xf32>,
        %parallel_loop3A_653 = vector.shape_cast %parallel_loop3A_652 : vector<1x16xf32> to vector<16xf32>
        %parallel_loop3A_654 = arith.constant 11.3137083 : f32
        %parallel_loop3A_655 = vector.broadcast %parallel_loop3A_654 : f32 to vector<16xf32>
        %parallel_loop3A_656 = arith.mulf %parallel_loop3A_653, %parallel_loop3A_655 : vector<16xf32>
        %parallel_loop3A_657 = arith.index_cast %parallel_loop3A_565 : i32 to index
        %parallel_loop3A_658 = arith.constant 112 : index
        %parallel_loop3A_659 = tpu.vector_load %arg7[%parallel_loop3A_657, %parallel_loop3A_658] {strides = array<i32>} : memref<256x128xf32, #tpu.memory_space<vmem>>, vector<1x16xf32>,
        %parallel_loop3A_660 = vector.shape_cast %parallel_loop3A_659 : vector<1x16xf32> to vector<16xf32>
        %parallel_loop3A_661 = vector.shape_cast %parallel_loop3A_656 : vector<16xf32> to vector<1x16xf32>
        tpu.vector_store %arg7[%parallel_loop3A_657, %parallel_loop3A_658], %parallel_loop3A_661 {strides = array<i32>} : memref<256x128xf32, #tpu.memory_space<vmem>>, vector<1x16xf32>,
      } {sc.loop_unroll_factor = 4 : i64, sc.parallel_access}
      %mul3A_466 = arith.constant 256 : i32
      %mul3A_467 = arith.muli %add3A_442, %mul3A_466 : i32
      %add3A_468 = arith.addi %mul3A_2, %mul3A_467 : i32
      %dma_start3A_469 = arith.constant 0 : i32
      %dma_start3A_470 = tpu.memref_slice %arg4[%add3A_468, %dma_start3A_469] : memref<819200x128xf32, #tpu.memory_space<hbm>> -> memref<256x128xf32, #tpu.memory_space<hbm>>
      %dma_start3A_471 = arith.constant 0 : i32
      %dma_start3A_472 = tpu.memref_slice %arg4[%add3A_468, %dma_start3A_471] : memref<819200x128xf32, #tpu.memory_space<hbm>> -> memref<256x128xf32, #tpu.memory_space<hbm>>
      tpu.enqueue_dma source(%arg7 : memref<256x128xf32, #tpu.memory_space<vmem>>) target(%dma_start3A_472 : memref<256x128xf32, #tpu.memory_space<hbm>>) target_semaphore(%arg10 : memref<!tpu.dma_semaphore, #tpu.memory_space<semaphore_mem>>)
      %dma_wait3A_473 = arith.constant 0 : i32
      %dma_wait3A_474 = tpu.memref_slice %arg4[%mul3A_2, %dma_wait3A_473] : memref<819200x128xf32, #tpu.memory_space<hbm>> -> memref<256x128xf32, #tpu.memory_space<hbm>>
      %dma_wait3A_475 = arith.constant 0 : i32
      %dma_wait3A_476 = tpu.memref_slice %arg4[%mul3A_2, %dma_wait3A_475] : memref<819200x128xf32, #tpu.memory_space<hbm>> -> memref<256x128xf32, #tpu.memory_space<hbm>>
      tpu.wait_dma2 semaphore(%arg10 : memref<!tpu.dma_semaphore, #tpu.memory_space<semaphore_mem>>) src(%arg6 : memref<256x128xf32, #tpu.memory_space<vmem>>) dst(%dma_wait3A_476 : memref<256x128xf32, #tpu.memory_space<hbm>>)
      %add3A_477 = arith.constant 2 : i32
      %add3A_478 = arith.addi %add3A_442, %add3A_477 : i32
      %mul3A_479 = arith.constant 2 : i32
      %mul3A_480 = arith.muli %mul3A_479, %add3A_478 : i32
      %dma_start3A_481 = arith.constant 0 : i32
      %dma_start3A_482 = arith.constant 0 : i32
      %dma_start3A_483 = tpu.memref_slice %arg6[%dma_start3A_481, %dma_start3A_482] : memref<256x128xf32, #tpu.memory_space<vmem>> -> memref<128x128xf32, #tpu.memory_space<vmem>>
      %dma_start3A_484 = arith.constant 0 : i32
      %dma_start3A_485 = tpu.memref_slice %arg5[%mul3A_480, %dma_start3A_484] : memref<200x128xi32, #tpu.memory_space<vmem>> -> memref<1x128xi32, #tpu.memory_space<vmem>>
      %dma_start3A_486 = tpu.memref_squeeze %dma_start3A_485 : memref<1x128xi32, #tpu.memory_space<vmem>> -> memref<128xi32, #tpu.memory_space<vmem>>
      %dma_start3A_487 = arith.constant 0 : i32
      %dma_start3A_488 = arith.constant 0 : i32
      %dma_start3A_489 = tpu.memref_slice %arg2[%dma_start3A_487, %dma_start3A_488] : memref<1000000x128xf32, #tpu.memory_space<hbm>> -> memref<1000000x128xf32, #tpu.memory_space<hbm>>
      tpu.enqueue_indirect_dma source(%dma_start3A_489 : memref<1000000x128xf32, #tpu.memory_space<hbm>>) target(%dma_start3A_483 : memref<128x128xf32, #tpu.memory_space<vmem>>) offsets(%dma_start3A_486 : memref<128xi32, #tpu.memory_space<vmem>>) semaphore(%arg9 : memref<!tpu.dma_semaphore, #tpu.memory_space<semaphore_mem>>)
      %mul3A_490 = arith.constant 2 : i32
      %mul3A_491 = arith.muli %mul3A_490, %add3A_478 : i32
      %add3A_492 = arith.constant 1 : i32
      %add3A_493 = arith.addi %mul3A_491, %add3A_492 : i32
      %dma_start3A_494 = arith.constant 128 : i32
      %dma_start3A_495 = arith.constant 0 : i32
      %dma_start3A_496 = tpu.memref_slice %arg6[%dma_start3A_494, %dma_start3A_495] : memref<256x128xf32, #tpu.memory_space<vmem>> -> memref<128x128xf32, #tpu.memory_space<vmem>>
      %dma_start3A_497 = arith.constant 0 : i32
      %dma_start3A_498 = tpu.memref_slice %arg5[%add3A_493, %dma_start3A_497] : memref<200x128xi32, #tpu.memory_space<vmem>> -> memref<1x128xi32, #tpu.memory_space<vmem>>
      %dma_start3A_499 = tpu.memref_squeeze %dma_start3A_498 : memref<1x128xi32, #tpu.memory_space<vmem>> -> memref<128xi32, #tpu.memory_space<vmem>>
      %dma_start3A_500 = arith.constant 0 : i32
      %dma_start3A_501 = arith.constant 0 : i32
      %dma_start3A_502 = tpu.memref_slice %arg2[%dma_start3A_500, %dma_start3A_501] : memref<1000000x128xf32, #tpu.memory_space<hbm>> -> memref<1000000x128xf32, #tpu.memory_space<hbm>>
      tpu.enqueue_indirect_dma source(%dma_start3A_502 : memref<1000000x128xf32, #tpu.memory_space<hbm>>) target(%dma_start3A_496 : memref<128x128xf32, #tpu.memory_space<vmem>>) offsets(%dma_start3A_499 : memref<128xi32, #tpu.memory_space<vmem>>) semaphore(%arg9 : memref<!tpu.dma_semaphore, #tpu.memory_space<semaphore_mem>>)
      %add3A_503 = arith.constant 2 : i32
      %add3A_504 = arith.addi %mul3A_378, %add3A_503 : i32
      %dma_wait3A_505 = arith.constant 0 : i32
      %dma_wait3A_506 = arith.constant 0 : i32
      %dma_wait3A_507 = arith.constant 0 : i32
      %dma_wait3A_508 = tpu.memref_slice %arg8[%dma_wait3A_506, %dma_wait3A_507] : memref<256x128xf32, #tpu.memory_space<vmem>> -> memref<128x128xf32, #tpu.memory_space<vmem>>
      %dma_wait3A_509 = arith.constant 0 : i32
      %dma_wait3A_510 = tpu.memref_slice %arg5[%dma_wait3A_505, %dma_wait3A_509] : memref<200x128xi32, #tpu.memory_space<vmem>> -> memref<1x128xi32, #tpu.memory_space<vmem>>
      %dma_wait3A_511 = tpu.memref_squeeze %dma_wait3A_510 : memref<1x128xi32, #tpu.memory_space<vmem>> -> memref<128xi32, #tpu.memory_space<vmem>>
      %dma_wait3A_512 = arith.constant 0 : i32
      %dma_wait3A_513 = arith.constant 0 : i32
      %dma_wait3A_514 = tpu.memref_slice %arg2[%dma_wait3A_512, %dma_wait3A_513] : memref<1000000x128xf32, #tpu.memory_space<hbm>> -> memref<1000000x128xf32, #tpu.memory_space<hbm>>
      tpu.wait_indirect_dma semaphore(%arg9 : memref<!tpu.dma_semaphore, #tpu.memory_space<semaphore_mem>>) src(%dma_wait3A_514 : memref<1000000x128xf32, #tpu.memory_space<hbm>>) dst(%dma_wait3A_508 : memref<128x128xf32, #tpu.memory_space<vmem>>)
      %dma_wait3A_515 = arith.constant 0 : i32
      %dma_wait3A_516 = arith.constant 0 : i32
      %dma_wait3A_517 = arith.constant 0 : i32
      %dma_wait3A_518 = tpu.memref_slice %arg8[%dma_wait3A_516, %dma_wait3A_517] : memref<256x128xf32, #tpu.memory_space<vmem>> -> memref<128x128xf32, #tpu.memory_space<vmem>>
      %dma_wait3A_519 = arith.constant 0 : i32
      %dma_wait3A_520 = tpu.memref_slice %arg5[%dma_wait3A_515, %dma_wait3A_519] : memref<200x128xi32, #tpu.memory_space<vmem>> -> memref<1x128xi32, #tpu.memory_space<vmem>>
      %dma_wait3A_521 = tpu.memref_squeeze %dma_wait3A_520 : memref<1x128xi32, #tpu.memory_space<vmem>> -> memref<128xi32, #tpu.memory_space<vmem>>
      %dma_wait3A_522 = arith.constant 0 : i32
      %dma_wait3A_523 = arith.constant 0 : i32
      %dma_wait3A_524 = tpu.memref_slice %arg2[%dma_wait3A_522, %dma_wait3A_523] : memref<1000000x128xf32, #tpu.memory_space<hbm>> -> memref<1000000x128xf32, #tpu.memory_space<hbm>>
      tpu.wait_indirect_dma semaphore(%arg9 : memref<!tpu.dma_semaphore, #tpu.memory_space<semaphore_mem>>) src(%dma_wait3A_524 : memref<1000000x128xf32, #tpu.memory_space<hbm>>) dst(%dma_wait3A_518 : memref<128x128xf32, #tpu.memory_space<vmem>>)
      %parallel_loop3A_525 = arith.constant 0 : i32
      %parallel_loop3A_526 = arith.constant 256 : i32
      %parallel_loop3A_527 = arith.constant 1 : i32
      scf.for %parallel_loop3A_565 = %parallel_loop3A_525 to %parallel_loop3A_526 step %parallel_loop3A_527  : i32 {
        %parallel_loop3A_566 = arith.index_cast %parallel_loop3A_565 : i32 to index
        %parallel_loop3A_567 = arith.constant 0 : index
        %parallel_loop3A_568 = tpu.vector_load %arg8[%parallel_loop3A_566, %parallel_loop3A_567] {strides = array<i32>} : memref<256x128xf32, #tpu.memory_space<vmem>>, vector<1x16xf32>,
        %parallel_loop3A_569 = vector.shape_cast %parallel_loop3A_568 : vector<1x16xf32> to vector<16xf32>
        %parallel_loop3A_570 = arith.constant 11.3137083 : f32
        %parallel_loop3A_571 = vector.broadcast %parallel_loop3A_570 : f32 to vector<16xf32>
        %parallel_loop3A_572 = arith.mulf %parallel_loop3A_569, %parallel_loop3A_571 : vector<16xf32>
        %parallel_loop3A_573 = arith.index_cast %parallel_loop3A_565 : i32 to index
        %parallel_loop3A_574 = arith.constant 0 : index
        %parallel_loop3A_575 = tpu.vector_load %arg8[%parallel_loop3A_573, %parallel_loop3A_574] {strides = array<i32>} : memref<256x128xf32, #tpu.memory_space<vmem>>, vector<1x16xf32>,
        %parallel_loop3A_576 = vector.shape_cast %parallel_loop3A_575 : vector<1x16xf32> to vector<16xf32>
        %parallel_loop3A_577 = vector.shape_cast %parallel_loop3A_572 : vector<16xf32> to vector<1x16xf32>
        tpu.vector_store %arg8[%parallel_loop3A_573, %parallel_loop3A_574], %parallel_loop3A_577 {strides = array<i32>} : memref<256x128xf32, #tpu.memory_space<vmem>>, vector<1x16xf32>,
        %parallel_loop3A_578 = arith.index_cast %parallel_loop3A_565 : i32 to index
        %parallel_loop3A_579 = arith.constant 16 : index
        %parallel_loop3A_580 = tpu.vector_load %arg8[%parallel_loop3A_578, %parallel_loop3A_579] {strides = array<i32>} : memref<256x128xf32, #tpu.memory_space<vmem>>, vector<1x16xf32>,
        %parallel_loop3A_581 = vector.shape_cast %parallel_loop3A_580 : vector<1x16xf32> to vector<16xf32>
        %parallel_loop3A_582 = arith.constant 11.3137083 : f32
        %parallel_loop3A_583 = vector.broadcast %parallel_loop3A_582 : f32 to vector<16xf32>
        %parallel_loop3A_584 = arith.mulf %parallel_loop3A_581, %parallel_loop3A_583 : vector<16xf32>
        %parallel_loop3A_585 = arith.index_cast %parallel_loop3A_565 : i32 to index
        %parallel_loop3A_586 = arith.constant 16 : index
        %parallel_loop3A_587 = tpu.vector_load %arg8[%parallel_loop3A_585, %parallel_loop3A_586] {strides = array<i32>} : memref<256x128xf32, #tpu.memory_space<vmem>>, vector<1x16xf32>,
        %parallel_loop3A_588 = vector.shape_cast %parallel_loop3A_587 : vector<1x16xf32> to vector<16xf32>
        %parallel_loop3A_589 = vector.shape_cast %parallel_loop3A_584 : vector<16xf32> to vector<1x16xf32>
        tpu.vector_store %arg8[%parallel_loop3A_585, %parallel_loop3A_586], %parallel_loop3A_589 {strides = array<i32>} : memref<256x128xf32, #tpu.memory_space<vmem>>, vector<1x16xf32>,
        %parallel_loop3A_590 = arith.index_cast %parallel_loop3A_565 : i32 to index
        %parallel_loop3A_591 = arith.constant 32 : index
        %parallel_loop3A_592 = tpu.vector_load %arg8[%parallel_loop3A_590, %parallel_loop3A_591] {strides = array<i32>} : memref<256x128xf32, #tpu.memory_space<vmem>>, vector<1x16xf32>,
        %parallel_loop3A_593 = vector.shape_cast %parallel_loop3A_592 : vector<1x16xf32> to vector<16xf32>
        %parallel_loop3A_594 = arith.constant 11.3137083 : f32
        %parallel_loop3A_595 = vector.broadcast %parallel_loop3A_594 : f32 to vector<16xf32>
        %parallel_loop3A_596 = arith.mulf %parallel_loop3A_593, %parallel_loop3A_595 : vector<16xf32>
        %parallel_loop3A_597 = arith.index_cast %parallel_loop3A_565 : i32 to index
        %parallel_loop3A_598 = arith.constant 32 : index
        %parallel_loop3A_599 = tpu.vector_load %arg8[%parallel_loop3A_597, %parallel_loop3A_598] {strides = array<i32>} : memref<256x128xf32, #tpu.memory_space<vmem>>, vector<1x16xf32>,
        %parallel_loop3A_600 = vector.shape_cast %parallel_loop3A_599 : vector<1x16xf32> to vector<16xf32>
        %parallel_loop3A_601 = vector.shape_cast %parallel_loop3A_596 : vector<16xf32> to vector<1x16xf32>
        tpu.vector_store %arg8[%parallel_loop3A_597, %parallel_loop3A_598], %parallel_loop3A_601 {strides = array<i32>} : memref<256x128xf32, #tpu.memory_space<vmem>>, vector<1x16xf32>,
        %parallel_loop3A_602 = arith.index_cast %parallel_loop3A_565 : i32 to index
        %parallel_loop3A_603 = arith.constant 48 : index
        %parallel_loop3A_604 = tpu.vector_load %arg8[%parallel_loop3A_602, %parallel_loop3A_603] {strides = array<i32>} : memref<256x128xf32, #tpu.memory_space<vmem>>, vector<1x16xf32>,
        %parallel_loop3A_605 = vector.shape_cast %parallel_loop3A_604 : vector<1x16xf32> to vector<16xf32>
        %parallel_loop3A_606 = arith.constant 11.3137083 : f32
        %parallel_loop3A_607 = vector.broadcast %parallel_loop3A_606 : f32 to vector<16xf32>
        %parallel_loop3A_608 = arith.mulf %parallel_loop3A_605, %parallel_loop3A_607 : vector<16xf32>
        %parallel_loop3A_609 = arith.index_cast %parallel_loop3A_565 : i32 to index
        %parallel_loop3A_610 = arith.constant 48 : index
        %parallel_loop3A_611 = tpu.vector_load %arg8[%parallel_loop3A_609, %parallel_loop3A_610] {strides = array<i32>} : memref<256x128xf32, #tpu.memory_space<vmem>>, vector<1x16xf32>,
        %parallel_loop3A_612 = vector.shape_cast %parallel_loop3A_611 : vector<1x16xf32> to vector<16xf32>
        %parallel_loop3A_613 = vector.shape_cast %parallel_loop3A_608 : vector<16xf32> to vector<1x16xf32>
        tpu.vector_store %arg8[%parallel_loop3A_609, %parallel_loop3A_610], %parallel_loop3A_613 {strides = array<i32>} : memref<256x128xf32, #tpu.memory_space<vmem>>, vector<1x16xf32>,
        %parallel_loop3A_614 = arith.index_cast %parallel_loop3A_565 : i32 to index
        %parallel_loop3A_615 = arith.constant 64 : index
        %parallel_loop3A_616 = tpu.vector_load %arg8[%parallel_loop3A_614, %parallel_loop3A_615] {strides = array<i32>} : memref<256x128xf32, #tpu.memory_space<vmem>>, vector<1x16xf32>,
        %parallel_loop3A_617 = vector.shape_cast %parallel_loop3A_616 : vector<1x16xf32> to vector<16xf32>
        %parallel_loop3A_618 = arith.constant 11.3137083 : f32
        %parallel_loop3A_619 = vector.broadcast %parallel_loop3A_618 : f32 to vector<16xf32>
        %parallel_loop3A_620 = arith.mulf %parallel_loop3A_617, %parallel_loop3A_619 : vector<16xf32>
        %parallel_loop3A_621 = arith.index_cast %parallel_loop3A_565 : i32 to index
        %parallel_loop3A_622 = arith.constant 64 : index
        %parallel_loop3A_623 = tpu.vector_load %arg8[%parallel_loop3A_621, %parallel_loop3A_622] {strides = array<i32>} : memref<256x128xf32, #tpu.memory_space<vmem>>, vector<1x16xf32>,
        %parallel_loop3A_624 = vector.shape_cast %parallel_loop3A_623 : vector<1x16xf32> to vector<16xf32>
        %parallel_loop3A_625 = vector.shape_cast %parallel_loop3A_620 : vector<16xf32> to vector<1x16xf32>
        tpu.vector_store %arg8[%parallel_loop3A_621, %parallel_loop3A_622], %parallel_loop3A_625 {strides = array<i32>} : memref<256x128xf32, #tpu.memory_space<vmem>>, vector<1x16xf32>,
        %parallel_loop3A_626 = arith.index_cast %parallel_loop3A_565 : i32 to index
        %parallel_loop3A_627 = arith.constant 80 : index
        %parallel_loop3A_628 = tpu.vector_load %arg8[%parallel_loop3A_626, %parallel_loop3A_627] {strides = array<i32>} : memref<256x128xf32, #tpu.memory_space<vmem>>, vector<1x16xf32>,
        %parallel_loop3A_629 = vector.shape_cast %parallel_loop3A_628 : vector<1x16xf32> to vector<16xf32>
        %parallel_loop3A_630 = arith.constant 11.3137083 : f32
        %parallel_loop3A_631 = vector.broadcast %parallel_loop3A_630 : f32 to vector<16xf32>
        %parallel_loop3A_632 = arith.mulf %parallel_loop3A_629, %parallel_loop3A_631 : vector<16xf32>
        %parallel_loop3A_633 = arith.index_cast %parallel_loop3A_565 : i32 to index
        %parallel_loop3A_634 = arith.constant 80 : index
        %parallel_loop3A_635 = tpu.vector_load %arg8[%parallel_loop3A_633, %parallel_loop3A_634] {strides = array<i32>} : memref<256x128xf32, #tpu.memory_space<vmem>>, vector<1x16xf32>,
        %parallel_loop3A_636 = vector.shape_cast %parallel_loop3A_635 : vector<1x16xf32> to vector<16xf32>
        %parallel_loop3A_637 = vector.shape_cast %parallel_loop3A_632 : vector<16xf32> to vector<1x16xf32>
        tpu.vector_store %arg8[%parallel_loop3A_633, %parallel_loop3A_634], %parallel_loop3A_637 {strides = array<i32>} : memref<256x128xf32, #tpu.memory_space<vmem>>, vector<1x16xf32>,
        %parallel_loop3A_638 = arith.index_cast %parallel_loop3A_565 : i32 to index
        %parallel_loop3A_639 = arith.constant 96 : index
        %parallel_loop3A_640 = tpu.vector_load %arg8[%parallel_loop3A_638, %parallel_loop3A_639] {strides = array<i32>} : memref<256x128xf32, #tpu.memory_space<vmem>>, vector<1x16xf32>,
        %parallel_loop3A_641 = vector.shape_cast %parallel_loop3A_640 : vector<1x16xf32> to vector<16xf32>
        %parallel_loop3A_642 = arith.constant 11.3137083 : f32
        %parallel_loop3A_643 = vector.broadcast %parallel_loop3A_642 : f32 to vector<16xf32>
        %parallel_loop3A_644 = arith.mulf %parallel_loop3A_641, %parallel_loop3A_643 : vector<16xf32>
        %parallel_loop3A_645 = arith.index_cast %parallel_loop3A_565 : i32 to index
        %parallel_loop3A_646 = arith.constant 96 : index
        %parallel_loop3A_647 = tpu.vector_load %arg8[%parallel_loop3A_645, %parallel_loop3A_646] {strides = array<i32>} : memref<256x128xf32, #tpu.memory_space<vmem>>, vector<1x16xf32>,
        %parallel_loop3A_648 = vector.shape_cast %parallel_loop3A_647 : vector<1x16xf32> to vector<16xf32>
        %parallel_loop3A_649 = vector.shape_cast %parallel_loop3A_644 : vector<16xf32> to vector<1x16xf32>
        tpu.vector_store %arg8[%parallel_loop3A_645, %parallel_loop3A_646], %parallel_loop3A_649 {strides = array<i32>} : memref<256x128xf32, #tpu.memory_space<vmem>>, vector<1x16xf32>,
        %parallel_loop3A_650 = arith.index_cast %parallel_loop3A_565 : i32 to index
        %parallel_loop3A_651 = arith.constant 112 : index
        %parallel_loop3A_652 = tpu.vector_load %arg8[%parallel_loop3A_650, %parallel_loop3A_651] {strides = array<i32>} : memref<256x128xf32, #tpu.memory_space<vmem>>, vector<1x16xf32>,
        %parallel_loop3A_653 = vector.shape_cast %parallel_loop3A_652 : vector<1x16xf32> to vector<16xf32>
        %parallel_loop3A_654 = arith.constant 11.3137083 : f32
        %parallel_loop3A_655 = vector.broadcast %parallel_loop3A_654 : f32 to vector<16xf32>
        %parallel_loop3A_656 = arith.mulf %parallel_loop3A_653, %parallel_loop3A_655 : vector<16xf32>
        %parallel_loop3A_657 = arith.index_cast %parallel_loop3A_565 : i32 to index
        %parallel_loop3A_658 = arith.constant 112 : index
        %parallel_loop3A_659 = tpu.vector_load %arg8[%parallel_loop3A_657, %parallel_loop3A_658] {strides = array<i32>} : memref<256x128xf32, #tpu.memory_space<vmem>>, vector<1x16xf32>,
        %parallel_loop3A_660 = vector.shape_cast %parallel_loop3A_659 : vector<1x16xf32> to vector<16xf32>
        %parallel_loop3A_661 = vector.shape_cast %parallel_loop3A_656 : vector<16xf32> to vector<1x16xf32>
        tpu.vector_store %arg8[%parallel_loop3A_657, %parallel_loop3A_658], %parallel_loop3A_661 {strides = array<i32>} : memref<256x128xf32, #tpu.memory_space<vmem>>, vector<1x16xf32>,
      } {sc.loop_unroll_factor = 4 : i64, sc.parallel_access}
      %mul3A_528 = arith.constant 256 : i32
      %mul3A_529 = arith.muli %add3A_504, %mul3A_528 : i32
      %add3A_530 = arith.addi %mul3A_2, %mul3A_529 : i32
      %dma_start3A_531 = arith.constant 0 : i32
      %dma_start3A_532 = tpu.memref_slice %arg4[%add3A_530, %dma_start3A_531] : memref<819200x128xf32, #tpu.memory_space<hbm>> -> memref<256x128xf32, #tpu.memory_space<hbm>>
      %dma_start3A_533 = arith.constant 0 : i32
      %dma_start3A_534 = tpu.memref_slice %arg4[%add3A_530, %dma_start3A_533] : memref<819200x128xf32, #tpu.memory_space<hbm>> -> memref<256x128xf32, #tpu.memory_space<hbm>>
      tpu.enqueue_dma source(%arg8 : memref<256x128xf32, #tpu.memory_space<vmem>>) target(%dma_start3A_534 : memref<256x128xf32, #tpu.memory_space<hbm>>) target_semaphore(%arg10 : memref<!tpu.dma_semaphore, #tpu.memory_space<semaphore_mem>>)
      %dma_wait3A_535 = arith.constant 0 : i32
      %dma_wait3A_536 = tpu.memref_slice %arg4[%mul3A_2, %dma_wait3A_535] : memref<819200x128xf32, #tpu.memory_space<hbm>> -> memref<256x128xf32, #tpu.memory_space<hbm>>
      %dma_wait3A_537 = arith.constant 0 : i32
      %dma_wait3A_538 = tpu.memref_slice %arg4[%mul3A_2, %dma_wait3A_537] : memref<819200x128xf32, #tpu.memory_space<hbm>> -> memref<256x128xf32, #tpu.memory_space<hbm>>
      tpu.wait_dma2 semaphore(%arg10 : memref<!tpu.dma_semaphore, #tpu.memory_space<semaphore_mem>>) src(%arg6 : memref<256x128xf32, #tpu.memory_space<vmem>>) dst(%dma_wait3A_538 : memref<256x128xf32, #tpu.memory_space<hbm>>)
      %add3A_539 = arith.constant 2 : i32
      %add3A_540 = arith.addi %add3A_504, %add3A_539 : i32
      %mul3A_541 = arith.constant 2 : i32
      %mul3A_542 = arith.muli %mul3A_541, %add3A_540 : i32
      %dma_start3A_543 = arith.constant 0 : i32
      %dma_start3A_544 = arith.constant 0 : i32
      %dma_start3A_545 = tpu.memref_slice %arg7[%dma_start3A_543, %dma_start3A_544] : memref<256x128xf32, #tpu.memory_space<vmem>> -> memref<128x128xf32, #tpu.memory_space<vmem>>
      %dma_start3A_546 = arith.constant 0 : i32
      %dma_start3A_547 = tpu.memref_slice %arg5[%mul3A_542, %dma_start3A_546] : memref<200x128xi32, #tpu.memory_space<vmem>> -> memref<1x128xi32, #tpu.memory_space<vmem>>
      %dma_start3A_548 = tpu.memref_squeeze %dma_start3A_547 : memref<1x128xi32, #tpu.memory_space<vmem>> -> memref<128xi32, #tpu.memory_space<vmem>>
      %dma_start3A_549 = arith.constant 0 : i32
      %dma_start3A_550 = arith.constant 0 : i32
      %dma_start3A_551 = tpu.memref_slice %arg2[%dma_start3A_549, %dma_start3A_550] : memref<1000000x128xf32, #tpu.memory_space<hbm>> -> memref<1000000x128xf32, #tpu.memory_space<hbm>>
      tpu.enqueue_indirect_dma source(%dma_start3A_551 : memref<1000000x128xf32, #tpu.memory_space<hbm>>) target(%dma_start3A_545 : memref<128x128xf32, #tpu.memory_space<vmem>>) offsets(%dma_start3A_548 : memref<128xi32, #tpu.memory_space<vmem>>) semaphore(%arg9 : memref<!tpu.dma_semaphore, #tpu.memory_space<semaphore_mem>>)
      %mul3A_552 = arith.constant 2 : i32
      %mul3A_553 = arith.muli %mul3A_552, %add3A_540 : i32
      %add3A_554 = arith.constant 1 : i32
      %add3A_555 = arith.addi %mul3A_553, %add3A_554 : i32
      %dma_start3A_556 = arith.constant 128 : i32
      %dma_start3A_557 = arith.constant 0 : i32
      %dma_start3A_558 = tpu.memref_slice %arg7[%dma_start3A_556, %dma_start3A_557] : memref<256x128xf32, #tpu.memory_space<vmem>> -> memref<128x128xf32, #tpu.memory_space<vmem>>
      %dma_start3A_559 = arith.constant 0 : i32
      %dma_start3A_560 = tpu.memref_slice %arg5[%add3A_555, %dma_start3A_559] : memref<200x128xi32, #tpu.memory_space<vmem>> -> memref<1x128xi32, #tpu.memory_space<vmem>>
      %dma_start3A_561 = tpu.memref_squeeze %dma_start3A_560 : memref<1x128xi32, #tpu.memory_space<vmem>> -> memref<128xi32, #tpu.memory_space<vmem>>
      %dma_start3A_562 = arith.constant 0 : i32
      %dma_start3A_563 = arith.constant 0 : i32
      %dma_start3A_564 = tpu.memref_slice %arg2[%dma_start3A_562, %dma_start3A_563] : memref<1000000x128xf32, #tpu.memory_space<hbm>> -> memref<1000000x128xf32, #tpu.memory_space<hbm>>
      tpu.enqueue_indirect_dma source(%dma_start3A_564 : memref<1000000x128xf32, #tpu.memory_space<hbm>>) target(%dma_start3A_558 : memref<128x128xf32, #tpu.memory_space<vmem>>) offsets(%dma_start3A_561 : memref<128xi32, #tpu.memory_space<vmem>>) semaphore(%arg9 : memref<!tpu.dma_semaphore, #tpu.memory_space<semaphore_mem>>)
    }
    %scan3A_199 = arith.constant 31 : i32
    %dma_wait3A_200 = arith.constant 0 : i32
    %dma_wait3A_201 = arith.constant 0 : i32
    %dma_wait3A_202 = arith.constant 0 : i32
    %dma_wait3A_203 = tpu.memref_slice %arg6[%dma_wait3A_201, %dma_wait3A_202] : memref<256x128xf32, #tpu.memory_space<vmem>> -> memref<128x128xf32, #tpu.memory_space<vmem>>
    %dma_wait3A_204 = arith.constant 0 : i32
    %dma_wait3A_205 = tpu.memref_slice %arg5[%dma_wait3A_200, %dma_wait3A_204] : memref<200x128xi32, #tpu.memory_space<vmem>> -> memref<1x128xi32, #tpu.memory_space<vmem>>
    %dma_wait3A_206 = tpu.memref_squeeze %dma_wait3A_205 : memref<1x128xi32, #tpu.memory_space<vmem>> -> memref<128xi32, #tpu.memory_space<vmem>>
    %dma_wait3A_207 = arith.constant 0 : i32
    %dma_wait3A_208 = arith.constant 0 : i32
    %dma_wait3A_209 = tpu.memref_slice %arg2[%dma_wait3A_207, %dma_wait3A_208] : memref<1000000x128xf32, #tpu.memory_space<hbm>> -> memref<1000000x128xf32, #tpu.memory_space<hbm>>
    tpu.wait_indirect_dma semaphore(%arg9 : memref<!tpu.dma_semaphore, #tpu.memory_space<semaphore_mem>>) src(%dma_wait3A_209 : memref<1000000x128xf32, #tpu.memory_space<hbm>>) dst(%dma_wait3A_203 : memref<128x128xf32, #tpu.memory_space<vmem>>)
    %dma_wait3A_210 = arith.constant 0 : i32
    %dma_wait3A_211 = arith.constant 0 : i32
    %dma_wait3A_212 = arith.constant 0 : i32
    %dma_wait3A_213 = tpu.memref_slice %arg6[%dma_wait3A_211, %dma_wait3A_212] : memref<256x128xf32, #tpu.memory_space<vmem>> -> memref<128x128xf32, #tpu.memory_space<vmem>>
    %dma_wait3A_214 = arith.constant 0 : i32
    %dma_wait3A_215 = tpu.memref_slice %arg5[%dma_wait3A_210, %dma_wait3A_214] : memref<200x128xi32, #tpu.memory_space<vmem>> -> memref<1x128xi32, #tpu.memory_space<vmem>>
    %dma_wait3A_216 = tpu.memref_squeeze %dma_wait3A_215 : memref<1x128xi32, #tpu.memory_space<vmem>> -> memref<128xi32, #tpu.memory_space<vmem>>
    %dma_wait3A_217 = arith.constant 0 : i32
    %dma_wait3A_218 = arith.constant 0 : i32
    %dma_wait3A_219 = tpu.memref_slice %arg2[%dma_wait3A_217, %dma_wait3A_218] : memref<1000000x128xf32, #tpu.memory_space<hbm>> -> memref<1000000x128xf32, #tpu.memory_space<hbm>>
    tpu.wait_indirect_dma semaphore(%arg9 : memref<!tpu.dma_semaphore, #tpu.memory_space<semaphore_mem>>) src(%dma_wait3A_219 : memref<1000000x128xf32, #tpu.memory_space<hbm>>) dst(%dma_wait3A_213 : memref<128x128xf32, #tpu.memory_space<vmem>>)
    %parallel_loop3A_220 = arith.constant 0 : i32
    %parallel_loop3A_221 = arith.constant 256 : i32
    %parallel_loop3A_222 = arith.constant 1 : i32
    scf.for %parallel_loop3A_376 = %parallel_loop3A_220 to %parallel_loop3A_221 step %parallel_loop3A_222  : i32 {
      %parallel_loop3A_377 = arith.index_cast %parallel_loop3A_376 : i32 to index
      %parallel_loop3A_378 = arith.constant 0 : index
      %parallel_loop3A_379 = tpu.vector_load %arg6[%parallel_loop3A_377, %parallel_loop3A_378] {strides = array<i32>} : memref<256x128xf32, #tpu.memory_space<vmem>>, vector<1x16xf32>,
      %parallel_loop3A_380 = vector.shape_cast %parallel_loop3A_379 : vector<1x16xf32> to vector<16xf32>
      %parallel_loop3A_381 = arith.constant 11.3137083 : f32
      %parallel_loop3A_382 = vector.broadcast %parallel_loop3A_381 : f32 to vector<16xf32>
      %parallel_loop3A_383 = arith.mulf %parallel_loop3A_380, %parallel_loop3A_382 : vector<16xf32>
      %parallel_loop3A_384 = arith.index_cast %parallel_loop3A_376 : i32 to index
      %parallel_loop3A_385 = arith.constant 0 : index
      %parallel_loop3A_386 = tpu.vector_load %arg6[%parallel_loop3A_384, %parallel_loop3A_385] {strides = array<i32>} : memref<256x128xf32, #tpu.memory_space<vmem>>, vector<1x16xf32>,
      %parallel_loop3A_387 = vector.shape_cast %parallel_loop3A_386 : vector<1x16xf32> to vector<16xf32>
      %parallel_loop3A_388 = vector.shape_cast %parallel_loop3A_383 : vector<16xf32> to vector<1x16xf32>
      tpu.vector_store %arg6[%parallel_loop3A_384, %parallel_loop3A_385], %parallel_loop3A_388 {strides = array<i32>} : memref<256x128xf32, #tpu.memory_space<vmem>>, vector<1x16xf32>,
      %parallel_loop3A_389 = arith.index_cast %parallel_loop3A_376 : i32 to index
      %parallel_loop3A_390 = arith.constant 16 : index
      %parallel_loop3A_391 = tpu.vector_load %arg6[%parallel_loop3A_389, %parallel_loop3A_390] {strides = array<i32>} : memref<256x128xf32, #tpu.memory_space<vmem>>, vector<1x16xf32>,
      %parallel_loop3A_392 = vector.shape_cast %parallel_loop3A_391 : vector<1x16xf32> to vector<16xf32>
      %parallel_loop3A_393 = arith.constant 11.3137083 : f32
      %parallel_loop3A_394 = vector.broadcast %parallel_loop3A_393 : f32 to vector<16xf32>
      %parallel_loop3A_395 = arith.mulf %parallel_loop3A_392, %parallel_loop3A_394 : vector<16xf32>
      %parallel_loop3A_396 = arith.index_cast %parallel_loop3A_376 : i32 to index
      %parallel_loop3A_397 = arith.constant 16 : index
      %parallel_loop3A_398 = tpu.vector_load %arg6[%parallel_loop3A_396, %parallel_loop3A_397] {strides = array<i32>} : memref<256x128xf32, #tpu.memory_space<vmem>>, vector<1x16xf32>,
      %parallel_loop3A_399 = vector.shape_cast %parallel_loop3A_398 : vector<1x16xf32> to vector<16xf32>
      %parallel_loop3A_400 = vector.shape_cast %parallel_loop3A_395 : vector<16xf32> to vector<1x16xf32>
      tpu.vector_store %arg6[%parallel_loop3A_396, %parallel_loop3A_397], %parallel_loop3A_400 {strides = array<i32>} : memref<256x128xf32, #tpu.memory_space<vmem>>, vector<1x16xf32>,
      %parallel_loop3A_401 = arith.index_cast %parallel_loop3A_376 : i32 to index
      %parallel_loop3A_402 = arith.constant 32 : index
      %parallel_loop3A_403 = tpu.vector_load %arg6[%parallel_loop3A_401, %parallel_loop3A_402] {strides = array<i32>} : memref<256x128xf32, #tpu.memory_space<vmem>>, vector<1x16xf32>,
      %parallel_loop3A_404 = vector.shape_cast %parallel_loop3A_403 : vector<1x16xf32> to vector<16xf32>
      %parallel_loop3A_405 = arith.constant 11.3137083 : f32
      %parallel_loop3A_406 = vector.broadcast %parallel_loop3A_405 : f32 to vector<16xf32>
      %parallel_loop3A_407 = arith.mulf %parallel_loop3A_404, %parallel_loop3A_406 : vector<16xf32>
      %parallel_loop3A_408 = arith.index_cast %parallel_loop3A_376 : i32 to index
      %parallel_loop3A_409 = arith.constant 32 : index
      %parallel_loop3A_410 = tpu.vector_load %arg6[%parallel_loop3A_408, %parallel_loop3A_409] {strides = array<i32>} : memref<256x128xf32, #tpu.memory_space<vmem>>, vector<1x16xf32>,
      %parallel_loop3A_411 = vector.shape_cast %parallel_loop3A_410 : vector<1x16xf32> to vector<16xf32>
      %parallel_loop3A_412 = vector.shape_cast %parallel_loop3A_407 : vector<16xf32> to vector<1x16xf32>
      tpu.vector_store %arg6[%parallel_loop3A_408, %parallel_loop3A_409], %parallel_loop3A_412 {strides = array<i32>} : memref<256x128xf32, #tpu.memory_space<vmem>>, vector<1x16xf32>,
      %parallel_loop3A_413 = arith.index_cast %parallel_loop3A_376 : i32 to index
      %parallel_loop3A_414 = arith.constant 48 : index
      %parallel_loop3A_415 = tpu.vector_load %arg6[%parallel_loop3A_413, %parallel_loop3A_414] {strides = array<i32>} : memref<256x128xf32, #tpu.memory_space<vmem>>, vector<1x16xf32>,
      %parallel_loop3A_416 = vector.shape_cast %parallel_loop3A_415 : vector<1x16xf32> to vector<16xf32>
      %parallel_loop3A_417 = arith.constant 11.3137083 : f32
      %parallel_loop3A_418 = vector.broadcast %parallel_loop3A_417 : f32 to vector<16xf32>
      %parallel_loop3A_419 = arith.mulf %parallel_loop3A_416, %parallel_loop3A_418 : vector<16xf32>
      %parallel_loop3A_420 = arith.index_cast %parallel_loop3A_376 : i32 to index
      %parallel_loop3A_421 = arith.constant 48 : index
      %parallel_loop3A_422 = tpu.vector_load %arg6[%parallel_loop3A_420, %parallel_loop3A_421] {strides = array<i32>} : memref<256x128xf32, #tpu.memory_space<vmem>>, vector<1x16xf32>,
      %parallel_loop3A_423 = vector.shape_cast %parallel_loop3A_422 : vector<1x16xf32> to vector<16xf32>
      %parallel_loop3A_424 = vector.shape_cast %parallel_loop3A_419 : vector<16xf32> to vector<1x16xf32>
      tpu.vector_store %arg6[%parallel_loop3A_420, %parallel_loop3A_421], %parallel_loop3A_424 {strides = array<i32>} : memref<256x128xf32, #tpu.memory_space<vmem>>, vector<1x16xf32>,
      %parallel_loop3A_425 = arith.index_cast %parallel_loop3A_376 : i32 to index
      %parallel_loop3A_426 = arith.constant 64 : index
      %parallel_loop3A_427 = tpu.vector_load %arg6[%parallel_loop3A_425, %parallel_loop3A_426] {strides = array<i32>} : memref<256x128xf32, #tpu.memory_space<vmem>>, vector<1x16xf32>,
      %parallel_loop3A_428 = vector.shape_cast %parallel_loop3A_427 : vector<1x16xf32> to vector<16xf32>
      %parallel_loop3A_429 = arith.constant 11.3137083 : f32
      %parallel_loop3A_430 = vector.broadcast %parallel_loop3A_429 : f32 to vector<16xf32>
      %parallel_loop3A_431 = arith.mulf %parallel_loop3A_428, %parallel_loop3A_430 : vector<16xf32>
      %parallel_loop3A_432 = arith.index_cast %parallel_loop3A_376 : i32 to index
      %parallel_loop3A_433 = arith.constant 64 : index
      %parallel_loop3A_434 = tpu.vector_load %arg6[%parallel_loop3A_432, %parallel_loop3A_433] {strides = array<i32>} : memref<256x128xf32, #tpu.memory_space<vmem>>, vector<1x16xf32>,
      %parallel_loop3A_435 = vector.shape_cast %parallel_loop3A_434 : vector<1x16xf32> to vector<16xf32>
      %parallel_loop3A_436 = vector.shape_cast %parallel_loop3A_431 : vector<16xf32> to vector<1x16xf32>
      tpu.vector_store %arg6[%parallel_loop3A_432, %parallel_loop3A_433], %parallel_loop3A_436 {strides = array<i32>} : memref<256x128xf32, #tpu.memory_space<vmem>>, vector<1x16xf32>,
      %parallel_loop3A_437 = arith.index_cast %parallel_loop3A_376 : i32 to index
      %parallel_loop3A_438 = arith.constant 80 : index
      %parallel_loop3A_439 = tpu.vector_load %arg6[%parallel_loop3A_437, %parallel_loop3A_438] {strides = array<i32>} : memref<256x128xf32, #tpu.memory_space<vmem>>, vector<1x16xf32>,
      %parallel_loop3A_440 = vector.shape_cast %parallel_loop3A_439 : vector<1x16xf32> to vector<16xf32>
      %parallel_loop3A_441 = arith.constant 11.3137083 : f32
      %parallel_loop3A_442 = vector.broadcast %parallel_loop3A_441 : f32 to vector<16xf32>
      %parallel_loop3A_443 = arith.mulf %parallel_loop3A_440, %parallel_loop3A_442 : vector<16xf32>
      %parallel_loop3A_444 = arith.index_cast %parallel_loop3A_376 : i32 to index
      %parallel_loop3A_445 = arith.constant 80 : index
      %parallel_loop3A_446 = tpu.vector_load %arg6[%parallel_loop3A_444, %parallel_loop3A_445] {strides = array<i32>} : memref<256x128xf32, #tpu.memory_space<vmem>>, vector<1x16xf32>,
      %parallel_loop3A_447 = vector.shape_cast %parallel_loop3A_446 : vector<1x16xf32> to vector<16xf32>
      %parallel_loop3A_448 = vector.shape_cast %parallel_loop3A_443 : vector<16xf32> to vector<1x16xf32>
      tpu.vector_store %arg6[%parallel_loop3A_444, %parallel_loop3A_445], %parallel_loop3A_448 {strides = array<i32>} : memref<256x128xf32, #tpu.memory_space<vmem>>, vector<1x16xf32>,
      %parallel_loop3A_449 = arith.index_cast %parallel_loop3A_376 : i32 to index
      %parallel_loop3A_450 = arith.constant 96 : index
      %parallel_loop3A_451 = tpu.vector_load %arg6[%parallel_loop3A_449, %parallel_loop3A_450] {strides = array<i32>} : memref<256x128xf32, #tpu.memory_space<vmem>>, vector<1x16xf32>,
      %parallel_loop3A_452 = vector.shape_cast %parallel_loop3A_451 : vector<1x16xf32> to vector<16xf32>
      %parallel_loop3A_453 = arith.constant 11.3137083 : f32
      %parallel_loop3A_454 = vector.broadcast %parallel_loop3A_453 : f32 to vector<16xf32>
      %parallel_loop3A_455 = arith.mulf %parallel_loop3A_452, %parallel_loop3A_454 : vector<16xf32>
      %parallel_loop3A_456 = arith.index_cast %parallel_loop3A_376 : i32 to index
      %parallel_loop3A_457 = arith.constant 96 : index
      %parallel_loop3A_458 = tpu.vector_load %arg6[%parallel_loop3A_456, %parallel_loop3A_457] {strides = array<i32>} : memref<256x128xf32, #tpu.memory_space<vmem>>, vector<1x16xf32>,
      %parallel_loop3A_459 = vector.shape_cast %parallel_loop3A_458 : vector<1x16xf32> to vector<16xf32>
      %parallel_loop3A_460 = vector.shape_cast %parallel_loop3A_455 : vector<16xf32> to vector<1x16xf32>
      tpu.vector_store %arg6[%parallel_loop3A_456, %parallel_loop3A_457], %parallel_loop3A_460 {strides = array<i32>} : memref<256x128xf32, #tpu.memory_space<vmem>>, vector<1x16xf32>,
      %parallel_loop3A_461 = arith.index_cast %parallel_loop3A_376 : i32 to index
      %parallel_loop3A_462 = arith.constant 112 : index
      %parallel_loop3A_463 = tpu.vector_load %arg6[%parallel_loop3A_461, %parallel_loop3A_462] {strides = array<i32>} : memref<256x128xf32, #tpu.memory_space<vmem>>, vector<1x16xf32>,
      %parallel_loop3A_464 = vector.shape_cast %parallel_loop3A_463 : vector<1x16xf32> to vector<16xf32>
      %parallel_loop3A_465 = arith.constant 11.3137083 : f32
      %parallel_loop3A_466 = vector.broadcast %parallel_loop3A_465 : f32 to vector<16xf32>
      %parallel_loop3A_467 = arith.mulf %parallel_loop3A_464, %parallel_loop3A_466 : vector<16xf32>
      %parallel_loop3A_468 = arith.index_cast %parallel_loop3A_376 : i32 to index
      %parallel_loop3A_469 = arith.constant 112 : index
      %parallel_loop3A_470 = tpu.vector_load %arg6[%parallel_loop3A_468, %parallel_loop3A_469] {strides = array<i32>} : memref<256x128xf32, #tpu.memory_space<vmem>>, vector<1x16xf32>,
      %parallel_loop3A_471 = vector.shape_cast %parallel_loop3A_470 : vector<1x16xf32> to vector<16xf32>
      %parallel_loop3A_472 = vector.shape_cast %parallel_loop3A_467 : vector<16xf32> to vector<1x16xf32>
      tpu.vector_store %arg6[%parallel_loop3A_468, %parallel_loop3A_469], %parallel_loop3A_472 {strides = array<i32>} : memref<256x128xf32, #tpu.memory_space<vmem>>, vector<1x16xf32>,
    } {sc.loop_unroll_factor = 4 : i64, sc.parallel_access}
    %add3A_223 = arith.constant 24576 : i32
    %add3A_224 = arith.addi %mul3A_2, %add3A_223 : i32
    %dma_start3A_225 = arith.constant 0 : i32
    %dma_start3A_226 = tpu.memref_slice %arg4[%add3A_224, %dma_start3A_225] : memref<819200x128xf32, #tpu.memory_space<hbm>> -> memref<256x128xf32, #tpu.memory_space<hbm>>
    %dma_start3A_227 = arith.constant 0 : i32
    %dma_start3A_228 = tpu.memref_slice %arg4[%add3A_224, %dma_start3A_227] : memref<819200x128xf32, #tpu.memory_space<hbm>> -> memref<256x128xf32, #tpu.memory_space<hbm>>
    tpu.enqueue_dma source(%arg6 : memref<256x128xf32, #tpu.memory_space<vmem>>) target(%dma_start3A_228 : memref<256x128xf32, #tpu.memory_space<hbm>>) target_semaphore(%arg10 : memref<!tpu.dma_semaphore, #tpu.memory_space<semaphore_mem>>)
    %dma_wait3A_229 = arith.constant 0 : i32
    %dma_wait3A_230 = tpu.memref_slice %arg4[%mul3A_2, %dma_wait3A_229] : memref<819200x128xf32, #tpu.memory_space<hbm>> -> memref<256x128xf32, #tpu.memory_space<hbm>>
    %dma_wait3A_231 = arith.constant 0 : i32
    %dma_wait3A_232 = tpu.memref_slice %arg4[%mul3A_2, %dma_wait3A_231] : memref<819200x128xf32, #tpu.memory_space<hbm>> -> memref<256x128xf32, #tpu.memory_space<hbm>>
    tpu.wait_dma2 semaphore(%arg10 : memref<!tpu.dma_semaphore, #tpu.memory_space<semaphore_mem>>) src(%arg6 : memref<256x128xf32, #tpu.memory_space<vmem>>) dst(%dma_wait3A_232 : memref<256x128xf32, #tpu.memory_space<hbm>>)
    %dma_start3A_233 = arith.constant 196 : i32
    %dma_start3A_234 = arith.constant 0 : i32
    %dma_start3A_235 = arith.constant 0 : i32
    %dma_start3A_236 = tpu.memref_slice %arg8[%dma_start3A_234, %dma_start3A_235] : memref<256x128xf32, #tpu.memory_space<vmem>> -> memref<128x128xf32, #tpu.memory_space<vmem>>
    %dma_start3A_237 = arith.constant 0 : i32
    %dma_start3A_238 = tpu.memref_slice %arg5[%dma_start3A_233, %dma_start3A_237] : memref<200x128xi32, #tpu.memory_space<vmem>> -> memref<1x128xi32, #tpu.memory_space<vmem>>
    %dma_start3A_239 = tpu.memref_squeeze %dma_start3A_238 : memref<1x128xi32, #tpu.memory_space<vmem>> -> memref<128xi32, #tpu.memory_space<vmem>>
    %dma_start3A_240 = arith.constant 0 : i32
    %dma_start3A_241 = arith.constant 0 : i32
    %dma_start3A_242 = tpu.memref_slice %arg2[%dma_start3A_240, %dma_start3A_241] : memref<1000000x128xf32, #tpu.memory_space<hbm>> -> memref<1000000x128xf32, #tpu.memory_space<hbm>>
    tpu.enqueue_indirect_dma source(%dma_start3A_242 : memref<1000000x128xf32, #tpu.memory_space<hbm>>) target(%dma_start3A_236 : memref<128x128xf32, #tpu.memory_space<vmem>>) offsets(%dma_start3A_239 : memref<128xi32, #tpu.memory_space<vmem>>) semaphore(%arg9 : memref<!tpu.dma_semaphore, #tpu.memory_space<semaphore_mem>>)
    %dma_start3A_243 = arith.constant 197 : i32
    %dma_start3A_244 = arith.constant 128 : i32
    %dma_start3A_245 = arith.constant 0 : i32
    %dma_start3A_246 = tpu.memref_slice %arg8[%dma_start3A_244, %dma_start3A_245] : memref<256x128xf32, #tpu.memory_space<vmem>> -> memref<128x128xf32, #tpu.memory_space<vmem>>
    %dma_start3A_247 = arith.constant 0 : i32
    %dma_start3A_248 = tpu.memref_slice %arg5[%dma_start3A_243, %dma_start3A_247] : memref<200x128xi32, #tpu.memory_space<vmem>> -> memref<1x128xi32, #tpu.memory_space<vmem>>
    %dma_start3A_249 = tpu.memref_squeeze %dma_start3A_248 : memref<1x128xi32, #tpu.memory_space<vmem>> -> memref<128xi32, #tpu.memory_space<vmem>>
    %dma_start3A_250 = arith.constant 0 : i32
    %dma_start3A_251 = arith.constant 0 : i32
    %dma_start3A_252 = tpu.memref_slice %arg2[%dma_start3A_250, %dma_start3A_251] : memref<1000000x128xf32, #tpu.memory_space<hbm>> -> memref<1000000x128xf32, #tpu.memory_space<hbm>>
    tpu.enqueue_indirect_dma source(%dma_start3A_252 : memref<1000000x128xf32, #tpu.memory_space<hbm>>) target(%dma_start3A_246 : memref<128x128xf32, #tpu.memory_space<vmem>>) offsets(%dma_start3A_249 : memref<128xi32, #tpu.memory_space<vmem>>) semaphore(%arg9 : memref<!tpu.dma_semaphore, #tpu.memory_space<semaphore_mem>>)
    %dma_wait3A_253 = arith.constant 0 : i32
    %dma_wait3A_254 = arith.constant 0 : i32
    %dma_wait3A_255 = arith.constant 0 : i32
    %dma_wait3A_256 = tpu.memref_slice %arg7[%dma_wait3A_254, %dma_wait3A_255] : memref<256x128xf32, #tpu.memory_space<vmem>> -> memref<128x128xf32, #tpu.memory_space<vmem>>
    %dma_wait3A_257 = arith.constant 0 : i32
    %dma_wait3A_258 = tpu.memref_slice %arg5[%dma_wait3A_253, %dma_wait3A_257] : memref<200x128xi32, #tpu.memory_space<vmem>> -> memref<1x128xi32, #tpu.memory_space<vmem>>
    %dma_wait3A_259 = tpu.memref_squeeze %dma_wait3A_258 : memref<1x128xi32, #tpu.memory_space<vmem>> -> memref<128xi32, #tpu.memory_space<vmem>>
    %dma_wait3A_260 = arith.constant 0 : i32
    %dma_wait3A_261 = arith.constant 0 : i32
    %dma_wait3A_262 = tpu.memref_slice %arg2[%dma_wait3A_260, %dma_wait3A_261] : memref<1000000x128xf32, #tpu.memory_space<hbm>> -> memref<1000000x128xf32, #tpu.memory_space<hbm>>
    tpu.wait_indirect_dma semaphore(%arg9 : memref<!tpu.dma_semaphore, #tpu.memory_space<semaphore_mem>>) src(%dma_wait3A_262 : memref<1000000x128xf32, #tpu.memory_space<hbm>>) dst(%dma_wait3A_256 : memref<128x128xf32, #tpu.memory_space<vmem>>)
    %dma_wait3A_263 = arith.constant 0 : i32
    %dma_wait3A_264 = arith.constant 0 : i32
    %dma_wait3A_265 = arith.constant 0 : i32
    %dma_wait3A_266 = tpu.memref_slice %arg7[%dma_wait3A_264, %dma_wait3A_265] : memref<256x128xf32, #tpu.memory_space<vmem>> -> memref<128x128xf32, #tpu.memory_space<vmem>>
    %dma_wait3A_267 = arith.constant 0 : i32
    %dma_wait3A_268 = tpu.memref_slice %arg5[%dma_wait3A_263, %dma_wait3A_267] : memref<200x128xi32, #tpu.memory_space<vmem>> -> memref<1x128xi32, #tpu.memory_space<vmem>>
    %dma_wait3A_269 = tpu.memref_squeeze %dma_wait3A_268 : memref<1x128xi32, #tpu.memory_space<vmem>> -> memref<128xi32, #tpu.memory_space<vmem>>
    %dma_wait3A_270 = arith.constant 0 : i32
    %dma_wait3A_271 = arith.constant 0 : i32
    %dma_wait3A_272 = tpu.memref_slice %arg2[%dma_wait3A_270, %dma_wait3A_271] : memref<1000000x128xf32, #tpu.memory_space<hbm>> -> memref<1000000x128xf32, #tpu.memory_space<hbm>>
    tpu.wait_indirect_dma semaphore(%arg9 : memref<!tpu.dma_semaphore, #tpu.memory_space<semaphore_mem>>) src(%dma_wait3A_272 : memref<1000000x128xf32, #tpu.memory_space<hbm>>) dst(%dma_wait3A_266 : memref<128x128xf32, #tpu.memory_space<vmem>>)
    %parallel_loop3A_273 = arith.constant 0 : i32
    %parallel_loop3A_274 = arith.constant 256 : i32
    %parallel_loop3A_275 = arith.constant 1 : i32
    scf.for %parallel_loop3A_376 = %parallel_loop3A_273 to %parallel_loop3A_274 step %parallel_loop3A_275  : i32 {
      %parallel_loop3A_377 = arith.index_cast %parallel_loop3A_376 : i32 to index
      %parallel_loop3A_378 = arith.constant 0 : index
      %parallel_loop3A_379 = tpu.vector_load %arg7[%parallel_loop3A_377, %parallel_loop3A_378] {strides = array<i32>} : memref<256x128xf32, #tpu.memory_space<vmem>>, vector<1x16xf32>,
      %parallel_loop3A_380 = vector.shape_cast %parallel_loop3A_379 : vector<1x16xf32> to vector<16xf32>
      %parallel_loop3A_381 = arith.constant 11.3137083 : f32
      %parallel_loop3A_382 = vector.broadcast %parallel_loop3A_381 : f32 to vector<16xf32>
      %parallel_loop3A_383 = arith.mulf %parallel_loop3A_380, %parallel_loop3A_382 : vector<16xf32>
      %parallel_loop3A_384 = arith.index_cast %parallel_loop3A_376 : i32 to index
      %parallel_loop3A_385 = arith.constant 0 : index
      %parallel_loop3A_386 = tpu.vector_load %arg7[%parallel_loop3A_384, %parallel_loop3A_385] {strides = array<i32>} : memref<256x128xf32, #tpu.memory_space<vmem>>, vector<1x16xf32>,
      %parallel_loop3A_387 = vector.shape_cast %parallel_loop3A_386 : vector<1x16xf32> to vector<16xf32>
      %parallel_loop3A_388 = vector.shape_cast %parallel_loop3A_383 : vector<16xf32> to vector<1x16xf32>
      tpu.vector_store %arg7[%parallel_loop3A_384, %parallel_loop3A_385], %parallel_loop3A_388 {strides = array<i32>} : memref<256x128xf32, #tpu.memory_space<vmem>>, vector<1x16xf32>,
      %parallel_loop3A_389 = arith.index_cast %parallel_loop3A_376 : i32 to index
      %parallel_loop3A_390 = arith.constant 16 : index
      %parallel_loop3A_391 = tpu.vector_load %arg7[%parallel_loop3A_389, %parallel_loop3A_390] {strides = array<i32>} : memref<256x128xf32, #tpu.memory_space<vmem>>, vector<1x16xf32>,
      %parallel_loop3A_392 = vector.shape_cast %parallel_loop3A_391 : vector<1x16xf32> to vector<16xf32>
      %parallel_loop3A_393 = arith.constant 11.3137083 : f32
      %parallel_loop3A_394 = vector.broadcast %parallel_loop3A_393 : f32 to vector<16xf32>
      %parallel_loop3A_395 = arith.mulf %parallel_loop3A_392, %parallel_loop3A_394 : vector<16xf32>
      %parallel_loop3A_396 = arith.index_cast %parallel_loop3A_376 : i32 to index
      %parallel_loop3A_397 = arith.constant 16 : index
      %parallel_loop3A_398 = tpu.vector_load %arg7[%parallel_loop3A_396, %parallel_loop3A_397] {strides = array<i32>} : memref<256x128xf32, #tpu.memory_space<vmem>>, vector<1x16xf32>,
      %parallel_loop3A_399 = vector.shape_cast %parallel_loop3A_398 : vector<1x16xf32> to vector<16xf32>
      %parallel_loop3A_400 = vector.shape_cast %parallel_loop3A_395 : vector<16xf32> to vector<1x16xf32>
      tpu.vector_store %arg7[%parallel_loop3A_396, %parallel_loop3A_397], %parallel_loop3A_400 {strides = array<i32>} : memref<256x128xf32, #tpu.memory_space<vmem>>, vector<1x16xf32>,
      %parallel_loop3A_401 = arith.index_cast %parallel_loop3A_376 : i32 to index
      %parallel_loop3A_402 = arith.constant 32 : index
      %parallel_loop3A_403 = tpu.vector_load %arg7[%parallel_loop3A_401, %parallel_loop3A_402] {strides = array<i32>} : memref<256x128xf32, #tpu.memory_space<vmem>>, vector<1x16xf32>,
      %parallel_loop3A_404 = vector.shape_cast %parallel_loop3A_403 : vector<1x16xf32> to vector<16xf32>
      %parallel_loop3A_405 = arith.constant 11.3137083 : f32
      %parallel_loop3A_406 = vector.broadcast %parallel_loop3A_405 : f32 to vector<16xf32>
      %parallel_loop3A_407 = arith.mulf %parallel_loop3A_404, %parallel_loop3A_406 : vector<16xf32>
      %parallel_loop3A_408 = arith.index_cast %parallel_loop3A_376 : i32 to index
      %parallel_loop3A_409 = arith.constant 32 : index
      %parallel_loop3A_410 = tpu.vector_load %arg7[%parallel_loop3A_408, %parallel_loop3A_409] {strides = array<i32>} : memref<256x128xf32, #tpu.memory_space<vmem>>, vector<1x16xf32>,
      %parallel_loop3A_411 = vector.shape_cast %parallel_loop3A_410 : vector<1x16xf32> to vector<16xf32>
      %parallel_loop3A_412 = vector.shape_cast %parallel_loop3A_407 : vector<16xf32> to vector<1x16xf32>
      tpu.vector_store %arg7[%parallel_loop3A_408, %parallel_loop3A_409], %parallel_loop3A_412 {strides = array<i32>} : memref<256x128xf32, #tpu.memory_space<vmem>>, vector<1x16xf32>,
      %parallel_loop3A_413 = arith.index_cast %parallel_loop3A_376 : i32 to index
      %parallel_loop3A_414 = arith.constant 48 : index
      %parallel_loop3A_415 = tpu.vector_load %arg7[%parallel_loop3A_413, %parallel_loop3A_414] {strides = array<i32>} : memref<256x128xf32, #tpu.memory_space<vmem>>, vector<1x16xf32>,
      %parallel_loop3A_416 = vector.shape_cast %parallel_loop3A_415 : vector<1x16xf32> to vector<16xf32>
      %parallel_loop3A_417 = arith.constant 11.3137083 : f32
      %parallel_loop3A_418 = vector.broadcast %parallel_loop3A_417 : f32 to vector<16xf32>
      %parallel_loop3A_419 = arith.mulf %parallel_loop3A_416, %parallel_loop3A_418 : vector<16xf32>
      %parallel_loop3A_420 = arith.index_cast %parallel_loop3A_376 : i32 to index
      %parallel_loop3A_421 = arith.constant 48 : index
      %parallel_loop3A_422 = tpu.vector_load %arg7[%parallel_loop3A_420, %parallel_loop3A_421] {strides = array<i32>} : memref<256x128xf32, #tpu.memory_space<vmem>>, vector<1x16xf32>,
      %parallel_loop3A_423 = vector.shape_cast %parallel_loop3A_422 : vector<1x16xf32> to vector<16xf32>
      %parallel_loop3A_424 = vector.shape_cast %parallel_loop3A_419 : vector<16xf32> to vector<1x16xf32>
      tpu.vector_store %arg7[%parallel_loop3A_420, %parallel_loop3A_421], %parallel_loop3A_424 {strides = array<i32>} : memref<256x128xf32, #tpu.memory_space<vmem>>, vector<1x16xf32>,
      %parallel_loop3A_425 = arith.index_cast %parallel_loop3A_376 : i32 to index
      %parallel_loop3A_426 = arith.constant 64 : index
      %parallel_loop3A_427 = tpu.vector_load %arg7[%parallel_loop3A_425, %parallel_loop3A_426] {strides = array<i32>} : memref<256x128xf32, #tpu.memory_space<vmem>>, vector<1x16xf32>,
      %parallel_loop3A_428 = vector.shape_cast %parallel_loop3A_427 : vector<1x16xf32> to vector<16xf32>
      %parallel_loop3A_429 = arith.constant 11.3137083 : f32
      %parallel_loop3A_430 = vector.broadcast %parallel_loop3A_429 : f32 to vector<16xf32>
      %parallel_loop3A_431 = arith.mulf %parallel_loop3A_428, %parallel_loop3A_430 : vector<16xf32>
      %parallel_loop3A_432 = arith.index_cast %parallel_loop3A_376 : i32 to index
      %parallel_loop3A_433 = arith.constant 64 : index
      %parallel_loop3A_434 = tpu.vector_load %arg7[%parallel_loop3A_432, %parallel_loop3A_433] {strides = array<i32>} : memref<256x128xf32, #tpu.memory_space<vmem>>, vector<1x16xf32>,
      %parallel_loop3A_435 = vector.shape_cast %parallel_loop3A_434 : vector<1x16xf32> to vector<16xf32>
      %parallel_loop3A_436 = vector.shape_cast %parallel_loop3A_431 : vector<16xf32> to vector<1x16xf32>
      tpu.vector_store %arg7[%parallel_loop3A_432, %parallel_loop3A_433], %parallel_loop3A_436 {strides = array<i32>} : memref<256x128xf32, #tpu.memory_space<vmem>>, vector<1x16xf32>,
      %parallel_loop3A_437 = arith.index_cast %parallel_loop3A_376 : i32 to index
      %parallel_loop3A_438 = arith.constant 80 : index
      %parallel_loop3A_439 = tpu.vector_load %arg7[%parallel_loop3A_437, %parallel_loop3A_438] {strides = array<i32>} : memref<256x128xf32, #tpu.memory_space<vmem>>, vector<1x16xf32>,
      %parallel_loop3A_440 = vector.shape_cast %parallel_loop3A_439 : vector<1x16xf32> to vector<16xf32>
      %parallel_loop3A_441 = arith.constant 11.3137083 : f32
      %parallel_loop3A_442 = vector.broadcast %parallel_loop3A_441 : f32 to vector<16xf32>
      %parallel_loop3A_443 = arith.mulf %parallel_loop3A_440, %parallel_loop3A_442 : vector<16xf32>
      %parallel_loop3A_444 = arith.index_cast %parallel_loop3A_376 : i32 to index
      %parallel_loop3A_445 = arith.constant 80 : index
      %parallel_loop3A_446 = tpu.vector_load %arg7[%parallel_loop3A_444, %parallel_loop3A_445] {strides = array<i32>} : memref<256x128xf32, #tpu.memory_space<vmem>>, vector<1x16xf32>,
      %parallel_loop3A_447 = vector.shape_cast %parallel_loop3A_446 : vector<1x16xf32> to vector<16xf32>
      %parallel_loop3A_448 = vector.shape_cast %parallel_loop3A_443 : vector<16xf32> to vector<1x16xf32>
      tpu.vector_store %arg7[%parallel_loop3A_444, %parallel_loop3A_445], %parallel_loop3A_448 {strides = array<i32>} : memref<256x128xf32, #tpu.memory_space<vmem>>, vector<1x16xf32>,
      %parallel_loop3A_449 = arith.index_cast %parallel_loop3A_376 : i32 to index
      %parallel_loop3A_450 = arith.constant 96 : index
      %parallel_loop3A_451 = tpu.vector_load %arg7[%parallel_loop3A_449, %parallel_loop3A_450] {strides = array<i32>} : memref<256x128xf32, #tpu.memory_space<vmem>>, vector<1x16xf32>,
      %parallel_loop3A_452 = vector.shape_cast %parallel_loop3A_451 : vector<1x16xf32> to vector<16xf32>
      %parallel_loop3A_453 = arith.constant 11.3137083 : f32
      %parallel_loop3A_454 = vector.broadcast %parallel_loop3A_453 : f32 to vector<16xf32>
      %parallel_loop3A_455 = arith.mulf %parallel_loop3A_452, %parallel_loop3A_454 : vector<16xf32>
      %parallel_loop3A_456 = arith.index_cast %parallel_loop3A_376 : i32 to index
      %parallel_loop3A_457 = arith.constant 96 : index
      %parallel_loop3A_458 = tpu.vector_load %arg7[%parallel_loop3A_456, %parallel_loop3A_457] {strides = array<i32>} : memref<256x128xf32, #tpu.memory_space<vmem>>, vector<1x16xf32>,
      %parallel_loop3A_459 = vector.shape_cast %parallel_loop3A_458 : vector<1x16xf32> to vector<16xf32>
      %parallel_loop3A_460 = vector.shape_cast %parallel_loop3A_455 : vector<16xf32> to vector<1x16xf32>
      tpu.vector_store %arg7[%parallel_loop3A_456, %parallel_loop3A_457], %parallel_loop3A_460 {strides = array<i32>} : memref<256x128xf32, #tpu.memory_space<vmem>>, vector<1x16xf32>,
      %parallel_loop3A_461 = arith.index_cast %parallel_loop3A_376 : i32 to index
      %parallel_loop3A_462 = arith.constant 112 : index
      %parallel_loop3A_463 = tpu.vector_load %arg7[%parallel_loop3A_461, %parallel_loop3A_462] {strides = array<i32>} : memref<256x128xf32, #tpu.memory_space<vmem>>, vector<1x16xf32>,
      %parallel_loop3A_464 = vector.shape_cast %parallel_loop3A_463 : vector<1x16xf32> to vector<16xf32>
      %parallel_loop3A_465 = arith.constant 11.3137083 : f32
      %parallel_loop3A_466 = vector.broadcast %parallel_loop3A_465 : f32 to vector<16xf32>
      %parallel_loop3A_467 = arith.mulf %parallel_loop3A_464, %parallel_loop3A_466 : vector<16xf32>
      %parallel_loop3A_468 = arith.index_cast %parallel_loop3A_376 : i32 to index
      %parallel_loop3A_469 = arith.constant 112 : index
      %parallel_loop3A_470 = tpu.vector_load %arg7[%parallel_loop3A_468, %parallel_loop3A_469] {strides = array<i32>} : memref<256x128xf32, #tpu.memory_space<vmem>>, vector<1x16xf32>,
      %parallel_loop3A_471 = vector.shape_cast %parallel_loop3A_470 : vector<1x16xf32> to vector<16xf32>
      %parallel_loop3A_472 = vector.shape_cast %parallel_loop3A_467 : vector<16xf32> to vector<1x16xf32>
      tpu.vector_store %arg7[%parallel_loop3A_468, %parallel_loop3A_469], %parallel_loop3A_472 {strides = array<i32>} : memref<256x128xf32, #tpu.memory_space<vmem>>, vector<1x16xf32>,
    } {sc.loop_unroll_factor = 4 : i64, sc.parallel_access}
    %add3A_276 = arith.constant 24832 : i32
    %add3A_277 = arith.addi %mul3A_2, %add3A_276 : i32
    %dma_start3A_278 = arith.constant 0 : i32
    %dma_start3A_279 = tpu.memref_slice %arg4[%add3A_277, %dma_start3A_278] : memref<819200x128xf32, #tpu.memory_space<hbm>> -> memref<256x128xf32, #tpu.memory_space<hbm>>
    %dma_start3A_280 = arith.constant 0 : i32
    %dma_start3A_281 = tpu.memref_slice %arg4[%add3A_277, %dma_start3A_280] : memref<819200x128xf32, #tpu.memory_space<hbm>> -> memref<256x128xf32, #tpu.memory_space<hbm>>
    tpu.enqueue_dma source(%arg7 : memref<256x128xf32, #tpu.memory_space<vmem>>) target(%dma_start3A_281 : memref<256x128xf32, #tpu.memory_space<hbm>>) target_semaphore(%arg10 : memref<!tpu.dma_semaphore, #tpu.memory_space<semaphore_mem>>)
    %dma_wait3A_282 = arith.constant 0 : i32
    %dma_wait3A_283 = tpu.memref_slice %arg4[%mul3A_2, %dma_wait3A_282] : memref<819200x128xf32, #tpu.memory_space<hbm>> -> memref<256x128xf32, #tpu.memory_space<hbm>>
    %dma_wait3A_284 = arith.constant 0 : i32
    %dma_wait3A_285 = tpu.memref_slice %arg4[%mul3A_2, %dma_wait3A_284] : memref<819200x128xf32, #tpu.memory_space<hbm>> -> memref<256x128xf32, #tpu.memory_space<hbm>>
    tpu.wait_dma2 semaphore(%arg10 : memref<!tpu.dma_semaphore, #tpu.memory_space<semaphore_mem>>) src(%arg6 : memref<256x128xf32, #tpu.memory_space<vmem>>) dst(%dma_wait3A_285 : memref<256x128xf32, #tpu.memory_space<hbm>>)
    %dma_start3A_286 = arith.constant 198 : i32
    %dma_start3A_287 = arith.constant 0 : i32
    %dma_start3A_288 = arith.constant 0 : i32
    %dma_start3A_289 = tpu.memref_slice %arg6[%dma_start3A_287, %dma_start3A_288] : memref<256x128xf32, #tpu.memory_space<vmem>> -> memref<128x128xf32, #tpu.memory_space<vmem>>
    %dma_start3A_290 = arith.constant 0 : i32
    %dma_start3A_291 = tpu.memref_slice %arg5[%dma_start3A_286, %dma_start3A_290] : memref<200x128xi32, #tpu.memory_space<vmem>> -> memref<1x128xi32, #tpu.memory_space<vmem>>
    %dma_start3A_292 = tpu.memref_squeeze %dma_start3A_291 : memref<1x128xi32, #tpu.memory_space<vmem>> -> memref<128xi32, #tpu.memory_space<vmem>>
    %dma_start3A_293 = arith.constant 0 : i32
    %dma_start3A_294 = arith.constant 0 : i32
    %dma_start3A_295 = tpu.memref_slice %arg2[%dma_start3A_293, %dma_start3A_294] : memref<1000000x128xf32, #tpu.memory_space<hbm>> -> memref<1000000x128xf32, #tpu.memory_space<hbm>>
    tpu.enqueue_indirect_dma source(%dma_start3A_295 : memref<1000000x128xf32, #tpu.memory_space<hbm>>) target(%dma_start3A_289 : memref<128x128xf32, #tpu.memory_space<vmem>>) offsets(%dma_start3A_292 : memref<128xi32, #tpu.memory_space<vmem>>) semaphore(%arg9 : memref<!tpu.dma_semaphore, #tpu.memory_space<semaphore_mem>>)
    %dma_start3A_296 = arith.constant 199 : i32
    %dma_start3A_297 = arith.constant 128 : i32
    %dma_start3A_298 = arith.constant 0 : i32
    %dma_start3A_299 = tpu.memref_slice %arg6[%dma_start3A_297, %dma_start3A_298] : memref<256x128xf32, #tpu.memory_space<vmem>> -> memref<128x128xf32, #tpu.memory_space<vmem>>
    %dma_start3A_300 = arith.constant 0 : i32
    %dma_start3A_301 = tpu.memref_slice %arg5[%dma_start3A_296, %dma_start3A_300] : memref<200x128xi32, #tpu.memory_space<vmem>> -> memref<1x128xi32, #tpu.memory_space<vmem>>
    %dma_start3A_302 = tpu.memref_squeeze %dma_start3A_301 : memref<1x128xi32, #tpu.memory_space<vmem>> -> memref<128xi32, #tpu.memory_space<vmem>>
    %dma_start3A_303 = arith.constant 0 : i32
    %dma_start3A_304 = arith.constant 0 : i32
    %dma_start3A_305 = tpu.memref_slice %arg2[%dma_start3A_303, %dma_start3A_304] : memref<1000000x128xf32, #tpu.memory_space<hbm>> -> memref<1000000x128xf32, #tpu.memory_space<hbm>>
    tpu.enqueue_indirect_dma source(%dma_start3A_305 : memref<1000000x128xf32, #tpu.memory_space<hbm>>) target(%dma_start3A_299 : memref<128x128xf32, #tpu.memory_space<vmem>>) offsets(%dma_start3A_302 : memref<128xi32, #tpu.memory_space<vmem>>) semaphore(%arg9 : memref<!tpu.dma_semaphore, #tpu.memory_space<semaphore_mem>>)
    %dma_wait3A_306 = arith.constant 0 : i32
    %dma_wait3A_307 = arith.constant 0 : i32
    %dma_wait3A_308 = arith.constant 0 : i32
    %dma_wait3A_309 = tpu.memref_slice %arg8[%dma_wait3A_307, %dma_wait3A_308] : memref<256x128xf32, #tpu.memory_space<vmem>> -> memref<128x128xf32, #tpu.memory_space<vmem>>
    %dma_wait3A_310 = arith.constant 0 : i32
    %dma_wait3A_311 = tpu.memref_slice %arg5[%dma_wait3A_306, %dma_wait3A_310] : memref<200x128xi32, #tpu.memory_space<vmem>> -> memref<1x128xi32, #tpu.memory_space<vmem>>
    %dma_wait3A_312 = tpu.memref_squeeze %dma_wait3A_311 : memref<1x128xi32, #tpu.memory_space<vmem>> -> memref<128xi32, #tpu.memory_space<vmem>>
    %dma_wait3A_313 = arith.constant 0 : i32
    %dma_wait3A_314 = arith.constant 0 : i32
    %dma_wait3A_315 = tpu.memref_slice %arg2[%dma_wait3A_313, %dma_wait3A_314] : memref<1000000x128xf32, #tpu.memory_space<hbm>> -> memref<1000000x128xf32, #tpu.memory_space<hbm>>
    tpu.wait_indirect_dma semaphore(%arg9 : memref<!tpu.dma_semaphore, #tpu.memory_space<semaphore_mem>>) src(%dma_wait3A_315 : memref<1000000x128xf32, #tpu.memory_space<hbm>>) dst(%dma_wait3A_309 : memref<128x128xf32, #tpu.memory_space<vmem>>)
    %dma_wait3A_316 = arith.constant 0 : i32
    %dma_wait3A_317 = arith.constant 0 : i32
    %dma_wait3A_318 = arith.constant 0 : i32
    %dma_wait3A_319 = tpu.memref_slice %arg8[%dma_wait3A_317, %dma_wait3A_318] : memref<256x128xf32, #tpu.memory_space<vmem>> -> memref<128x128xf32, #tpu.memory_space<vmem>>
    %dma_wait3A_320 = arith.constant 0 : i32
    %dma_wait3A_321 = tpu.memref_slice %arg5[%dma_wait3A_316, %dma_wait3A_320] : memref<200x128xi32, #tpu.memory_space<vmem>> -> memref<1x128xi32, #tpu.memory_space<vmem>>
    %dma_wait3A_322 = tpu.memref_squeeze %dma_wait3A_321 : memref<1x128xi32, #tpu.memory_space<vmem>> -> memref<128xi32, #tpu.memory_space<vmem>>
    %dma_wait3A_323 = arith.constant 0 : i32
    %dma_wait3A_324 = arith.constant 0 : i32
    %dma_wait3A_325 = tpu.memref_slice %arg2[%dma_wait3A_323, %dma_wait3A_324] : memref<1000000x128xf32, #tpu.memory_space<hbm>> -> memref<1000000x128xf32, #tpu.memory_space<hbm>>
    tpu.wait_indirect_dma semaphore(%arg9 : memref<!tpu.dma_semaphore, #tpu.memory_space<semaphore_mem>>) src(%dma_wait3A_325 : memref<1000000x128xf32, #tpu.memory_space<hbm>>) dst(%dma_wait3A_319 : memref<128x128xf32, #tpu.memory_space<vmem>>)
    %parallel_loop3A_326 = arith.constant 0 : i32
    %parallel_loop3A_327 = arith.constant 256 : i32
    %parallel_loop3A_328 = arith.constant 1 : i32
    scf.for %parallel_loop3A_376 = %parallel_loop3A_326 to %parallel_loop3A_327 step %parallel_loop3A_328  : i32 {
      %parallel_loop3A_377 = arith.index_cast %parallel_loop3A_376 : i32 to index
      %parallel_loop3A_378 = arith.constant 0 : index
      %parallel_loop3A_379 = tpu.vector_load %arg8[%parallel_loop3A_377, %parallel_loop3A_378] {strides = array<i32>} : memref<256x128xf32, #tpu.memory_space<vmem>>, vector<1x16xf32>,
      %parallel_loop3A_380 = vector.shape_cast %parallel_loop3A_379 : vector<1x16xf32> to vector<16xf32>
      %parallel_loop3A_381 = arith.constant 11.3137083 : f32
      %parallel_loop3A_382 = vector.broadcast %parallel_loop3A_381 : f32 to vector<16xf32>
      %parallel_loop3A_383 = arith.mulf %parallel_loop3A_380, %parallel_loop3A_382 : vector<16xf32>
      %parallel_loop3A_384 = arith.index_cast %parallel_loop3A_376 : i32 to index
      %parallel_loop3A_385 = arith.constant 0 : index
      %parallel_loop3A_386 = tpu.vector_load %arg8[%parallel_loop3A_384, %parallel_loop3A_385] {strides = array<i32>} : memref<256x128xf32, #tpu.memory_space<vmem>>, vector<1x16xf32>,
      %parallel_loop3A_387 = vector.shape_cast %parallel_loop3A_386 : vector<1x16xf32> to vector<16xf32>
      %parallel_loop3A_388 = vector.shape_cast %parallel_loop3A_383 : vector<16xf32> to vector<1x16xf32>
      tpu.vector_store %arg8[%parallel_loop3A_384, %parallel_loop3A_385], %parallel_loop3A_388 {strides = array<i32>} : memref<256x128xf32, #tpu.memory_space<vmem>>, vector<1x16xf32>,
      %parallel_loop3A_389 = arith.index_cast %parallel_loop3A_376 : i32 to index
      %parallel_loop3A_390 = arith.constant 16 : index
      %parallel_loop3A_391 = tpu.vector_load %arg8[%parallel_loop3A_389, %parallel_loop3A_390] {strides = array<i32>} : memref<256x128xf32, #tpu.memory_space<vmem>>, vector<1x16xf32>,
      %parallel_loop3A_392 = vector.shape_cast %parallel_loop3A_391 : vector<1x16xf32> to vector<16xf32>
      %parallel_loop3A_393 = arith.constant 11.3137083 : f32
      %parallel_loop3A_394 = vector.broadcast %parallel_loop3A_393 : f32 to vector<16xf32>
      %parallel_loop3A_395 = arith.mulf %parallel_loop3A_392, %parallel_loop3A_394 : vector<16xf32>
      %parallel_loop3A_396 = arith.index_cast %parallel_loop3A_376 : i32 to index
      %parallel_loop3A_397 = arith.constant 16 : index
      %parallel_loop3A_398 = tpu.vector_load %arg8[%parallel_loop3A_396, %parallel_loop3A_397] {strides = array<i32>} : memref<256x128xf32, #tpu.memory_space<vmem>>, vector<1x16xf32>,
      %parallel_loop3A_399 = vector.shape_cast %parallel_loop3A_398 : vector<1x16xf32> to vector<16xf32>
      %parallel_loop3A_400 = vector.shape_cast %parallel_loop3A_395 : vector<16xf32> to vector<1x16xf32>
      tpu.vector_store %arg8[%parallel_loop3A_396, %parallel_loop3A_397], %parallel_loop3A_400 {strides = array<i32>} : memref<256x128xf32, #tpu.memory_space<vmem>>, vector<1x16xf32>,
      %parallel_loop3A_401 = arith.index_cast %parallel_loop3A_376 : i32 to index
      %parallel_loop3A_402 = arith.constant 32 : index
      %parallel_loop3A_403 = tpu.vector_load %arg8[%parallel_loop3A_401, %parallel_loop3A_402] {strides = array<i32>} : memref<256x128xf32, #tpu.memory_space<vmem>>, vector<1x16xf32>,
      %parallel_loop3A_404 = vector.shape_cast %parallel_loop3A_403 : vector<1x16xf32> to vector<16xf32>
      %parallel_loop3A_405 = arith.constant 11.3137083 : f32
      %parallel_loop3A_406 = vector.broadcast %parallel_loop3A_405 : f32 to vector<16xf32>
      %parallel_loop3A_407 = arith.mulf %parallel_loop3A_404, %parallel_loop3A_406 : vector<16xf32>
      %parallel_loop3A_408 = arith.index_cast %parallel_loop3A_376 : i32 to index
      %parallel_loop3A_409 = arith.constant 32 : index
      %parallel_loop3A_410 = tpu.vector_load %arg8[%parallel_loop3A_408, %parallel_loop3A_409] {strides = array<i32>} : memref<256x128xf32, #tpu.memory_space<vmem>>, vector<1x16xf32>,
      %parallel_loop3A_411 = vector.shape_cast %parallel_loop3A_410 : vector<1x16xf32> to vector<16xf32>
      %parallel_loop3A_412 = vector.shape_cast %parallel_loop3A_407 : vector<16xf32> to vector<1x16xf32>
      tpu.vector_store %arg8[%parallel_loop3A_408, %parallel_loop3A_409], %parallel_loop3A_412 {strides = array<i32>} : memref<256x128xf32, #tpu.memory_space<vmem>>, vector<1x16xf32>,
      %parallel_loop3A_413 = arith.index_cast %parallel_loop3A_376 : i32 to index
      %parallel_loop3A_414 = arith.constant 48 : index
      %parallel_loop3A_415 = tpu.vector_load %arg8[%parallel_loop3A_413, %parallel_loop3A_414] {strides = array<i32>} : memref<256x128xf32, #tpu.memory_space<vmem>>, vector<1x16xf32>,
      %parallel_loop3A_416 = vector.shape_cast %parallel_loop3A_415 : vector<1x16xf32> to vector<16xf32>
      %parallel_loop3A_417 = arith.constant 11.3137083 : f32
      %parallel_loop3A_418 = vector.broadcast %parallel_loop3A_417 : f32 to vector<16xf32>
      %parallel_loop3A_419 = arith.mulf %parallel_loop3A_416, %parallel_loop3A_418 : vector<16xf32>
      %parallel_loop3A_420 = arith.index_cast %parallel_loop3A_376 : i32 to index
      %parallel_loop3A_421 = arith.constant 48 : index
      %parallel_loop3A_422 = tpu.vector_load %arg8[%parallel_loop3A_420, %parallel_loop3A_421] {strides = array<i32>} : memref<256x128xf32, #tpu.memory_space<vmem>>, vector<1x16xf32>,
      %parallel_loop3A_423 = vector.shape_cast %parallel_loop3A_422 : vector<1x16xf32> to vector<16xf32>
      %parallel_loop3A_424 = vector.shape_cast %parallel_loop3A_419 : vector<16xf32> to vector<1x16xf32>
      tpu.vector_store %arg8[%parallel_loop3A_420, %parallel_loop3A_421], %parallel_loop3A_424 {strides = array<i32>} : memref<256x128xf32, #tpu.memory_space<vmem>>, vector<1x16xf32>,
      %parallel_loop3A_425 = arith.index_cast %parallel_loop3A_376 : i32 to index
      %parallel_loop3A_426 = arith.constant 64 : index
      %parallel_loop3A_427 = tpu.vector_load %arg8[%parallel_loop3A_425, %parallel_loop3A_426] {strides = array<i32>} : memref<256x128xf32, #tpu.memory_space<vmem>>, vector<1x16xf32>,
      %parallel_loop3A_428 = vector.shape_cast %parallel_loop3A_427 : vector<1x16xf32> to vector<16xf32>
      %parallel_loop3A_429 = arith.constant 11.3137083 : f32
      %parallel_loop3A_430 = vector.broadcast %parallel_loop3A_429 : f32 to vector<16xf32>
      %parallel_loop3A_431 = arith.mulf %parallel_loop3A_428, %parallel_loop3A_430 : vector<16xf32>
      %parallel_loop3A_432 = arith.index_cast %parallel_loop3A_376 : i32 to index
      %parallel_loop3A_433 = arith.constant 64 : index
      %parallel_loop3A_434 = tpu.vector_load %arg8[%parallel_loop3A_432, %parallel_loop3A_433] {strides = array<i32>} : memref<256x128xf32, #tpu.memory_space<vmem>>, vector<1x16xf32>,
      %parallel_loop3A_435 = vector.shape_cast %parallel_loop3A_434 : vector<1x16xf32> to vector<16xf32>
      %parallel_loop3A_436 = vector.shape_cast %parallel_loop3A_431 : vector<16xf32> to vector<1x16xf32>
      tpu.vector_store %arg8[%parallel_loop3A_432, %parallel_loop3A_433], %parallel_loop3A_436 {strides = array<i32>} : memref<256x128xf32, #tpu.memory_space<vmem>>, vector<1x16xf32>,
      %parallel_loop3A_437 = arith.index_cast %parallel_loop3A_376 : i32 to index
      %parallel_loop3A_438 = arith.constant 80 : index
      %parallel_loop3A_439 = tpu.vector_load %arg8[%parallel_loop3A_437, %parallel_loop3A_438] {strides = array<i32>} : memref<256x128xf32, #tpu.memory_space<vmem>>, vector<1x16xf32>,
      %parallel_loop3A_440 = vector.shape_cast %parallel_loop3A_439 : vector<1x16xf32> to vector<16xf32>
      %parallel_loop3A_441 = arith.constant 11.3137083 : f32
      %parallel_loop3A_442 = vector.broadcast %parallel_loop3A_441 : f32 to vector<16xf32>
      %parallel_loop3A_443 = arith.mulf %parallel_loop3A_440, %parallel_loop3A_442 : vector<16xf32>
      %parallel_loop3A_444 = arith.index_cast %parallel_loop3A_376 : i32 to index
      %parallel_loop3A_445 = arith.constant 80 : index
      %parallel_loop3A_446 = tpu.vector_load %arg8[%parallel_loop3A_444, %parallel_loop3A_445] {strides = array<i32>} : memref<256x128xf32, #tpu.memory_space<vmem>>, vector<1x16xf32>,
      %parallel_loop3A_447 = vector.shape_cast %parallel_loop3A_446 : vector<1x16xf32> to vector<16xf32>
      %parallel_loop3A_448 = vector.shape_cast %parallel_loop3A_443 : vector<16xf32> to vector<1x16xf32>
      tpu.vector_store %arg8[%parallel_loop3A_444, %parallel_loop3A_445], %parallel_loop3A_448 {strides = array<i32>} : memref<256x128xf32, #tpu.memory_space<vmem>>, vector<1x16xf32>,
      %parallel_loop3A_449 = arith.index_cast %parallel_loop3A_376 : i32 to index
      %parallel_loop3A_450 = arith.constant 96 : index
      %parallel_loop3A_451 = tpu.vector_load %arg8[%parallel_loop3A_449, %parallel_loop3A_450] {strides = array<i32>} : memref<256x128xf32, #tpu.memory_space<vmem>>, vector<1x16xf32>,
      %parallel_loop3A_452 = vector.shape_cast %parallel_loop3A_451 : vector<1x16xf32> to vector<16xf32>
      %parallel_loop3A_453 = arith.constant 11.3137083 : f32
      %parallel_loop3A_454 = vector.broadcast %parallel_loop3A_453 : f32 to vector<16xf32>
      %parallel_loop3A_455 = arith.mulf %parallel_loop3A_452, %parallel_loop3A_454 : vector<16xf32>
      %parallel_loop3A_456 = arith.index_cast %parallel_loop3A_376 : i32 to index
      %parallel_loop3A_457 = arith.constant 96 : index
      %parallel_loop3A_458 = tpu.vector_load %arg8[%parallel_loop3A_456, %parallel_loop3A_457] {strides = array<i32>} : memref<256x128xf32, #tpu.memory_space<vmem>>, vector<1x16xf32>,
      %parallel_loop3A_459 = vector.shape_cast %parallel_loop3A_458 : vector<1x16xf32> to vector<16xf32>
      %parallel_loop3A_460 = vector.shape_cast %parallel_loop3A_455 : vector<16xf32> to vector<1x16xf32>
      tpu.vector_store %arg8[%parallel_loop3A_456, %parallel_loop3A_457], %parallel_loop3A_460 {strides = array<i32>} : memref<256x128xf32, #tpu.memory_space<vmem>>, vector<1x16xf32>,
      %parallel_loop3A_461 = arith.index_cast %parallel_loop3A_376 : i32 to index
      %parallel_loop3A_462 = arith.constant 112 : index
      %parallel_loop3A_463 = tpu.vector_load %arg8[%parallel_loop3A_461, %parallel_loop3A_462] {strides = array<i32>} : memref<256x128xf32, #tpu.memory_space<vmem>>, vector<1x16xf32>,
      %parallel_loop3A_464 = vector.shape_cast %parallel_loop3A_463 : vector<1x16xf32> to vector<16xf32>
      %parallel_loop3A_465 = arith.constant 11.3137083 : f32
      %parallel_loop3A_466 = vector.broadcast %parallel_loop3A_465 : f32 to vector<16xf32>
      %parallel_loop3A_467 = arith.mulf %parallel_loop3A_464, %parallel_loop3A_466 : vector<16xf32>
      %parallel_loop3A_468 = arith.index_cast %parallel_loop3A_376 : i32 to index
      %parallel_loop3A_469 = arith.constant 112 : index
      %parallel_loop3A_470 = tpu.vector_load %arg8[%parallel_loop3A_468, %parallel_loop3A_469] {strides = array<i32>} : memref<256x128xf32, #tpu.memory_space<vmem>>, vector<1x16xf32>,
      %parallel_loop3A_471 = vector.shape_cast %parallel_loop3A_470 : vector<1x16xf32> to vector<16xf32>
      %parallel_loop3A_472 = vector.shape_cast %parallel_loop3A_467 : vector<16xf32> to vector<1x16xf32>
      tpu.vector_store %arg8[%parallel_loop3A_468, %parallel_loop3A_469], %parallel_loop3A_472 {strides = array<i32>} : memref<256x128xf32, #tpu.memory_space<vmem>>, vector<1x16xf32>,
    } {sc.loop_unroll_factor = 4 : i64, sc.parallel_access}
    %add3A_329 = arith.constant 25088 : i32
    %add3A_330 = arith.addi %mul3A_2, %add3A_329 : i32
    %dma_start3A_331 = arith.constant 0 : i32
    %dma_start3A_332 = tpu.memref_slice %arg4[%add3A_330, %dma_start3A_331] : memref<819200x128xf32, #tpu.memory_space<hbm>> -> memref<256x128xf32, #tpu.memory_space<hbm>>
    %dma_start3A_333 = arith.constant 0 : i32
    %dma_start3A_334 = tpu.memref_slice %arg4[%add3A_330, %dma_start3A_333] : memref<819200x128xf32, #tpu.memory_space<hbm>> -> memref<256x128xf32, #tpu.memory_space<hbm>>
    tpu.enqueue_dma source(%arg8 : memref<256x128xf32, #tpu.memory_space<vmem>>) target(%dma_start3A_334 : memref<256x128xf32, #tpu.memory_space<hbm>>) target_semaphore(%arg10 : memref<!tpu.dma_semaphore, #tpu.memory_space<semaphore_mem>>)
    %dma_wait3A_335 = arith.constant 0 : i32
    %dma_wait3A_336 = tpu.memref_slice %arg4[%mul3A_2, %dma_wait3A_335] : memref<819200x128xf32, #tpu.memory_space<hbm>> -> memref<256x128xf32, #tpu.memory_space<hbm>>
    %dma_wait3A_337 = arith.constant 0 : i32
    %dma_wait3A_338 = tpu.memref_slice %arg4[%mul3A_2, %dma_wait3A_337] : memref<819200x128xf32, #tpu.memory_space<hbm>> -> memref<256x128xf32, #tpu.memory_space<hbm>>
    tpu.wait_dma2 semaphore(%arg10 : memref<!tpu.dma_semaphore, #tpu.memory_space<semaphore_mem>>) src(%arg6 : memref<256x128xf32, #tpu.memory_space<vmem>>) dst(%dma_wait3A_338 : memref<256x128xf32, #tpu.memory_space<hbm>>)
    %dma_wait3A_339 = arith.constant 0 : i32
    %dma_wait3A_340 = arith.constant 0 : i32
    %dma_wait3A_341 = arith.constant 0 : i32
    %dma_wait3A_342 = tpu.memref_slice %arg6[%dma_wait3A_340, %dma_wait3A_341] : memref<256x128xf32, #tpu.memory_space<vmem>> -> memref<128x128xf32, #tpu.memory_space<vmem>>
    %dma_wait3A_343 = arith.constant 0 : i32
    %dma_wait3A_344 = tpu.memref_slice %arg5[%dma_wait3A_339, %dma_wait3A_343] : memref<200x128xi32, #tpu.memory_space<vmem>> -> memref<1x128xi32, #tpu.memory_space<vmem>>
    %dma_wait3A_345 = tpu.memref_squeeze %dma_wait3A_344 : memref<1x128xi32, #tpu.memory_space<vmem>> -> memref<128xi32, #tpu.memory_space<vmem>>
    %dma_wait3A_346 = arith.constant 0 : i32
    %dma_wait3A_347 = arith.constant 0 : i32
    %dma_wait3A_348 = tpu.memref_slice %arg2[%dma_wait3A_346, %dma_wait3A_347] : memref<1000000x128xf32, #tpu.memory_space<hbm>> -> memref<1000000x128xf32, #tpu.memory_space<hbm>>
    tpu.wait_indirect_dma semaphore(%arg9 : memref<!tpu.dma_semaphore, #tpu.memory_space<semaphore_mem>>) src(%dma_wait3A_348 : memref<1000000x128xf32, #tpu.memory_space<hbm>>) dst(%dma_wait3A_342 : memref<128x128xf32, #tpu.memory_space<vmem>>)
    %dma_wait3A_349 = arith.constant 0 : i32
    %dma_wait3A_350 = arith.constant 0 : i32
    %dma_wait3A_351 = arith.constant 0 : i32
    %dma_wait3A_352 = tpu.memref_slice %arg6[%dma_wait3A_350, %dma_wait3A_351] : memref<256x128xf32, #tpu.memory_space<vmem>> -> memref<128x128xf32, #tpu.memory_space<vmem>>
    %dma_wait3A_353 = arith.constant 0 : i32
    %dma_wait3A_354 = tpu.memref_slice %arg5[%dma_wait3A_349, %dma_wait3A_353] : memref<200x128xi32, #tpu.memory_space<vmem>> -> memref<1x128xi32, #tpu.memory_space<vmem>>
    %dma_wait3A_355 = tpu.memref_squeeze %dma_wait3A_354 : memref<1x128xi32, #tpu.memory_space<vmem>> -> memref<128xi32, #tpu.memory_space<vmem>>
    %dma_wait3A_356 = arith.constant 0 : i32
    %dma_wait3A_357 = arith.constant 0 : i32
    %dma_wait3A_358 = tpu.memref_slice %arg2[%dma_wait3A_356, %dma_wait3A_357] : memref<1000000x128xf32, #tpu.memory_space<hbm>> -> memref<1000000x128xf32, #tpu.memory_space<hbm>>
    tpu.wait_indirect_dma semaphore(%arg9 : memref<!tpu.dma_semaphore, #tpu.memory_space<semaphore_mem>>) src(%dma_wait3A_358 : memref<1000000x128xf32, #tpu.memory_space<hbm>>) dst(%dma_wait3A_352 : memref<128x128xf32, #tpu.memory_space<vmem>>)
    %parallel_loop3A_359 = arith.constant 0 : i32
    %parallel_loop3A_360 = arith.constant 256 : i32
    %parallel_loop3A_361 = arith.constant 1 : i32
    scf.for %parallel_loop3A_376 = %parallel_loop3A_359 to %parallel_loop3A_360 step %parallel_loop3A_361  : i32 {
      %parallel_loop3A_377 = arith.index_cast %parallel_loop3A_376 : i32 to index
      %parallel_loop3A_378 = arith.constant 0 : index
      %parallel_loop3A_379 = tpu.vector_load %arg6[%parallel_loop3A_377, %parallel_loop3A_378] {strides = array<i32>} : memref<256x128xf32, #tpu.memory_space<vmem>>, vector<1x16xf32>,
      %parallel_loop3A_380 = vector.shape_cast %parallel_loop3A_379 : vector<1x16xf32> to vector<16xf32>
      %parallel_loop3A_381 = arith.constant 11.3137083 : f32
      %parallel_loop3A_382 = vector.broadcast %parallel_loop3A_381 : f32 to vector<16xf32>
      %parallel_loop3A_383 = arith.mulf %parallel_loop3A_380, %parallel_loop3A_382 : vector<16xf32>
      %parallel_loop3A_384 = arith.index_cast %parallel_loop3A_376 : i32 to index
      %parallel_loop3A_385 = arith.constant 0 : index
      %parallel_loop3A_386 = tpu.vector_load %arg6[%parallel_loop3A_384, %parallel_loop3A_385] {strides = array<i32>} : memref<256x128xf32, #tpu.memory_space<vmem>>, vector<1x16xf32>,
      %parallel_loop3A_387 = vector.shape_cast %parallel_loop3A_386 : vector<1x16xf32> to vector<16xf32>
      %parallel_loop3A_388 = vector.shape_cast %parallel_loop3A_383 : vector<16xf32> to vector<1x16xf32>
      tpu.vector_store %arg6[%parallel_loop3A_384, %parallel_loop3A_385], %parallel_loop3A_388 {strides = array<i32>} : memref<256x128xf32, #tpu.memory_space<vmem>>, vector<1x16xf32>,
      %parallel_loop3A_389 = arith.index_cast %parallel_loop3A_376 : i32 to index
      %parallel_loop3A_390 = arith.constant 16 : index
      %parallel_loop3A_391 = tpu.vector_load %arg6[%parallel_loop3A_389, %parallel_loop3A_390] {strides = array<i32>} : memref<256x128xf32, #tpu.memory_space<vmem>>, vector<1x16xf32>,
      %parallel_loop3A_392 = vector.shape_cast %parallel_loop3A_391 : vector<1x16xf32> to vector<16xf32>
      %parallel_loop3A_393 = arith.constant 11.3137083 : f32
      %parallel_loop3A_394 = vector.broadcast %parallel_loop3A_393 : f32 to vector<16xf32>
      %parallel_loop3A_395 = arith.mulf %parallel_loop3A_392, %parallel_loop3A_394 : vector<16xf32>
      %parallel_loop3A_396 = arith.index_cast %parallel_loop3A_376 : i32 to index
      %parallel_loop3A_397 = arith.constant 16 : index
      %parallel_loop3A_398 = tpu.vector_load %arg6[%parallel_loop3A_396, %parallel_loop3A_397] {strides = array<i32>} : memref<256x128xf32, #tpu.memory_space<vmem>>, vector<1x16xf32>,
      %parallel_loop3A_399 = vector.shape_cast %parallel_loop3A_398 : vector<1x16xf32> to vector<16xf32>
      %parallel_loop3A_400 = vector.shape_cast %parallel_loop3A_395 : vector<16xf32> to vector<1x16xf32>
      tpu.vector_store %arg6[%parallel_loop3A_396, %parallel_loop3A_397], %parallel_loop3A_400 {strides = array<i32>} : memref<256x128xf32, #tpu.memory_space<vmem>>, vector<1x16xf32>,
      %parallel_loop3A_401 = arith.index_cast %parallel_loop3A_376 : i32 to index
      %parallel_loop3A_402 = arith.constant 32 : index
      %parallel_loop3A_403 = tpu.vector_load %arg6[%parallel_loop3A_401, %parallel_loop3A_402] {strides = array<i32>} : memref<256x128xf32, #tpu.memory_space<vmem>>, vector<1x16xf32>,
      %parallel_loop3A_404 = vector.shape_cast %parallel_loop3A_403 : vector<1x16xf32> to vector<16xf32>
      %parallel_loop3A_405 = arith.constant 11.3137083 : f32
      %parallel_loop3A_406 = vector.broadcast %parallel_loop3A_405 : f32 to vector<16xf32>
      %parallel_loop3A_407 = arith.mulf %parallel_loop3A_404, %parallel_loop3A_406 : vector<16xf32>
      %parallel_loop3A_408 = arith.index_cast %parallel_loop3A_376 : i32 to index
      %parallel_loop3A_409 = arith.constant 32 : index
      %parallel_loop3A_410 = tpu.vector_load %arg6[%parallel_loop3A_408, %parallel_loop3A_409] {strides = array<i32>} : memref<256x128xf32, #tpu.memory_space<vmem>>, vector<1x16xf32>,
      %parallel_loop3A_411 = vector.shape_cast %parallel_loop3A_410 : vector<1x16xf32> to vector<16xf32>
      %parallel_loop3A_412 = vector.shape_cast %parallel_loop3A_407 : vector<16xf32> to vector<1x16xf32>
      tpu.vector_store %arg6[%parallel_loop3A_408, %parallel_loop3A_409], %parallel_loop3A_412 {strides = array<i32>} : memref<256x128xf32, #tpu.memory_space<vmem>>, vector<1x16xf32>,
      %parallel_loop3A_413 = arith.index_cast %parallel_loop3A_376 : i32 to index
      %parallel_loop3A_414 = arith.constant 48 : index
      %parallel_loop3A_415 = tpu.vector_load %arg6[%parallel_loop3A_413, %parallel_loop3A_414] {strides = array<i32>} : memref<256x128xf32, #tpu.memory_space<vmem>>, vector<1x16xf32>,
      %parallel_loop3A_416 = vector.shape_cast %parallel_loop3A_415 : vector<1x16xf32> to vector<16xf32>
      %parallel_loop3A_417 = arith.constant 11.3137083 : f32
      %parallel_loop3A_418 = vector.broadcast %parallel_loop3A_417 : f32 to vector<16xf32>
      %parallel_loop3A_419 = arith.mulf %parallel_loop3A_416, %parallel_loop3A_418 : vector<16xf32>
      %parallel_loop3A_420 = arith.index_cast %parallel_loop3A_376 : i32 to index
      %parallel_loop3A_421 = arith.constant 48 : index
      %parallel_loop3A_422 = tpu.vector_load %arg6[%parallel_loop3A_420, %parallel_loop3A_421] {strides = array<i32>} : memref<256x128xf32, #tpu.memory_space<vmem>>, vector<1x16xf32>,
      %parallel_loop3A_423 = vector.shape_cast %parallel_loop3A_422 : vector<1x16xf32> to vector<16xf32>
      %parallel_loop3A_424 = vector.shape_cast %parallel_loop3A_419 : vector<16xf32> to vector<1x16xf32>
      tpu.vector_store %arg6[%parallel_loop3A_420, %parallel_loop3A_421], %parallel_loop3A_424 {strides = array<i32>} : memref<256x128xf32, #tpu.memory_space<vmem>>, vector<1x16xf32>,
      %parallel_loop3A_425 = arith.index_cast %parallel_loop3A_376 : i32 to index
      %parallel_loop3A_426 = arith.constant 64 : index
      %parallel_loop3A_427 = tpu.vector_load %arg6[%parallel_loop3A_425, %parallel_loop3A_426] {strides = array<i32>} : memref<256x128xf32, #tpu.memory_space<vmem>>, vector<1x16xf32>,
      %parallel_loop3A_428 = vector.shape_cast %parallel_loop3A_427 : vector<1x16xf32> to vector<16xf32>
      %parallel_loop3A_429 = arith.constant 11.3137083 : f32
      %parallel_loop3A_430 = vector.broadcast %parallel_loop3A_429 : f32 to vector<16xf32>
      %parallel_loop3A_431 = arith.mulf %parallel_loop3A_428, %parallel_loop3A_430 : vector<16xf32>
      %parallel_loop3A_432 = arith.index_cast %parallel_loop3A_376 : i32 to index
      %parallel_loop3A_433 = arith.constant 64 : index
      %parallel_loop3A_434 = tpu.vector_load %arg6[%parallel_loop3A_432, %parallel_loop3A_433] {strides = array<i32>} : memref<256x128xf32, #tpu.memory_space<vmem>>, vector<1x16xf32>,
      %parallel_loop3A_435 = vector.shape_cast %parallel_loop3A_434 : vector<1x16xf32> to vector<16xf32>
      %parallel_loop3A_436 = vector.shape_cast %parallel_loop3A_431 : vector<16xf32> to vector<1x16xf32>
      tpu.vector_store %arg6[%parallel_loop3A_432, %parallel_loop3A_433], %parallel_loop3A_436 {strides = array<i32>} : memref<256x128xf32, #tpu.memory_space<vmem>>, vector<1x16xf32>,
      %parallel_loop3A_437 = arith.index_cast %parallel_loop3A_376 : i32 to index
      %parallel_loop3A_438 = arith.constant 80 : index
      %parallel_loop3A_439 = tpu.vector_load %arg6[%parallel_loop3A_437, %parallel_loop3A_438] {strides = array<i32>} : memref<256x128xf32, #tpu.memory_space<vmem>>, vector<1x16xf32>,
      %parallel_loop3A_440 = vector.shape_cast %parallel_loop3A_439 : vector<1x16xf32> to vector<16xf32>
      %parallel_loop3A_441 = arith.constant 11.3137083 : f32
      %parallel_loop3A_442 = vector.broadcast %parallel_loop3A_441 : f32 to vector<16xf32>
      %parallel_loop3A_443 = arith.mulf %parallel_loop3A_440, %parallel_loop3A_442 : vector<16xf32>
      %parallel_loop3A_444 = arith.index_cast %parallel_loop3A_376 : i32 to index
      %parallel_loop3A_445 = arith.constant 80 : index
      %parallel_loop3A_446 = tpu.vector_load %arg6[%parallel_loop3A_444, %parallel_loop3A_445] {strides = array<i32>} : memref<256x128xf32, #tpu.memory_space<vmem>>, vector<1x16xf32>,
      %parallel_loop3A_447 = vector.shape_cast %parallel_loop3A_446 : vector<1x16xf32> to vector<16xf32>
      %parallel_loop3A_448 = vector.shape_cast %parallel_loop3A_443 : vector<16xf32> to vector<1x16xf32>
      tpu.vector_store %arg6[%parallel_loop3A_444, %parallel_loop3A_445], %parallel_loop3A_448 {strides = array<i32>} : memref<256x128xf32, #tpu.memory_space<vmem>>, vector<1x16xf32>,
      %parallel_loop3A_449 = arith.index_cast %parallel_loop3A_376 : i32 to index
      %parallel_loop3A_450 = arith.constant 96 : index
      %parallel_loop3A_451 = tpu.vector_load %arg6[%parallel_loop3A_449, %parallel_loop3A_450] {strides = array<i32>} : memref<256x128xf32, #tpu.memory_space<vmem>>, vector<1x16xf32>,
      %parallel_loop3A_452 = vector.shape_cast %parallel_loop3A_451 : vector<1x16xf32> to vector<16xf32>
      %parallel_loop3A_453 = arith.constant 11.3137083 : f32
      %parallel_loop3A_454 = vector.broadcast %parallel_loop3A_453 : f32 to vector<16xf32>
      %parallel_loop3A_455 = arith.mulf %parallel_loop3A_452, %parallel_loop3A_454 : vector<16xf32>
      %parallel_loop3A_456 = arith.index_cast %parallel_loop3A_376 : i32 to index
      %parallel_loop3A_457 = arith.constant 96 : index
      %parallel_loop3A_458 = tpu.vector_load %arg6[%parallel_loop3A_456, %parallel_loop3A_457] {strides = array<i32>} : memref<256x128xf32, #tpu.memory_space<vmem>>, vector<1x16xf32>,
      %parallel_loop3A_459 = vector.shape_cast %parallel_loop3A_458 : vector<1x16xf32> to vector<16xf32>
      %parallel_loop3A_460 = vector.shape_cast %parallel_loop3A_455 : vector<16xf32> to vector<1x16xf32>
      tpu.vector_store %arg6[%parallel_loop3A_456, %parallel_loop3A_457], %parallel_loop3A_460 {strides = array<i32>} : memref<256x128xf32, #tpu.memory_space<vmem>>, vector<1x16xf32>,
      %parallel_loop3A_461 = arith.index_cast %parallel_loop3A_376 : i32 to index
      %parallel_loop3A_462 = arith.constant 112 : index
      %parallel_loop3A_463 = tpu.vector_load %arg6[%parallel_loop3A_461, %parallel_loop3A_462] {strides = array<i32>} : memref<256x128xf32, #tpu.memory_space<vmem>>, vector<1x16xf32>,
      %parallel_loop3A_464 = vector.shape_cast %parallel_loop3A_463 : vector<1x16xf32> to vector<16xf32>
      %parallel_loop3A_465 = arith.constant 11.3137083 : f32
      %parallel_loop3A_466 = vector.broadcast %parallel_loop3A_465 : f32 to vector<16xf32>
      %parallel_loop3A_467 = arith.mulf %parallel_loop3A_464, %parallel_loop3A_466 : vector<16xf32>
      %parallel_loop3A_468 = arith.index_cast %parallel_loop3A_376 : i32 to index
      %parallel_loop3A_469 = arith.constant 112 : index
      %parallel_loop3A_470 = tpu.vector_load %arg6[%parallel_loop3A_468, %parallel_loop3A_469] {strides = array<i32>} : memref<256x128xf32, #tpu.memory_space<vmem>>, vector<1x16xf32>,
      %parallel_loop3A_471 = vector.shape_cast %parallel_loop3A_470 : vector<1x16xf32> to vector<16xf32>
      %parallel_loop3A_472 = vector.shape_cast %parallel_loop3A_467 : vector<16xf32> to vector<1x16xf32>
      tpu.vector_store %arg6[%parallel_loop3A_468, %parallel_loop3A_469], %parallel_loop3A_472 {strides = array<i32>} : memref<256x128xf32, #tpu.memory_space<vmem>>, vector<1x16xf32>,
    } {sc.loop_unroll_factor = 4 : i64, sc.parallel_access}
    %add3A_362 = arith.constant 25344 : i32
    %add3A_363 = arith.addi %mul3A_2, %add3A_362 : i32
    %dma_start3A_364 = arith.constant 0 : i32
    %dma_start3A_365 = tpu.memref_slice %arg4[%add3A_363, %dma_start3A_364] : memref<819200x128xf32, #tpu.memory_space<hbm>> -> memref<256x128xf32, #tpu.memory_space<hbm>>
    %dma_start3A_366 = arith.constant 0 : i32
    %dma_start3A_367 = tpu.memref_slice %arg4[%add3A_363, %dma_start3A_366] : memref<819200x128xf32, #tpu.memory_space<hbm>> -> memref<256x128xf32, #tpu.memory_space<hbm>>
    tpu.enqueue_dma source(%arg6 : memref<256x128xf32, #tpu.memory_space<vmem>>) target(%dma_start3A_367 : memref<256x128xf32, #tpu.memory_space<hbm>>) target_semaphore(%arg10 : memref<!tpu.dma_semaphore, #tpu.memory_space<semaphore_mem>>)
    %dma_wait3A_368 = arith.constant 0 : i32
    %dma_wait3A_369 = tpu.memref_slice %arg4[%mul3A_2, %dma_wait3A_368] : memref<819200x128xf32, #tpu.memory_space<hbm>> -> memref<256x128xf32, #tpu.memory_space<hbm>>
    %dma_wait3A_370 = arith.constant 0 : i32
    %dma_wait3A_371 = tpu.memref_slice %arg4[%mul3A_2, %dma_wait3A_370] : memref<819200x128xf32, #tpu.memory_space<hbm>> -> memref<256x128xf32, #tpu.memory_space<hbm>>
    tpu.wait_dma2 semaphore(%arg10 : memref<!tpu.dma_semaphore, #tpu.memory_space<semaphore_mem>>) src(%arg6 : memref<256x128xf32, #tpu.memory_space<vmem>>) dst(%dma_wait3A_371 : memref<256x128xf32, #tpu.memory_space<hbm>>)
    %dma_wait3A_372 = arith.constant 0 : i32
    %dma_wait3A_373 = tpu.memref_slice %arg4[%mul3A_2, %dma_wait3A_372] : memref<819200x128xf32, #tpu.memory_space<hbm>> -> memref<256x128xf32, #tpu.memory_space<hbm>>
    %dma_wait3A_374 = arith.constant 0 : i32
    %dma_wait3A_375 = tpu.memref_slice %arg4[%mul3A_2, %dma_wait3A_374] : memref<819200x128xf32, #tpu.memory_space<hbm>> -> memref<256x128xf32, #tpu.memory_space<hbm>>
    tpu.wait_dma2 semaphore(%arg10 : memref<!tpu.dma_semaphore, #tpu.memory_space<semaphore_mem>>) src(%arg6 : memref<256x128xf32, #tpu.memory_space<vmem>>) dst(%dma_wait3A_375 : memref<256x128xf32, #tpu.memory_space<hbm>>)
    return
  }
}

</mosaic_0001>

<sc_bundles>
// kernel: kernel.3.cloned.1.call-start
scs
__scs_entry_jumppad:
0x0: {  	(pc) =	sbr.rel $0x88, $3  }
0x1: {  	(tag) =	ssettag $0x0;
	lr =	simm.s32 $0x1  }
0x2: {  	[smem:$0x3F9F] =	sst lr;
	_ =	strace $0xD0000000  }
0x3: {  	_ = 	snop  }
0x4: {  	_ = 	snop  }
0x5: {  	_ = 	snop  }
0x6: {  	_ = 	snop  }
0x7: {  	_ = 	snop  }
__scs_overlays_trampoline_lowered:
0x8: {  	[smem:$0x3FAE] =	sst s0  }
0x9: {  	[smem:$0x3FAF] =	sst s1  }
0xa: {  	[smem:$0x3FB0] =	sst s2  }
0xb: {  	[smem:$0x3FB1] =	sst s3  }
0xc: {  	[smem:$0x3FB2] =	sst s4  }
0xd: {  	[smem:$0x3FB3] =	sst s5  }
0xe: {  	[smem:$0x3FB4] =	sst s6  }
0xf: {  	[smem:$0x3FB5] =	sst s7  }
0x10: {  	[smem:$0x3FB6] =	sst s8  }
0x11: {  	[smem:$0x3FB7] =	sst s9;
	s0 =	simm.s32 @!p0 $0x0  }
0x12: {  	s1 =	sld [smem:$0x3F9D];
	s0 =	simm.s32 @p0 $0x1  }
0x13: {  	[smem:$0x3FB8] =	sst s0;
	s0 =	simm.s32 @!p1 $0x0  }
0x14: {  	s2 =	sld [smem:$0x3F9C];
	s0 =	simm.s32 @p1 $0x1  }
0x15: {  	[smem:$0x3FB9] =	sst s0;
	s0 =	simm.s32 @!p2 $0x0  }
0x16: {  	s3 =	sld [smem:$0x3FDB];
	s0 =	simm.s32 @p2 $0x1  }
0x17: {  	s4 =	simm.s32 $0x1BF5;
	[smem:$0x3FBB] =	sst s0  }
0x18: {  	s0 =	sld [smem:$0x3F9E];
	_ =	swait.ge [sflag:s4], $0x0  }
0x19: {  	s7 =	sld [smem:$0x3F9F]  }
0x1a: {  	s8 =	sadd.s32 $0xFFFFE003, lr  }
0x1b: {  	s9 =	sadd.s32 $0xFFFFFEF7, lr;
	s5 =	simm.s32 $0xFFFFFFFF;
	p2 =	slt.u32 s8, $0xFFFFF086  }
0x1c: {  	p1 =	slt.u32 s9, $0xF7A;
	s5 =	simm.s32 @!p2 $0x0  }
0x1d: {  	s5 =	simm.s32 @p1 $0x1;
	p0 =	seq.s32 s7, s2  }
0x1e: {  	s7 =	smul.u32 @!p0 $0xF7A, s2;
	p2 =	seq.s32 @!p0 s5, $0x0  }
0x1f: {  	s9 =	smul.u32 $0xF7A, s1;
	s8 =	simm.s32 @!p0 $0x1BF5;
	p2 =	por !p2, p0  }
0x20: {  	[sflag:s8] =	ssyncset.s32 @!p0 $0xFFFFF086;
	s6 =	sadd.s32 @!p0 s3, s7;
	s7 =	simm.s32 @!p0 $0x108  }
0x21: {  	s3 =	sadd.s32 s3, s9;
	s6 =	sadd.s32 @!p0 $0x88, s6;
	s7 =	simm.s32 @p2 $0x1082  }
0x22: {  	[simem:s7], [sflag:s8] =	dma.local @!p0 [hbm:s6], $0xF7A  }
0x23: {  	s9 =	sor.u32 $0xD0000000, s2;
	s6 =	simm.s32 $0x108;
	_ =	swait.ge @!p0 [sflag:s8], $0x0  }
0x24: {  	s3 =	sadd.s32 $0x88, s3;
	s6 =	simm.s32 @!p1 $0x1082;
	[sflag:s4] =	ssyncset.s32 $0xFFFFF086  }
0x25: {  	[simem:s6], [sflag:s4] =	dma.local [hbm:s3], $0xF7A  }
0x26: {  	[smem:$0x3F9F] =	sst s1;
	(tag) =	ssettag s2;
	_ =	strace s9  }
0x27: {  	s1 =	sld [smem:$0x3FAF]  }
0x28: {  	s2 =	sld [smem:$0x3FB0]  }
0x29: {  	s4 =	sld [smem:$0x3FB2]  }
0x2a: {  	p0 =	seq.s32 s5, $0x0;
	s5 =	sld [smem:$0x3FB3]  }
0x2b: {  	s6 =	sld [smem:$0x3FB4]  }
0x2c: {  	s7 =	sld [smem:$0x3FB5]  }
0x2d: {  	s3 =	simm.s32 $0x108;
	s8 =	sld [smem:$0x3FB6]  }
0x2e: {  	s3 =	simm.s32 @!p0 $0x1082;
	s9 =	sld [smem:$0x3FB7]  }
0x2f: {  	lr =	sadd.s32 s0, s3;
	s0 =	sld [smem:$0x3FAE]  }
0x30: {  	s3 =	sld [smem:$0x3FB1]  }
0x31: {  	[smem:$0x3FBA] =	sst s10  }
0x32: {  	s10 =	sld [smem:$0x3FB8];
	_ =	sdelay $0x3  }
0x33: {  	p0 =	seq.s32 s10, $0x1;
	s10 =	sld [smem:$0x3FBA];
	_ =	sdelay $0x3  }
0x34: {  	[smem:$0x3FBA] =	sst s10  }
0x35: {  	s10 =	sld [smem:$0x3FB9];
	_ =	sdelay $0x3  }
0x36: {  	p1 =	seq.s32 s10, $0x1;
	s10 =	sld [smem:$0x3FBA];
	_ =	sdelay $0x3  }
0x37: {  	[smem:$0x3FBA] =	sst s10  }
0x38: {  	s10 =	sld [smem:$0x3FBB]  }
0x39: {  	_ = 	snop;
	(pc) =	sbr.ind lr, $3  }
0x3a: {  	_ = 	snop  }
0x3b: {  	_ = 	snop  }
0x3c: {  	p2 =	seq.s32 s10, $0x1;
	s10 =	sld [smem:$0x3FBA]  }
0x3d: {  	_ =	shalt  }
0x3e: {  	_ =	shalt  }
0x3f: {  	_ =	shalt  }
0x40: {  	_ =	shalt  }
0x41: {  	_ =	shalt  }
0x42: {  	_ =	shalt  }
0x43: {  	_ =	shalt  }
0x44: {  	_ =	shalt  }
0x45: {  	_ =	shalt  }
0x46: {  	_ =	shalt  }
0x47: {  	_ =	shalt  }
0x48: {  	_ =	shalt  }
0x49: {  	_ =	shalt  }
0x4a: {  	_ =	shalt  }
0x4b: {  	_ =	shalt  }
0x4c: {  	_ =	shalt  }
0x4d: {  	_ =	shalt  }
0x4e: {  	_ =	shalt  }
0x4f: {  	_ =	shalt  }
0x50: {  	_ =	shalt  }
0x51: {  	_ =	shalt  }
0x52: {  	_ =	shalt  }
0x53: {  	_ =	shalt  }
0x54: {  	_ =	shalt  }
0x55: {  	_ =	shalt  }
0x56: {  	_ =	shalt  }
0x57: {  	_ =	shalt  }
0x58: {  	_ =	shalt  }
0x59: {  	_ =	shalt  }
0x5a: {  	_ =	shalt  }
0x5b: {  	_ =	shalt  }
0x5c: {  	_ =	shalt  }
0x5d: {  	_ =	shalt  }
0x5e: {  	_ =	shalt  }
0x5f: {  	_ =	shalt  }
0x60: {  	_ =	shalt  }
0x61: {  	_ =	shalt  }
0x62: {  	_ =	shalt  }
0x63: {  	_ =	shalt  }
0x64: {  	_ =	shalt  }
0x65: {  	_ =	shalt  }
0x66: {  	_ =	shalt  }
0x67: {  	_ =	shalt  }
0x68: {  	_ =	shalt  }
0x69: {  	_ =	shalt  }
0x6a: {  	_ =	shalt  }
0x6b: {  	_ =	shalt  }
0x6c: {  	_ =	shalt  }
0x6d: {  	_ =	shalt  }
0x6e: {  	_ =	shalt  }
0x6f: {  	_ =	shalt  }
0x70: {  	_ =	shalt  }
0x71: {  	_ =	shalt  }
0x72: {  	_ =	shalt  }
0x73: {  	_ =	shalt  }
0x74: {  	_ =	shalt  }
0x75: {  	_ =	shalt  }
0x76: {  	_ =	shalt  }
0x77: {  	_ =	shalt  }
0x78: {  	_ =	shalt  }
0x79: {  	_ =	shalt  }
0x7a: {  	_ =	shalt  }
0x7b: {  	_ =	shalt  }
0x7c: {  	_ =	shalt  }
0x7d: {  	_ =	shalt  }
0x7e: {  	_ =	shalt  }
0x7f: {  	_ =	shalt  }
0x80: {  	_ =	shalt  }
0x81: {  	_ =	shalt  }
0x82: {  	_ =	shalt  }
0x83: {  	_ =	shalt  }
0x84: {  	_ =	shalt  }
0x85: {  	_ =	shalt  }
0x86: {  	_ =	shalt  }
0x87: {  	_ =	shalt  }
.Lfunc_end0:
.L_simem_size_0:
called_computation_lowered:
.L_overlay_start_0:
0x88: {  	s2 =	sld [smem:$0x3FD9]  }
0x89: {  	s3 =	sld [smem:$0x3FFE];
	_ =	sdelay $0x1  }
0x8a: {  	s1 =	srdreg.scid  }
0x8b: {  	s0 =	sand.u32 $0x1, s1  }
0x8c: {  	s17 =	sshll.u32 s0, $0xA;
	s2 =	sadd.s32 s3, s2  }
0x8d: {  	s2 =	sadd.s32 s2, s17  }
0x8e: {  	[smem:$0x3FC6] =	sst s2  }
0x8f: {  	_ = 	snop  }
0x90: {  	s2 =	sld [smem:$0x3FC8]  }
0x91: {  	s18 =	sld [smem:$0x3FD0];
	(tm) =	ssettm $0x1  }
0x92: {  	s4 =	sld [smem:$0x3FFB];
	_ =	sdelay $0x3  }
0x93: {  	_ =	strace s4  }
0x94: {  	s4 =	sld [smem:$0x3FFC];
	_ =	sdelay $0x3  }
0x95: {  	_ =	strace s4  }
0x96: {  	s4 =	sld [smem:$0x3FFD];
	_ =	sdelay $0x3  }
0x97: {  	_ =	strace s4  }
0x98: {  	_ =	strace $0x8FFFFFFF  }
0x99: {  	s19 =	sld [smem:$0x3FDB];
	_ =	sdelay $0x1  }
0x9a: {  	s5 =	simm.s32 $_scs_section_size  }
0x9b: {  	s6 =	simm.s32 $_size__tile_overlayer_lowered;
	s7 =	simm.s32 $_tile_overlayer_lowered  }
0x9c: {  	s22 =	simm.s32 $0x1BFF;
	s21 =	sshll.u32 s7, $0x1;
	s4 =	sadd.s32 s5, s19  }
0x9d: {  	s8 =	simm.s32 $0x0;
	s20 =	sshll.u32 s6, $0x1;
	s6 =	sadd.s32 s21, s4  }
0x9e: {  	[timem:s8], [sflag:s22] =	dma.local [hbm:s6], s20  }
0x9f: {  	_ =	swait.ge [sflag:s22], s20  }
0xa0: {  	s5 =	ssub.s32 $0x0, s20;
	[sflag:s22] =	ssyncset.done $0x0  }
0xa1: {  	[sflag:s22] =	ssyncadd.s32 s5;
	_ =	sdelay $0x1  }
0xa2: {  	s23 =	simm.s32 $0x1B8B  }
0xa3: {  	_ =	swait.ge [sflag:s23], $0x1  }
0xa4: {  	[sflag:s23] =	ssyncset.done $0x0  }
0xa5: {  	s25 =	simm.s32 $0x1B8E;
	s24 =	sld [smem:$0x3FFE];
	[sflag:s23] =	ssyncadd.s32 $0xFFFFFFFF  }
0xa6: {  	s26 =	simm.s32 $execute0_lowered;
	[smem:$0x3FD2] =	sst s25  }
0xa7: {  	s6 =	sshll.u32 s26, $0x1;
	_ =	strace $0x80000046;
	[dreg:$0x1] =	wrdreg $0xFFFFFFFF  }
0xa8: {  	s28 =	simm.s32 $_size_execute0_lowered;
	s4 =	sadd.s32 s4, s6;
	[dreg:$0x0] =	wrdreg $0x0  }
0xa9: {  	s6 =	sshll.u32 s28, $0x1;
	[dreg:$0x2] =	wrdreg s4  }
0xaa: {  	[dreg:$0x3] =	wrdreg s6  }
0xab: {  	[dreg:$0x4] =	wrdreg $0xC0  }
0xac: {  	_ =	task [dreg:s8], $0x5FFFF  }
0xad: {  	[dreg:$0x1] =	wrdreg $0xFFFFFFFF  }
0xae: {  	[dreg:$0x0] =	wrdreg $0x60  }
0xaf: {  	[dreg:$0x2] =	wrdreg s2  }
0xb0: {  	[dreg:$0x3] =	wrdreg s24  }
0xb1: {  	[dreg:$0x4] =	wrdreg s18  }
0xb2: {  	[dreg:$0x5] =	wrdreg $0x9  }
0xb3: {  	_ =	task.clear_ibuf [dreg:s8], $0x6FFFF;
	_ =	strace $0x90000046  }
0xb4: {  	s29 =	simm.s32 $0x9;
	_ =	strace $0x80000048  }
0xb5: {  	_ =	swait.ge [sflag:s29], $0x1  }
0xb6: {  	[sflag:s29] =	ssyncadd.s32 $0xFFFFFFFF  }
0xb7: {  	_ =	strace $0x90000048  }
0xb8: {  	_ =	sfence  }
0xb9: {  	s30 =	sld [smem:$0x0];
	_ =	sdelay $0x2  }
0xba: {  	s31 =	sshll.u32 s1, $0xD;
	s1 =	sshrl.u32 s1, $0x2  }
0xbb: {  	s3 =	sand.u32 $0x4000, s31;
	s1 =	sadd.s32 s1, s30  }
0xbc: {  	s0 =	sor.u32 s3, s0;
	s1 =	sshll.u32 s1, $0x11  }
0xbd: {  	s0 =	sor.u32 s1, s0  }
0xbe: {  	s0 =	sadd.s32 $0x8F2B, s0  }
0xbf: {  	[sflag:s0] =	ssyncadd.remote.s32 $0x1  }
0xc0: {  	_ =	sfence.sel $0xFFFF  }
0xc1: {  	[dreg:$0x0] =	wrdreg $0xFFFFFFFF;
	(pc) =	sbr.abs _section_cstart, $3  }
0xc2: {  	[dreg:$0x1] =	wrdreg $0xFFFFFFFF  }
0xc3: {  	_ =	task.clear_ibuf [dreg:s8], $0x2FFFF;
	_ =	strace $0x9FFFFFFF  }
0xc4: {  	(tm) =	ssettm $0x7FFFFFFF  }
0xc5: {  	_ =	shalt  }
tec
execute0_lowered:
.L_overlay_start_1:
0x0: {  	(tag) =	ssettag $0x1  }
0x1: {  	s1 =	rddreg [dreg:$0x0];
	s0 =	srdreg.scid  }
0x2: {  	s3 =	stileid.u32;
	s2 =	rddreg [dreg:$0x1]  }
0x3: {  	s17 =	simm.s32 $0x3;
	s18 =	simm.s32 $0x80;
	s19 =	simm.s32 $0x6400  }
0x4: {  	s20 =	simm.s32 $0xA400;
	s22 =	simm.s32 $0xE400;
	s24 =	simm.s32 $0x12400  }
0x5: {  	s28 =	simm.s32 $0x16400;
	s0 =	sand.u32 $0x1, s0;
	s4 =	sshll.u32 s3, $0x1  }
0x6: {  	s30 =	simm.s32 $0x1A400;
	s31 =	simm.s32 $0x2;
	s6 =	sor.u32 s0, s4  }
0x7: {  	s21 =	simm.s32 $0x0;
	s3 =	rddreg [dreg:$0x2];
	s5 =	smul.u32 $0x6400, s6  }
0x8: {  	s4 =	simm.s32 $0x0;
	s0 =	ssub.s32 $0x2, s0;
	s7 =	smul.u32 $0x64000, s6  }
0x9: {  	[smem:$0x7FF] =	sst s4;
	s6 =	smul.u32 $0x320000, s6;
	s25 =	sshrl.u32 s0, $0x1  }
0xa: {  	_ =	strace $0x80000047;
	s0 =	ssub.s32 s0, s25;
	s25 =	simm.s32 $0x1  }
0xb: {  	s8 =	sshrl.u32 s5, $0x3;
	s7 =	sadd.s32 s3, s7;
	s26 =	sshrl.u32 s6, $0x3  }
0xc: {  	s11 =	sor.u32 $0x100, s5;
	s16 =	smax.u32 s0, $0x1;
	s2 =	sadd.s32 s8, s2  }
0xd: {  	s9 =	sadd.s32 $0x1000, s7;
	s29 =	sadd.s32 s3, s26;
	s10 =	sadd.s32 $0x2000, s7  }
0xe: {  	s2 =	sadd.s32 $0x400, s2;
	s12 =	sadd.s32 $0x60000, s29;
	s13 =	sadd.s32 $0x61000, s29  }
0xf: {  	s14 =	sadd.s32 $0x62000, s29;
	s15 =	sadd.s32 $0x63000, s29;
	[dreg:$0x4] =	wrdreg s2  }
.LBB2_1:
0x10: {  	s0 =	rddreg [dreg:$0x4]  }
0x11: {  	[tilespmem:s4], [sflag:$0x3] =	stream.linear.gather [hbm4b:s0+s4], $0x6400, $0x38;
	[tilespmem:$0x1E400] =	vst v63  }
0x12: {  	_ =	swait.ge [sflag:s17], $0x6400  }
0x13: {  	[sflag:s17] =	ssyncset.done $0x0  }
0x14: {  	[sflag:s17] =	ssyncadd.s32 $0xFFFF9C00  }
0x15: {  	[tilespmem:s19], [sflag:$0x1] =	stream.indirect.gather [hbm4b:s1+s18], $0x80, s4, s18, $0xb8;
	[tilespmem:$0x1E400] =	vst v63  }
0x16: {  	_ = 	snop  }
0x17: {  	[tilespmem:s20], [sflag:$0x1] =	stream.indirect.gather [hbm4b:s1+s18], $0x80, s18, s18, $0xb8;
	[tilespmem:$0x1E400] =	vst v63  }
0x18: {  	s26 =	simm.s32 $0x100  }
0x19: {  	[tilespmem:s22], [sflag:$0x1] =	stream.indirect.gather [hbm4b:s1+s18], $0x80, s26, s18, $0xb8;
	[tilespmem:$0x1E400] =	vst v63  }
0x1a: {  	s29 =	simm.s32 $0x180  }
0x1b: {  	[tilespmem:s24], [sflag:$0x1] =	stream.indirect.gather [hbm4b:s1+s18], $0x80, s29, s18, $0xb8;
	[tilespmem:$0x1E400] =	vst v63  }
0x1c: {  	_ =	swait.ge [sflag:s25], $0x4000  }
0x1d: {  	[sflag:s25] =	ssyncset.done $0x0  }
0x1e: {  	[sflag:s25] =	ssyncadd.s32 $0xFFFFC000  }
0x1f: {  	_ =	swait.ge [sflag:s25], $0x4000  }
0x20: {  	[sflag:s25] =	ssyncset.done $0x0  }
0x21: {  	s2 =	simm.s32 $0x6500;
	[sflag:s25] =	ssyncadd.s32 $0xFFFFC000  }
0x22: {  	v0 =	vld [tilespmem:s2+$0xF0]  }
0x23: {  	v1 =	vld [tilespmem:s2+$0xFFFFFF10]  }
0x24: {  	v2 =	vld [tilespmem:s2+$0xFFFFFF20]  }
0x25: {  	v3 =	vld [tilespmem:s2+$0xFFFFFF30]  }
0x26: {  	v6 =	vld [tilespmem:s2+$0xFFFFFF60]  }
0x27: {  	v4 =	vld [tilespmem:s2+$0xFFFFFF40]  }
0x28: {  	v5 =	vld [tilespmem:s2+$0xFFFFFF50];
	v0 =	vmul.f32 $1.131370830e+01, v0  }
0x29: {  	v8 =	vld [tilespmem:s2+$0xFFFFFF80];
	v1 =	vmul.f32 $1.131370830e+01, v1  }
0x2a: {  	v7 =	vld [tilespmem:s2+$0xFFFFFF70];
	v2 =	vmul.f32 $1.131370830e+01, v2;
	[tilespmem:s2+$0xF0] =	vst v0  }
0x2b: {  	v6 =	vmul.f32 $1.131370830e+01, v6;
	v0 =	vld [tilespmem:s2+$0xFFFFFF90];
	[tilespmem:s2+$0xFFFFFF10] =	vst v1  }
0x2c: {  	v1 =	vmul.f32 $1.131370830e+01, v3;
	v3 =	vld [tilespmem:s2+$0xFFFFFFA0];
	[tilespmem:s2+$0xFFFFFF20] =	vst v2;
	v2 =	vmul.f32 $1.131370830e+01, v4  }
0x2d: {  	[tilespmem:s2+$0xFFFFFF60] =	vst v6;
	v6 =	vld [tilespmem:s2+$0xFFFFFFF0]  }
0x2e: {  	v4 =	vld [tilespmem:s2+$0xFFFFFFB0];
	[tilespmem:s2+$0xFFFFFF40] =	vst v2;
	v2 =	vmul.f32 $1.131370830e+01, v8  }
0x2f: {  	[tilespmem:s2+$0xFFFFFF30] =	vst v1;
	v1 =	vmul.f32 $1.131370830e+01, v5;
	v5 =	vld [tilespmem:s2+$0xFFFFFFC0]  }
0x30: {  	v8 =	vld [tilespmem:s2+$0xFFFFFFD0];
	[tilespmem:s2+$0xFFFFFF80] =	vst v2;
	v2 =	vmul.f32 $1.131370830e+01, v7  }
0x31: {  	[tilespmem:s2+$0xFFFFFF50] =	vst v1;
	v1 =	vld [tilespmem:s2+$0xFFFFFFE0];
	v0 =	vmul.f32 $1.131370830e+01, v0  }
0x32: {  	v7 =	vld [tilespmem:s2+$0x30];
	v6 =	vmul.f32 $1.131370830e+01, v6;
	[tilespmem:s2+$0xFFFFFF70] =	vst v2  }
0x33: {  	v2 =	vmul.f32 $1.131370830e+01, v3;
	v3 =	vld [tilespmem:s2+$0x0];
	[tilespmem:s2+$0xFFFFFF90] =	vst v0  }
0x34: {  	v0 =	vmul.f32 $1.131370830e+01, v4;
	v4 =	vld [tilespmem:s2+$0x10];
	[tilespmem:s2+$0xFFFFFFF0] =	vst v6  }
0x35: {  	[tilespmem:s2+$0xFFFFFFA0] =	vst v2;
	v2 =	vmul.f32 $1.131370830e+01, v5;
	v5 =	vld [tilespmem:s2+$0x20]  }
0x36: {  	v6 =	vld [tilespmem:s2+$0x80];
	[tilespmem:s2+$0xFFFFFFB0] =	vst v0;
	v0 =	vmul.f32 $1.131370830e+01, v8  }
0x37: {  	v1 =	vmul.f32 $1.131370830e+01, v1;
	[tilespmem:s2+$0xFFFFFFC0] =	vst v2;
	v2 =	vld [tilespmem:s2+$0x40]  }
0x38: {  	[tilespmem:s2+$0xFFFFFFD0] =	vst v0;
	v0 =	vmul.f32 $1.131370830e+01, v3  }
0x39: {  	v3 =	vld [tilespmem:s2+$0x50];
	[tilespmem:s2+$0xFFFFFFE0] =	vst v1;
	v4 =	vmul.f32 $1.131370830e+01, v4  }
0x3a: {  	v1 =	vld [tilespmem:s2+$0x60];
	[tilespmem:s2+$0x0] =	vst v0;
	v0 =	vmul.f32 $1.131370830e+01, v5  }
0x3b: {  	v6 =	vmul.f32 $1.131370830e+01, v6;
	v5 =	vld [tilespmem:s2+$0x70];
	[tilespmem:s2+$0x10] =	vst v4  }
0x3c: {  	v4 =	vmul.f32 $1.131370830e+01, v7;
	v7 =	vld [tilespmem:s2+$0x90];
	[tilespmem:s2+$0x20] =	vst v0;
	v0 =	vmul.f32 $1.131370830e+01, v2  }
0x3d: {  	v8 =	vld [tilespmem:s2+$0xA0];
	[tilespmem:s2+$0x80] =	vst v6  }
0x3e: {  	v2 =	vmul.f32 $1.131370830e+01, v3;
	[tilespmem:s2+$0x40] =	vst v0;
	v0 =	vld [tilespmem:s2+$0xB0]  }
0x3f: {  	[tilespmem:s2+$0x30] =	vst v4;
	v3 =	vmul.f32 $1.131370830e+01, v1;
	v1 =	vld [tilespmem:s2+$0xC0]  }
0x40: {  	[tilespmem:s2+$0x50] =	vst v2;
	v4 =	vmul.f32 $1.131370830e+01, v5;
	v2 =	vld [tilespmem:s2+$0xD0]  }
0x41: {  	[tilespmem:s2+$0x60] =	vst v3;
	v3 =	vld [tilespmem:s2+$0xE0];
	v5 =	vmul.f32 $1.131370830e+01, v7  }
0x42: {  	s23 =	simm.s32 $0x0;
	s0 =	simm.s32 $0x6700;
	v6 =	vmul.f32 $1.131370830e+01, v8;
	[tilespmem:s2+$0x70] =	vst v4;
	v4 =	vld [tilespmem:s2+$0xFFFFFF00]  }
.LBB2_2:
0x43: {  	v7 =	vld [tilespmem:s0+$0xF0];
	s23 =	sadd.s32 $0x4, s23;
	[tilespmem:s2+$0x90] =	vst v5;
	v0 =	vmul.f32 $1.131370830e+01, v0  }
0x44: {  	v5 =	vld [tilespmem:s0+$0xFFFFFF10];
	p0 =	slt.u32 s23, $0xFC;
	[tilespmem:s2+$0xA0] =	vst v6;
	v1 =	vmul.f32 $1.131370830e+01, v1  }
0x45: {  	v6 =	vld [tilespmem:s0+$0xFFFFFF20];
	[tilespmem:s2+$0xB0] =	vst v0;
	v0 =	vmul.f32 $1.131370830e+01, v2  }
0x46: {  	v2 =	vld [tilespmem:s0+$0xFFFFFF30];
	[tilespmem:s2+$0xC0] =	vst v1;
	v1 =	vmul.f32 $1.131370830e+01, v3  }
0x47: {  	v3 =	vld [tilespmem:s0+$0xFFFFFF40];
	v4 =	vmul.f32 $1.131370830e+01, v4;
	[tilespmem:s2+$0xD0] =	vst v0  }
0x48: {  	v0 =	vld [tilespmem:s0+$0xFFFFFF50];
	v7 =	vmul.f32 $1.131370830e+01, v7;
	[tilespmem:s2+$0xE0] =	vst v1  }
0x49: {  	v1 =	vmul.f32 $1.131370830e+01, v5;
	v5 =	vld [tilespmem:s0+$0xFFFFFF60];
	[tilespmem:s2+$0xFFFFFF00] =	vst v4;
	s2 =	smov.u32 s0  }
0x4a: {  	v4 =	vmul.f32 $1.131370830e+01, v6;
	v6 =	vld [tilespmem:s0+$0xFFFFFF70];
	[tilespmem:s0+$0xF0] =	vst v7  }
0x4b: {  	[tilespmem:s0+$0xFFFFFF10] =	vst v1;
	v1 =	vmul.f32 $1.131370830e+01, v2;
	v2 =	vld [tilespmem:s0+$0xFFFFFF80]  }
0x4c: {  	[tilespmem:s0+$0xFFFFFF20] =	vst v4;
	v3 =	vmul.f32 $1.131370830e+01, v3;
	v4 =	vld [tilespmem:s0+$0xFFFFFF90]  }
0x4d: {  	[tilespmem:s0+$0xFFFFFF30] =	vst v1;
	v0 =	vmul.f32 $1.131370830e+01, v0;
	v1 =	vld [tilespmem:s0+$0xFFFFFFA0]  }
0x4e: {  	[tilespmem:s0+$0xFFFFFF40] =	vst v3;
	v3 =	vmul.f32 $1.131370830e+01, v5;
	v5 =	vld [tilespmem:s0+$0xFFFFFFB0]  }
0x4f: {  	[tilespmem:s0+$0xFFFFFF50] =	vst v0;
	v0 =	vmul.f32 $1.131370830e+01, v6;
	v6 =	vld [tilespmem:s0+$0xFFFFFFC0]  }
0x50: {  	[tilespmem:s0+$0xFFFFFF60] =	vst v3;
	v2 =	vmul.f32 $1.131370830e+01, v2;
	v3 =	vld [tilespmem:s0+$0xFFFFFFD0]  }
0x51: {  	[tilespmem:s0+$0xFFFFFF70] =	vst v0;
	v0 =	vmul.f32 $1.131370830e+01, v4;
	v4 =	vld [tilespmem:s0+$0xFFFFFFE0]  }
0x52: {  	[tilespmem:s0+$0xFFFFFF80] =	vst v2;
	v1 =	vmul.f32 $1.131370830e+01, v1;
	v2 =	vld [tilespmem:s0+$0xFFFFFFF0]  }
0x53: {  	[tilespmem:s0+$0xFFFFFF90] =	vst v0;
	v0 =	vmul.f32 $1.131370830e+01, v5;
	v5 =	vld [tilespmem:s0+$0x0]  }
0x54: {  	[tilespmem:s0+$0xFFFFFFA0] =	vst v1;
	v1 =	vmul.f32 $1.131370830e+01, v6;
	v6 =	vld [tilespmem:s0+$0x10]  }
0x55: {  	[tilespmem:s0+$0xFFFFFFB0] =	vst v0;
	v0 =	vmul.f32 $1.131370830e+01, v3;
	v3 =	vld [tilespmem:s0+$0x20]  }
0x56: {  	[tilespmem:s0+$0xFFFFFFC0] =	vst v1;
	v1 =	vmul.f32 $1.131370830e+01, v4;
	v4 =	vld [tilespmem:s0+$0x30]  }
0x57: {  	[tilespmem:s0+$0xFFFFFFD0] =	vst v0;
	v0 =	vmul.f32 $1.131370830e+01, v2;
	v2 =	vld [tilespmem:s0+$0x40]  }
0x58: {  	[tilespmem:s0+$0xFFFFFFE0] =	vst v1;
	v1 =	vmul.f32 $1.131370830e+01, v5;
	v5 =	vld [tilespmem:s0+$0x50]  }
0x59: {  	[tilespmem:s0+$0xFFFFFFF0] =	vst v0;
	v0 =	vmul.f32 $1.131370830e+01, v6;
	v6 =	vld [tilespmem:s0+$0x60]  }
0x5a: {  	[tilespmem:s0+$0x0] =	vst v1;
	v1 =	vmul.f32 $1.131370830e+01, v3;
	v3 =	vld [tilespmem:s0+$0x70]  }
0x5b: {  	[tilespmem:s0+$0x10] =	vst v0;
	v0 =	vmul.f32 $1.131370830e+01, v4;
	v4 =	vld [tilespmem:s0+$0x80]  }
0x5c: {  	[tilespmem:s0+$0x20] =	vst v1;
	v1 =	vmul.f32 $1.131370830e+01, v2;
	v7 =	vld [tilespmem:s0+$0x90]  }
0x5d: {  	[tilespmem:s0+$0x30] =	vst v0;
	v2 =	vmul.f32 $1.131370830e+01, v5;
	v8 =	vld [tilespmem:s0+$0xA0]  }
.Ltmp0:
0x5e: {  	[tilespmem:s0+$0x40] =	vst v1;
	v5 =	vmul.f32 $1.131370830e+01, v6;
	v0 =	vld [tilespmem:s0+$0xB0];
	(pc) =	sbr.rel @p0 .LBB2_2-.Ltmp0, $4  }
0x5f: {  	[tilespmem:s0+$0x50] =	vst v2;
	v3 =	vmul.f32 $1.131370830e+01, v3;
	v1 =	vld [tilespmem:s0+$0xC0]  }
0x60: {  	[tilespmem:s0+$0x60] =	vst v5;
	v6 =	vmul.f32 $1.131370830e+01, v4;
	v2 =	vld [tilespmem:s0+$0xD0]  }
0x61: {  	[tilespmem:s0+$0x70] =	vst v3;
	v5 =	vmul.f32 $1.131370830e+01, v7;
	v3 =	vld [tilespmem:s0+$0xE0]  }
0x62: {  	s0 =	sadd.s32 $0x200, s0;
	v4 =	vld [tilespmem:s2+$0xFFFFFF00];
	[tilespmem:s2+$0x80] =	vst v6;
	v6 =	vmul.f32 $1.131370830e+01, v8  }
0x63: {  	[tilespmem:s2+$0x90] =	vst v5;
	v0 =	vmul.f32 $1.131370830e+01, v0  }
0x64: {  	[tilespmem:s2+$0xA0] =	vst v6;
	v1 =	vmul.f32 $1.131370830e+01, v1  }
0x65: {  	[tilespmem:s2+$0xB0] =	vst v0;
	v0 =	vmul.f32 $1.131370830e+01, v2  }
0x66: {  	[tilespmem:s2+$0xC0] =	vst v1;
	v1 =	vmul.f32 $1.131370830e+01, v3  }
0x67: {  	v2 =	vmul.f32 $1.131370830e+01, v4;
	[tilespmem:s2+$0xD0] =	vst v0  }
0x68: {  	[tilespmem:s2+$0xE0] =	vst v1  }
0x69: {  	[tilespmem:s2+$0xFFFFFF00] =	vst v2  }
0x6a: {  	[hbm4b:s7+s4] =	stream.linear.scatter [tilespmem:s19], [sflag:$0x2], $0x8000, $0x38;
	[tilespmem:$0x1E400] =	vst v63  }
0x6b: {  	s0 =	simm.s32 $0x200  }
0x6c: {  	[tilespmem:s28], [sflag:$0x1] =	stream.indirect.gather [hbm4b:s1+s18], $0x80, s0, s18, $0xb8;
	[tilespmem:$0x1E400] =	vst v63  }
0x6d: {  	s29 =	simm.s32 $0x280  }
0x6e: {  	[tilespmem:s30], [sflag:$0x1] =	stream.indirect.gather [hbm4b:s1+s18], $0x80, s29, s18, $0xb8;
	[tilespmem:$0x1E400] =	vst v63  }
0x6f: {  	_ =	swait.ge [sflag:s25], $0x4000  }
0x70: {  	[sflag:s25] =	ssyncset.done $0x0  }
0x71: {  	[sflag:s25] =	ssyncadd.s32 $0xFFFFC000  }
0x72: {  	_ =	swait.ge [sflag:s25], $0x4000  }
0x73: {  	[sflag:s25] =	ssyncset.done $0x0  }
0x74: {  	s2 =	simm.s32 $0xE500;
	[sflag:s25] =	ssyncadd.s32 $0xFFFFC000  }
0x75: {  	v0 =	vld [tilespmem:s2+$0xF0]  }
0x76: {  	v1 =	vld [tilespmem:s2+$0xFFFFFF10]  }
0x77: {  	v2 =	vld [tilespmem:s2+$0xFFFFFF20]  }
0x78: {  	v3 =	vld [tilespmem:s2+$0xFFFFFF30]  }
0x79: {  	v6 =	vld [tilespmem:s2+$0xFFFFFF60]  }
0x7a: {  	v4 =	vld [tilespmem:s2+$0xFFFFFF40]  }
0x7b: {  	v5 =	vld [tilespmem:s2+$0xFFFFFF50];
	v0 =	vmul.f32 $1.131370830e+01, v0  }
0x7c: {  	v8 =	vld [tilespmem:s2+$0xFFFFFF80];
	v1 =	vmul.f32 $1.131370830e+01, v1  }
0x7d: {  	v7 =	vld [tilespmem:s2+$0xFFFFFF70];
	v2 =	vmul.f32 $1.131370830e+01, v2;
	[tilespmem:s2+$0xF0] =	vst v0  }
0x7e: {  	v6 =	vmul.f32 $1.131370830e+01, v6;
	v0 =	vld [tilespmem:s2+$0xFFFFFF90];
	[tilespmem:s2+$0xFFFFFF10] =	vst v1  }
0x7f: {  	v1 =	vmul.f32 $1.131370830e+01, v3;
	v3 =	vld [tilespmem:s2+$0xFFFFFFA0];
	[tilespmem:s2+$0xFFFFFF20] =	vst v2;
	v2 =	vmul.f32 $1.131370830e+01, v4  }
0x80: {  	[tilespmem:s2+$0xFFFFFF60] =	vst v6;
	v6 =	vld [tilespmem:s2+$0xFFFFFFF0]  }
0x81: {  	v4 =	vld [tilespmem:s2+$0xFFFFFFB0];
	[tilespmem:s2+$0xFFFFFF40] =	vst v2;
	v2 =	vmul.f32 $1.131370830e+01, v8  }
0x82: {  	[tilespmem:s2+$0xFFFFFF30] =	vst v1;
	v1 =	vmul.f32 $1.131370830e+01, v5;
	v5 =	vld [tilespmem:s2+$0xFFFFFFC0]  }
0x83: {  	v8 =	vld [tilespmem:s2+$0xFFFFFFD0];
	[tilespmem:s2+$0xFFFFFF80] =	vst v2;
	v2 =	vmul.f32 $1.131370830e+01, v7  }
0x84: {  	[tilespmem:s2+$0xFFFFFF50] =	vst v1;
	v1 =	vld [tilespmem:s2+$0xFFFFFFE0];
	v0 =	vmul.f32 $1.131370830e+01, v0  }
0x85: {  	v7 =	vld [tilespmem:s2+$0x30];
	v6 =	vmul.f32 $1.131370830e+01, v6;
	[tilespmem:s2+$0xFFFFFF70] =	vst v2  }
0x86: {  	v2 =	vmul.f32 $1.131370830e+01, v3;
	v3 =	vld [tilespmem:s2+$0x0];
	[tilespmem:s2+$0xFFFFFF90] =	vst v0  }
0x87: {  	v0 =	vmul.f32 $1.131370830e+01, v4;
	v4 =	vld [tilespmem:s2+$0x10];
	[tilespmem:s2+$0xFFFFFFF0] =	vst v6  }
0x88: {  	[tilespmem:s2+$0xFFFFFFA0] =	vst v2;
	v2 =	vmul.f32 $1.131370830e+01, v5;
	v5 =	vld [tilespmem:s2+$0x20]  }
0x89: {  	v6 =	vld [tilespmem:s2+$0x80];
	[tilespmem:s2+$0xFFFFFFB0] =	vst v0;
	v0 =	vmul.f32 $1.131370830e+01, v8  }
0x8a: {  	v1 =	vmul.f32 $1.131370830e+01, v1;
	[tilespmem:s2+$0xFFFFFFC0] =	vst v2;
	v2 =	vld [tilespmem:s2+$0x40]  }
0x8b: {  	[tilespmem:s2+$0xFFFFFFD0] =	vst v0;
	v0 =	vmul.f32 $1.131370830e+01, v3  }
0x8c: {  	v3 =	vld [tilespmem:s2+$0x50];
	[tilespmem:s2+$0xFFFFFFE0] =	vst v1;
	v4 =	vmul.f32 $1.131370830e+01, v4  }
0x8d: {  	v1 =	vld [tilespmem:s2+$0x60];
	[tilespmem:s2+$0x0] =	vst v0;
	v0 =	vmul.f32 $1.131370830e+01, v5  }
0x8e: {  	v6 =	vmul.f32 $1.131370830e+01, v6;
	v5 =	vld [tilespmem:s2+$0x70];
	[tilespmem:s2+$0x10] =	vst v4  }
0x8f: {  	v4 =	vmul.f32 $1.131370830e+01, v7;
	v7 =	vld [tilespmem:s2+$0x90];
	[tilespmem:s2+$0x20] =	vst v0;
	v0 =	vmul.f32 $1.131370830e+01, v2  }
0x90: {  	v8 =	vld [tilespmem:s2+$0xA0];
	[tilespmem:s2+$0x80] =	vst v6  }
0x91: {  	v2 =	vmul.f32 $1.131370830e+01, v3;
	[tilespmem:s2+$0x40] =	vst v0;
	v0 =	vld [tilespmem:s2+$0xB0]  }
0x92: {  	[tilespmem:s2+$0x30] =	vst v4;
	v3 =	vmul.f32 $1.131370830e+01, v1;
	v1 =	vld [tilespmem:s2+$0xC0]  }
0x93: {  	[tilespmem:s2+$0x50] =	vst v2;
	v4 =	vmul.f32 $1.131370830e+01, v5;
	v2 =	vld [tilespmem:s2+$0xD0]  }
0x94: {  	[tilespmem:s2+$0x60] =	vst v3;
	v3 =	vld [tilespmem:s2+$0xE0];
	v5 =	vmul.f32 $1.131370830e+01, v7  }
0x95: {  	s23 =	simm.s32 $0x0;
	s0 =	simm.s32 $0xE700;
	v6 =	vmul.f32 $1.131370830e+01, v8;
	[tilespmem:s2+$0x70] =	vst v4;
	v4 =	vld [tilespmem:s2+$0xFFFFFF00]  }
.LBB2_4:
0x96: {  	v7 =	vld [tilespmem:s0+$0xF0];
	s23 =	sadd.s32 $0x4, s23;
	[tilespmem:s2+$0x90] =	vst v5;
	v0 =	vmul.f32 $1.131370830e+01, v0  }
0x97: {  	v5 =	vld [tilespmem:s0+$0xFFFFFF10];
	p0 =	slt.u32 s23, $0xFC;
	[tilespmem:s2+$0xA0] =	vst v6;
	v1 =	vmul.f32 $1.131370830e+01, v1  }
0x98: {  	v6 =	vld [tilespmem:s0+$0xFFFFFF20];
	[tilespmem:s2+$0xB0] =	vst v0;
	v0 =	vmul.f32 $1.131370830e+01, v2  }
0x99: {  	v2 =	vld [tilespmem:s0+$0xFFFFFF30];
	[tilespmem:s2+$0xC0] =	vst v1;
	v1 =	vmul.f32 $1.131370830e+01, v3  }
0x9a: {  	v3 =	vld [tilespmem:s0+$0xFFFFFF40];
	v4 =	vmul.f32 $1.131370830e+01, v4;
	[tilespmem:s2+$0xD0] =	vst v0  }
0x9b: {  	v0 =	vld [tilespmem:s0+$0xFFFFFF50];
	v7 =	vmul.f32 $1.131370830e+01, v7;
	[tilespmem:s2+$0xE0] =	vst v1  }
0x9c: {  	v1 =	vmul.f32 $1.131370830e+01, v5;
	v5 =	vld [tilespmem:s0+$0xFFFFFF60];
	[tilespmem:s2+$0xFFFFFF00] =	vst v4;
	s2 =	smov.u32 s0  }
0x9d: {  	v4 =	vmul.f32 $1.131370830e+01, v6;
	v6 =	vld [tilespmem:s0+$0xFFFFFF70];
	[tilespmem:s0+$0xF0] =	vst v7  }
0x9e: {  	[tilespmem:s0+$0xFFFFFF10] =	vst v1;
	v1 =	vmul.f32 $1.131370830e+01, v2;
	v2 =	vld [tilespmem:s0+$0xFFFFFF80]  }
0x9f: {  	[tilespmem:s0+$0xFFFFFF20] =	vst v4;
	v3 =	vmul.f32 $1.131370830e+01, v3;
	v4 =	vld [tilespmem:s0+$0xFFFFFF90]  }
0xa0: {  	[tilespmem:s0+$0xFFFFFF30] =	vst v1;
	v0 =	vmul.f32 $1.131370830e+01, v0;
	v1 =	vld [tilespmem:s0+$0xFFFFFFA0]  }
0xa1: {  	[tilespmem:s0+$0xFFFFFF40] =	vst v3;
	v3 =	vmul.f32 $1.131370830e+01, v5;
	v5 =	vld [tilespmem:s0+$0xFFFFFFB0]  }
0xa2: {  	[tilespmem:s0+$0xFFFFFF50] =	vst v0;
	v0 =	vmul.f32 $1.131370830e+01, v6;
	v6 =	vld [tilespmem:s0+$0xFFFFFFC0]  }
0xa3: {  	[tilespmem:s0+$0xFFFFFF60] =	vst v3;
	v2 =	vmul.f32 $1.131370830e+01, v2;
	v3 =	vld [tilespmem:s0+$0xFFFFFFD0]  }
0xa4: {  	[tilespmem:s0+$0xFFFFFF70] =	vst v0;
	v0 =	vmul.f32 $1.131370830e+01, v4;
	v4 =	vld [tilespmem:s0+$0xFFFFFFE0]  }
0xa5: {  	[tilespmem:s0+$0xFFFFFF80] =	vst v2;
	v1 =	vmul.f32 $1.131370830e+01, v1;
	v2 =	vld [tilespmem:s0+$0xFFFFFFF0]  }
0xa6: {  	[tilespmem:s0+$0xFFFFFF90] =	vst v0;
	v0 =	vmul.f32 $1.131370830e+01, v5;
	v5 =	vld [tilespmem:s0+$0x0]  }
0xa7: {  	[tilespmem:s0+$0xFFFFFFA0] =	vst v1;
	v1 =	vmul.f32 $1.131370830e+01, v6;
	v6 =	vld [tilespmem:s0+$0x10]  }
0xa8: {  	[tilespmem:s0+$0xFFFFFFB0] =	vst v0;
	v0 =	vmul.f32 $1.131370830e+01, v3;
	v3 =	vld [tilespmem:s0+$0x20]  }
0xa9: {  	[tilespmem:s0+$0xFFFFFFC0] =	vst v1;
	v1 =	vmul.f32 $1.131370830e+01, v4;
	v4 =	vld [tilespmem:s0+$0x30]  }
0xaa: {  	[tilespmem:s0+$0xFFFFFFD0] =	vst v0;
	v0 =	vmul.f32 $1.131370830e+01, v2;
	v2 =	vld [tilespmem:s0+$0x40]  }
0xab: {  	[tilespmem:s0+$0xFFFFFFE0] =	vst v1;
	v1 =	vmul.f32 $1.131370830e+01, v5;
	v5 =	vld [tilespmem:s0+$0x50]  }
0xac: {  	[tilespmem:s0+$0xFFFFFFF0] =	vst v0;
	v0 =	vmul.f32 $1.131370830e+01, v6;
	v6 =	vld [tilespmem:s0+$0x60]  }
0xad: {  	[tilespmem:s0+$0x0] =	vst v1;
	v1 =	vmul.f32 $1.131370830e+01, v3;
	v3 =	vld [tilespmem:s0+$0x70]  }
0xae: {  	[tilespmem:s0+$0x10] =	vst v0;
	v0 =	vmul.f32 $1.131370830e+01, v4;
	v4 =	vld [tilespmem:s0+$0x80]  }
0xaf: {  	[tilespmem:s0+$0x20] =	vst v1;
	v1 =	vmul.f32 $1.131370830e+01, v2;
	v7 =	vld [tilespmem:s0+$0x90]  }
0xb0: {  	[tilespmem:s0+$0x30] =	vst v0;
	v2 =	vmul.f32 $1.131370830e+01, v5;
	v8 =	vld [tilespmem:s0+$0xA0]  }
.Ltmp1:
0xb1: {  	[tilespmem:s0+$0x40] =	vst v1;
	v5 =	vmul.f32 $1.131370830e+01, v6;
	v0 =	vld [tilespmem:s0+$0xB0];
	(pc) =	sbr.rel @p0 .LBB2_4-.Ltmp1, $4  }
0xb2: {  	[tilespmem:s0+$0x50] =	vst v2;
	v3 =	vmul.f32 $1.131370830e+01, v3;
	v1 =	vld [tilespmem:s0+$0xC0]  }
0xb3: {  	[tilespmem:s0+$0x60] =	vst v5;
	v6 =	vmul.f32 $1.131370830e+01, v4;
	v2 =	vld [tilespmem:s0+$0xD0]  }
0xb4: {  	[tilespmem:s0+$0x70] =	vst v3;
	v5 =	vmul.f32 $1.131370830e+01, v7;
	v3 =	vld [tilespmem:s0+$0xE0]  }
0xb5: {  	s0 =	sadd.s32 $0x200, s0;
	v4 =	vld [tilespmem:s2+$0xFFFFFF00];
	[tilespmem:s2+$0x80] =	vst v6;
	v6 =	vmul.f32 $1.131370830e+01, v8  }
0xb6: {  	[tilespmem:s2+$0x90] =	vst v5;
	v0 =	vmul.f32 $1.131370830e+01, v0  }
0xb7: {  	[tilespmem:s2+$0xA0] =	vst v6;
	v1 =	vmul.f32 $1.131370830e+01, v1  }
0xb8: {  	[tilespmem:s2+$0xB0] =	vst v0;
	v0 =	vmul.f32 $1.131370830e+01, v2  }
0xb9: {  	[tilespmem:s2+$0xC0] =	vst v1;
	v1 =	vmul.f32 $1.131370830e+01, v3  }
0xba: {  	v2 =	vmul.f32 $1.131370830e+01, v4;
	[tilespmem:s2+$0xD0] =	vst v0  }
0xbb: {  	[tilespmem:s2+$0xE0] =	vst v1  }
0xbc: {  	[tilespmem:s2+$0xFFFFFF00] =	vst v2  }
0xbd: {  	[hbm4b:s9+s4] =	stream.linear.scatter [tilespmem:s22], [sflag:$0x2], $0x8000, $0x38;
	[tilespmem:$0x1E400] =	vst v63  }
0xbe: {  	_ =	swait.ge [sflag:s31], $0x8000  }
0xbf: {  	[sflag:s31] =	ssyncset.done $0x0  }
0xc0: {  	s0 =	simm.s32 $0x300;
	[sflag:s31] =	ssyncadd.s32 $0xFFFF8000  }
0xc1: {  	[tilespmem:s19], [sflag:$0x1] =	stream.indirect.gather [hbm4b:s1+s18], $0x80, s0, s18, $0xb8;
	[tilespmem:$0x1E400] =	vst v63  }
0xc2: {  	s29 =	simm.s32 $0x380  }
0xc3: {  	[tilespmem:s20], [sflag:$0x1] =	stream.indirect.gather [hbm4b:s1+s18], $0x80, s29, s18, $0xb8;
	[tilespmem:$0x1E400] =	vst v63  }
0xc4: {  	_ =	swait.ge [sflag:s25], $0x4000  }
0xc5: {  	[sflag:s25] =	ssyncset.done $0x0  }
0xc6: {  	[sflag:s25] =	ssyncadd.s32 $0xFFFFC000  }
0xc7: {  	_ =	swait.ge [sflag:s25], $0x4000  }
0xc8: {  	[sflag:s25] =	ssyncset.done $0x0  }
0xc9: {  	s2 =	simm.s32 $0x16500;
	[sflag:s25] =	ssyncadd.s32 $0xFFFFC000  }
0xca: {  	v0 =	vld [tilespmem:s2+$0xF0]  }
0xcb: {  	v1 =	vld [tilespmem:s2+$0xFFFFFF10]  }
0xcc: {  	v2 =	vld [tilespmem:s2+$0xFFFFFF20]  }
0xcd: {  	v3 =	vld [tilespmem:s2+$0xFFFFFF30]  }
0xce: {  	v6 =	vld [tilespmem:s2+$0xFFFFFF60]  }
0xcf: {  	v4 =	vld [tilespmem:s2+$0xFFFFFF40]  }
0xd0: {  	v5 =	vld [tilespmem:s2+$0xFFFFFF50];
	v0 =	vmul.f32 $1.131370830e+01, v0  }
0xd1: {  	v8 =	vld [tilespmem:s2+$0xFFFFFF80];
	v1 =	vmul.f32 $1.131370830e+01, v1  }
0xd2: {  	v7 =	vld [tilespmem:s2+$0xFFFFFF70];
	v2 =	vmul.f32 $1.131370830e+01, v2;
	[tilespmem:s2+$0xF0] =	vst v0  }
0xd3: {  	v6 =	vmul.f32 $1.131370830e+01, v6;
	v0 =	vld [tilespmem:s2+$0xFFFFFF90];
	[tilespmem:s2+$0xFFFFFF10] =	vst v1  }
0xd4: {  	v1 =	vmul.f32 $1.131370830e+01, v3;
	v3 =	vld [tilespmem:s2+$0xFFFFFFA0];
	[tilespmem:s2+$0xFFFFFF20] =	vst v2;
	v2 =	vmul.f32 $1.131370830e+01, v4  }
0xd5: {  	[tilespmem:s2+$0xFFFFFF60] =	vst v6;
	v6 =	vld [tilespmem:s2+$0xFFFFFFF0]  }
0xd6: {  	v4 =	vld [tilespmem:s2+$0xFFFFFFB0];
	[tilespmem:s2+$0xFFFFFF40] =	vst v2;
	v2 =	vmul.f32 $1.131370830e+01, v8  }
0xd7: {  	[tilespmem:s2+$0xFFFFFF30] =	vst v1;
	v1 =	vmul.f32 $1.131370830e+01, v5;
	v5 =	vld [tilespmem:s2+$0xFFFFFFC0]  }
0xd8: {  	v8 =	vld [tilespmem:s2+$0xFFFFFFD0];
	[tilespmem:s2+$0xFFFFFF80] =	vst v2;
	v2 =	vmul.f32 $1.131370830e+01, v7  }
0xd9: {  	[tilespmem:s2+$0xFFFFFF50] =	vst v1;
	v1 =	vld [tilespmem:s2+$0xFFFFFFE0];
	v0 =	vmul.f32 $1.131370830e+01, v0  }
0xda: {  	v7 =	vld [tilespmem:s2+$0x30];
	v6 =	vmul.f32 $1.131370830e+01, v6;
	[tilespmem:s2+$0xFFFFFF70] =	vst v2  }
0xdb: {  	v2 =	vmul.f32 $1.131370830e+01, v3;
	v3 =	vld [tilespmem:s2+$0x0];
	[tilespmem:s2+$0xFFFFFF90] =	vst v0  }
0xdc: {  	v0 =	vmul.f32 $1.131370830e+01, v4;
	v4 =	vld [tilespmem:s2+$0x10];
	[tilespmem:s2+$0xFFFFFFF0] =	vst v6  }
0xdd: {  	[tilespmem:s2+$0xFFFFFFA0] =	vst v2;
	v2 =	vmul.f32 $1.131370830e+01, v5;
	v5 =	vld [tilespmem:s2+$0x20]  }
0xde: {  	v6 =	vld [tilespmem:s2+$0x80];
	[tilespmem:s2+$0xFFFFFFB0] =	vst v0;
	v0 =	vmul.f32 $1.131370830e+01, v8  }
0xdf: {  	v1 =	vmul.f32 $1.131370830e+01, v1;
	[tilespmem:s2+$0xFFFFFFC0] =	vst v2;
	v2 =	vld [tilespmem:s2+$0x40]  }
0xe0: {  	[tilespmem:s2+$0xFFFFFFD0] =	vst v0;
	v0 =	vmul.f32 $1.131370830e+01, v3  }
0xe1: {  	v3 =	vld [tilespmem:s2+$0x50];
	[tilespmem:s2+$0xFFFFFFE0] =	vst v1;
	v4 =	vmul.f32 $1.131370830e+01, v4  }
0xe2: {  	v1 =	vld [tilespmem:s2+$0x60];
	[tilespmem:s2+$0x0] =	vst v0;
	v0 =	vmul.f32 $1.131370830e+01, v5  }
0xe3: {  	v6 =	vmul.f32 $1.131370830e+01, v6;
	v5 =	vld [tilespmem:s2+$0x70];
	[tilespmem:s2+$0x10] =	vst v4  }
0xe4: {  	v4 =	vmul.f32 $1.131370830e+01, v7;
	v7 =	vld [tilespmem:s2+$0x90];
	[tilespmem:s2+$0x20] =	vst v0;
	v0 =	vmul.f32 $1.131370830e+01, v2  }
0xe5: {  	v8 =	vld [tilespmem:s2+$0xA0];
	[tilespmem:s2+$0x80] =	vst v6  }
0xe6: {  	v2 =	vmul.f32 $1.131370830e+01, v3;
	[tilespmem:s2+$0x40] =	vst v0;
	v0 =	vld [tilespmem:s2+$0xB0]  }
0xe7: {  	[tilespmem:s2+$0x30] =	vst v4;
	v3 =	vmul.f32 $1.131370830e+01, v1;
	v1 =	vld [tilespmem:s2+$0xC0]  }
0xe8: {  	[tilespmem:s2+$0x50] =	vst v2;
	v4 =	vmul.f32 $1.131370830e+01, v5;
	v2 =	vld [tilespmem:s2+$0xD0]  }
0xe9: {  	[tilespmem:s2+$0x60] =	vst v3;
	v3 =	vld [tilespmem:s2+$0xE0];
	v5 =	vmul.f32 $1.131370830e+01, v7  }
0xea: {  	s23 =	simm.s32 $0x0;
	s0 =	simm.s32 $0x16700;
	v6 =	vmul.f32 $1.131370830e+01, v8;
	[tilespmem:s2+$0x70] =	vst v4;
	v4 =	vld [tilespmem:s2+$0xFFFFFF00]  }
.LBB2_6:
0xeb: {  	v7 =	vld [tilespmem:s0+$0xF0];
	s23 =	sadd.s32 $0x4, s23;
	[tilespmem:s2+$0x90] =	vst v5;
	v0 =	vmul.f32 $1.131370830e+01, v0  }
0xec: {  	v5 =	vld [tilespmem:s0+$0xFFFFFF10];
	p0 =	slt.u32 s23, $0xFC;
	[tilespmem:s2+$0xA0] =	vst v6;
	v1 =	vmul.f32 $1.131370830e+01, v1  }
0xed: {  	v6 =	vld [tilespmem:s0+$0xFFFFFF20];
	[tilespmem:s2+$0xB0] =	vst v0;
	v0 =	vmul.f32 $1.131370830e+01, v2  }
0xee: {  	v2 =	vld [tilespmem:s0+$0xFFFFFF30];
	[tilespmem:s2+$0xC0] =	vst v1;
	v1 =	vmul.f32 $1.131370830e+01, v3  }
0xef: {  	v3 =	vld [tilespmem:s0+$0xFFFFFF40];
	v4 =	vmul.f32 $1.131370830e+01, v4;
	[tilespmem:s2+$0xD0] =	vst v0  }
0xf0: {  	v0 =	vld [tilespmem:s0+$0xFFFFFF50];
	v7 =	vmul.f32 $1.131370830e+01, v7;
	[tilespmem:s2+$0xE0] =	vst v1  }
0xf1: {  	v1 =	vmul.f32 $1.131370830e+01, v5;
	v5 =	vld [tilespmem:s0+$0xFFFFFF60];
	[tilespmem:s2+$0xFFFFFF00] =	vst v4;
	s2 =	smov.u32 s0  }
0xf2: {  	v4 =	vmul.f32 $1.131370830e+01, v6;
	v6 =	vld [tilespmem:s0+$0xFFFFFF70];
	[tilespmem:s0+$0xF0] =	vst v7  }
0xf3: {  	[tilespmem:s0+$0xFFFFFF10] =	vst v1;
	v1 =	vmul.f32 $1.131370830e+01, v2;
	v2 =	vld [tilespmem:s0+$0xFFFFFF80]  }
0xf4: {  	[tilespmem:s0+$0xFFFFFF20] =	vst v4;
	v3 =	vmul.f32 $1.131370830e+01, v3;
	v4 =	vld [tilespmem:s0+$0xFFFFFF90]  }
0xf5: {  	[tilespmem:s0+$0xFFFFFF30] =	vst v1;
	v0 =	vmul.f32 $1.131370830e+01, v0;
	v1 =	vld [tilespmem:s0+$0xFFFFFFA0]  }
0xf6: {  	[tilespmem:s0+$0xFFFFFF40] =	vst v3;
	v3 =	vmul.f32 $1.131370830e+01, v5;
	v5 =	vld [tilespmem:s0+$0xFFFFFFB0]  }
0xf7: {  	[tilespmem:s0+$0xFFFFFF50] =	vst v0;
	v0 =	vmul.f32 $1.131370830e+01, v6;
	v6 =	vld [tilespmem:s0+$0xFFFFFFC0]  }
0xf8: {  	[tilespmem:s0+$0xFFFFFF60] =	vst v3;
	v2 =	vmul.f32 $1.131370830e+01, v2;
	v3 =	vld [tilespmem:s0+$0xFFFFFFD0]  }
0xf9: {  	[tilespmem:s0+$0xFFFFFF70] =	vst v0;
	v0 =	vmul.f32 $1.131370830e+01, v4;
	v4 =	vld [tilespmem:s0+$0xFFFFFFE0]  }
0xfa: {  	[tilespmem:s0+$0xFFFFFF80] =	vst v2;
	v1 =	vmul.f32 $1.131370830e+01, v1;
	v2 =	vld [tilespmem:s0+$0xFFFFFFF0]  }
0xfb: {  	[tilespmem:s0+$0xFFFFFF90] =	vst v0;
	v0 =	vmul.f32 $1.131370830e+01, v5;
	v5 =	vld [tilespmem:s0+$0x0]  }
0xfc: {  	[tilespmem:s0+$0xFFFFFFA0] =	vst v1;
	v1 =	vmul.f32 $1.131370830e+01, v6;
	v6 =	vld [tilespmem:s0+$0x10]  }
0xfd: {  	[tilespmem:s0+$0xFFFFFFB0] =	vst v0;
	v0 =	vmul.f32 $1.131370830e+01, v3;
	v3 =	vld [tilespmem:s0+$0x20]  }
0xfe: {  	[tilespmem:s0+$0xFFFFFFC0] =	vst v1;
	v1 =	vmul.f32 $1.131370830e+01, v4;
	v4 =	vld [tilespmem:s0+$0x30]  }
0xff: {  	[tilespmem:s0+$0xFFFFFFD0] =	vst v0;
	v0 =	vmul.f32 $1.131370830e+01, v2;
	v2 =	vld [tilespmem:s0+$0x40]  }
0x100: {  	[tilespmem:s0+$0xFFFFFFE0] =	vst v1;
	v1 =	vmul.f32 $1.131370830e+01, v5;
	v5 =	vld [tilespmem:s0+$0x50]  }
0x101: {  	[tilespmem:s0+$0xFFFFFFF0] =	vst v0;
	v0 =	vmul.f32 $1.131370830e+01, v6;
	v6 =	vld [tilespmem:s0+$0x60]  }
0x102: {  	[tilespmem:s0+$0x0] =	vst v1;
	v1 =	vmul.f32 $1.131370830e+01, v3;
	v3 =	vld [tilespmem:s0+$0x70]  }
0x103: {  	[tilespmem:s0+$0x10] =	vst v0;
	v0 =	vmul.f32 $1.131370830e+01, v4;
	v4 =	vld [tilespmem:s0+$0x80]  }
0x104: {  	[tilespmem:s0+$0x20] =	vst v1;
	v1 =	vmul.f32 $1.131370830e+01, v2;
	v7 =	vld [tilespmem:s0+$0x90]  }
0x105: {  	[tilespmem:s0+$0x30] =	vst v0;
	v2 =	vmul.f32 $1.131370830e+01, v5;
	v8 =	vld [tilespmem:s0+$0xA0]  }
.Ltmp2:
0x106: {  	[tilespmem:s0+$0x40] =	vst v1;
	v5 =	vmul.f32 $1.131370830e+01, v6;
	v0 =	vld [tilespmem:s0+$0xB0];
	(pc) =	sbr.rel @p0 .LBB2_6-.Ltmp2, $4  }
0x107: {  	[tilespmem:s0+$0x50] =	vst v2;
	v3 =	vmul.f32 $1.131370830e+01, v3;
	v1 =	vld [tilespmem:s0+$0xC0]  }
0x108: {  	[tilespmem:s0+$0x60] =	vst v5;
	v6 =	vmul.f32 $1.131370830e+01, v4;
	v2 =	vld [tilespmem:s0+$0xD0]  }
0x109: {  	[tilespmem:s0+$0x70] =	vst v3;
	v5 =	vmul.f32 $1.131370830e+01, v7;
	v3 =	vld [tilespmem:s0+$0xE0]  }
0x10a: {  	s0 =	sadd.s32 $0x200, s0;
	v4 =	vld [tilespmem:s2+$0xFFFFFF00];
	[tilespmem:s2+$0x80] =	vst v6;
	v6 =	vmul.f32 $1.131370830e+01, v8  }
0x10b: {  	[tilespmem:s2+$0x90] =	vst v5;
	v0 =	vmul.f32 $1.131370830e+01, v0  }
0x10c: {  	[tilespmem:s2+$0xA0] =	vst v6;
	v1 =	vmul.f32 $1.131370830e+01, v1  }
0x10d: {  	[tilespmem:s2+$0xB0] =	vst v0;
	v61 =	vmul.f32 $1.131370830e+01, v2  }
0x10e: {  	[tilespmem:s2+$0xC0] =	vst v1;
	v62 =	vmul.f32 $1.131370830e+01, v3  }
0x10f: {  	v63 =	vmul.f32 $1.131370830e+01, v4;
	[tilespmem:s2+$0xD0] =	vst v61  }
0x110: {  	[tilespmem:s2+$0xE0] =	vst v62  }
0x111: {  	[tilespmem:s2+$0xFFFFFF00] =	vst v63  }
0x112: {  	[hbm4b:s10+s4] =	stream.linear.scatter [tilespmem:s28], [sflag:$0x2], $0x8000, $0x38;
	[tilespmem:$0x1E400] =	vst v63  }
0x113: {  	_ =	swait.ge [sflag:s31], $0x8000  }
0x114: {  	[sflag:s31] =	ssyncset.done $0x0  }
0x115: {  	s0 =	simm.s32 $0x400;
	[sflag:s31] =	ssyncadd.s32 $0xFFFF8000  }
0x116: {  	[tilespmem:s22], [sflag:$0x1] =	stream.indirect.gather [hbm4b:s1+s18], $0x80, s0, s18, $0xb8;
	[tilespmem:$0x1E400] =	vst v63  }
0x117: {  	s29 =	simm.s32 $0x480;
	s23 =	simm.s32 $0x1  }
0x118: {  	[tilespmem:s24], [sflag:$0x1] =	stream.indirect.gather [hbm4b:s1+s18], $0x80, s29, s18, $0xb8;
	[tilespmem:$0x1E400] =	vst v63  }
.LBB2_8:
0x119: {  	_ =	swait.ge [sflag:s25], $0x4000  }
0x11a: {  	[sflag:s25] =	ssyncset.done $0x0  }
0x11b: {  	[sflag:s25] =	ssyncadd.s32 $0xFFFFC000  }
0x11c: {  	_ =	swait.ge [sflag:s25], $0x4000  }
0x11d: {  	[sflag:s25] =	ssyncset.done $0x0  }
0x11e: {  	s26 =	simm.s32 $0x6500;
	[sflag:s25] =	ssyncadd.s32 $0xFFFFC000  }
0x11f: {  	v0 =	vld [tilespmem:s26+$0xF0]  }
0x120: {  	v1 =	vld [tilespmem:s26+$0xFFFFFF10]  }
0x121: {  	v2 =	vld [tilespmem:s26+$0xFFFFFF20]  }
0x122: {  	v3 =	vld [tilespmem:s26+$0xFFFFFF30]  }
0x123: {  	v6 =	vld [tilespmem:s26+$0xFFFFFF60]  }
0x124: {  	v4 =	vld [tilespmem:s26+$0xFFFFFF40]  }
0x125: {  	v5 =	vld [tilespmem:s26+$0xFFFFFF50];
	v0 =	vmul.f32 $1.131370830e+01, v0  }
0x126: {  	v8 =	vld [tilespmem:s26+$0xFFFFFF80];
	v1 =	vmul.f32 $1.131370830e+01, v1  }
0x127: {  	v7 =	vld [tilespmem:s26+$0xFFFFFF70];
	v2 =	vmul.f32 $1.131370830e+01, v2;
	[tilespmem:s26+$0xF0] =	vst v0  }
0x128: {  	v6 =	vmul.f32 $1.131370830e+01, v6;
	v0 =	vld [tilespmem:s26+$0xFFFFFF90];
	[tilespmem:s26+$0xFFFFFF10] =	vst v1  }
0x129: {  	v1 =	vmul.f32 $1.131370830e+01, v3;
	v3 =	vld [tilespmem:s26+$0xFFFFFFA0];
	[tilespmem:s26+$0xFFFFFF20] =	vst v2;
	v2 =	vmul.f32 $1.131370830e+01, v4  }
0x12a: {  	[tilespmem:s26+$0xFFFFFF60] =	vst v6;
	v6 =	vld [tilespmem:s26+$0xFFFFFFF0]  }
0x12b: {  	v4 =	vld [tilespmem:s26+$0xFFFFFFB0];
	[tilespmem:s26+$0xFFFFFF40] =	vst v2;
	v2 =	vmul.f32 $1.131370830e+01, v8  }
0x12c: {  	[tilespmem:s26+$0xFFFFFF30] =	vst v1;
	v1 =	vmul.f32 $1.131370830e+01, v5;
	v5 =	vld [tilespmem:s26+$0xFFFFFFC0]  }
0x12d: {  	v8 =	vld [tilespmem:s26+$0xFFFFFFD0];
	[tilespmem:s26+$0xFFFFFF80] =	vst v2;
	v2 =	vmul.f32 $1.131370830e+01, v7  }
0x12e: {  	[tilespmem:s26+$0xFFFFFF50] =	vst v1;
	v1 =	vld [tilespmem:s26+$0xFFFFFFE0];
	v0 =	vmul.f32 $1.131370830e+01, v0  }
0x12f: {  	v7 =	vld [tilespmem:s26+$0x30];
	v6 =	vmul.f32 $1.131370830e+01, v6;
	[tilespmem:s26+$0xFFFFFF70] =	vst v2  }
0x130: {  	v2 =	vmul.f32 $1.131370830e+01, v3;
	v3 =	vld [tilespmem:s26+$0x0];
	[tilespmem:s26+$0xFFFFFF90] =	vst v0  }
0x131: {  	v0 =	vmul.f32 $1.131370830e+01, v4;
	v4 =	vld [tilespmem:s26+$0x10];
	[tilespmem:s26+$0xFFFFFFF0] =	vst v6  }
0x132: {  	[tilespmem:s26+$0xFFFFFFA0] =	vst v2;
	v2 =	vmul.f32 $1.131370830e+01, v5;
	v5 =	vld [tilespmem:s26+$0x20]  }
0x133: {  	v6 =	vld [tilespmem:s26+$0x80];
	[tilespmem:s26+$0xFFFFFFB0] =	vst v0;
	v0 =	vmul.f32 $1.131370830e+01, v8  }
0x134: {  	v1 =	vmul.f32 $1.131370830e+01, v1;
	[tilespmem:s26+$0xFFFFFFC0] =	vst v2;
	v2 =	vld [tilespmem:s26+$0x40]  }
0x135: {  	[tilespmem:s26+$0xFFFFFFD0] =	vst v0;
	v0 =	vmul.f32 $1.131370830e+01, v3;
	v3 =	vld [tilespmem:s26+$0x50]  }
0x136: {  	[tilespmem:s26+$0xFFFFFFE0] =	vst v1;
	v1 =	vld [tilespmem:s26+$0x60];
	v4 =	vmul.f32 $1.131370830e+01, v4  }
0x137: {  	[tilespmem:s26+$0x0] =	vst v0;
	v0 =	vmul.f32 $1.131370830e+01, v5;
	v5 =	vld [tilespmem:s26+$0x70]  }
0x138: {  	v6 =	vmul.f32 $1.131370830e+01, v6;
	[tilespmem:s26+$0x10] =	vst v4  }
0x139: {  	v4 =	vmul.f32 $1.131370830e+01, v7;
	v7 =	vld [tilespmem:s26+$0x90];
	[tilespmem:s26+$0x20] =	vst v0;
	v0 =	vmul.f32 $1.131370830e+01, v2  }
0x13a: {  	v8 =	vld [tilespmem:s26+$0xA0];
	[tilespmem:s26+$0x80] =	vst v6;
	v2 =	vmul.f32 $1.131370830e+01, v3  }
0x13b: {  	v3 =	vmul.f32 $1.131370830e+01, v1;
	[tilespmem:s26+$0x40] =	vst v0;
	v0 =	vld [tilespmem:s26+$0xB0]  }
0x13c: {  	v1 =	vld [tilespmem:s26+$0xC0];
	[tilespmem:s26+$0x50] =	vst v2;
	v2 =	vmul.f32 $1.131370830e+01, v5  }
0x13d: {  	[tilespmem:s26+$0x60] =	vst v3;
	v3 =	vld [tilespmem:s26+$0xD0]  }
0x13e: {  	v5 =	vmul.f32 $1.131370830e+01, v7;
	[tilespmem:s26+$0x70] =	vst v2;
	v2 =	vld [tilespmem:s26+$0xE0]  }
0x13f: {  	s2 =	simm.s32 $0x0;
	s0 =	simm.s32 $0x6700;
	v6 =	vmul.f32 $1.131370830e+01, v8;
	[tilespmem:s26+$0x30] =	vst v4;
	v4 =	vld [tilespmem:s26+$0xFFFFFF00]  }
.LBB2_9:
0x140: {  	v7 =	vld [tilespmem:s0+$0xF0];
	s2 =	sadd.s32 $0x4, s2;
	[tilespmem:s26+$0x90] =	vst v5;
	v0 =	vmul.f32 $1.131370830e+01, v0  }
0x141: {  	v5 =	vld [tilespmem:s0+$0xFFFFFF10];
	p0 =	slt.u32 s2, $0xFC;
	[tilespmem:s26+$0xA0] =	vst v6;
	v1 =	vmul.f32 $1.131370830e+01, v1  }
0x142: {  	v6 =	vld [tilespmem:s0+$0xFFFFFF20];
	[tilespmem:s26+$0xB0] =	vst v0;
	v0 =	vmul.f32 $1.131370830e+01, v3  }
0x143: {  	v3 =	vld [tilespmem:s0+$0xFFFFFF30];
	[tilespmem:s26+$0xC0] =	vst v1;
	v1 =	vmul.f32 $1.131370830e+01, v2  }
0x144: {  	v2 =	vld [tilespmem:s0+$0xFFFFFF40];
	v4 =	vmul.f32 $1.131370830e+01, v4;
	[tilespmem:s26+$0xD0] =	vst v0  }
0x145: {  	v0 =	vld [tilespmem:s0+$0xFFFFFF50];
	v7 =	vmul.f32 $1.131370830e+01, v7;
	[tilespmem:s26+$0xE0] =	vst v1  }
0x146: {  	v1 =	vmul.f32 $1.131370830e+01, v5;
	v5 =	vld [tilespmem:s0+$0xFFFFFF60];
	[tilespmem:s26+$0xFFFFFF00] =	vst v4;
	s26 =	smov.u32 s0  }
0x147: {  	v4 =	vmul.f32 $1.131370830e+01, v6;
	v6 =	vld [tilespmem:s0+$0xFFFFFF70];
	[tilespmem:s0+$0xF0] =	vst v7  }
0x148: {  	[tilespmem:s0+$0xFFFFFF10] =	vst v1;
	v1 =	vmul.f32 $1.131370830e+01, v3;
	v3 =	vld [tilespmem:s0+$0xFFFFFF80]  }
0x149: {  	[tilespmem:s0+$0xFFFFFF20] =	vst v4;
	v2 =	vmul.f32 $1.131370830e+01, v2;
	v4 =	vld [tilespmem:s0+$0xFFFFFF90]  }
0x14a: {  	[tilespmem:s0+$0xFFFFFF30] =	vst v1;
	v0 =	vmul.f32 $1.131370830e+01, v0;
	v1 =	vld [tilespmem:s0+$0xFFFFFFA0]  }
0x14b: {  	[tilespmem:s0+$0xFFFFFF40] =	vst v2;
	v2 =	vmul.f32 $1.131370830e+01, v5;
	v5 =	vld [tilespmem:s0+$0xFFFFFFB0]  }
0x14c: {  	[tilespmem:s0+$0xFFFFFF50] =	vst v0;
	v0 =	vmul.f32 $1.131370830e+01, v6;
	v6 =	vld [tilespmem:s0+$0xFFFFFFC0]  }
0x14d: {  	[tilespmem:s0+$0xFFFFFF60] =	vst v2;
	v2 =	vmul.f32 $1.131370830e+01, v3;
	v3 =	vld [tilespmem:s0+$0xFFFFFFD0]  }
0x14e: {  	[tilespmem:s0+$0xFFFFFF70] =	vst v0;
	v0 =	vmul.f32 $1.131370830e+01, v4;
	v4 =	vld [tilespmem:s0+$0xFFFFFFE0]  }
0x14f: {  	[tilespmem:s0+$0xFFFFFF80] =	vst v2;
	v1 =	vmul.f32 $1.131370830e+01, v1;
	v2 =	vld [tilespmem:s0+$0xFFFFFFF0]  }
0x150: {  	[tilespmem:s0+$0xFFFFFF90] =	vst v0;
	v0 =	vmul.f32 $1.131370830e+01, v5;
	v5 =	vld [tilespmem:s0+$0x0]  }
0x151: {  	[tilespmem:s0+$0xFFFFFFA0] =	vst v1;
	v1 =	vmul.f32 $1.131370830e+01, v6;
	v6 =	vld [tilespmem:s0+$0x10]  }
0x152: {  	[tilespmem:s0+$0xFFFFFFB0] =	vst v0;
	v0 =	vmul.f32 $1.131370830e+01, v3;
	v3 =	vld [tilespmem:s0+$0x20]  }
0x153: {  	[tilespmem:s0+$0xFFFFFFC0] =	vst v1;
	v1 =	vmul.f32 $1.131370830e+01, v4;
	v4 =	vld [tilespmem:s0+$0x30]  }
0x154: {  	[tilespmem:s0+$0xFFFFFFD0] =	vst v0;
	v0 =	vmul.f32 $1.131370830e+01, v2;
	v2 =	vld [tilespmem:s0+$0x40]  }
0x155: {  	[tilespmem:s0+$0xFFFFFFE0] =	vst v1;
	v1 =	vmul.f32 $1.131370830e+01, v5;
	v5 =	vld [tilespmem:s0+$0x50]  }
0x156: {  	[tilespmem:s0+$0xFFFFFFF0] =	vst v0;
	v0 =	vmul.f32 $1.131370830e+01, v6;
	v6 =	vld [tilespmem:s0+$0x60]  }
0x157: {  	[tilespmem:s0+$0x0] =	vst v1;
	v1 =	vmul.f32 $1.131370830e+01, v3;
	v3 =	vld [tilespmem:s0+$0x70]  }
0x158: {  	[tilespmem:s0+$0x10] =	vst v0;
	v0 =	vmul.f32 $1.131370830e+01, v4;
	v4 =	vld [tilespmem:s0+$0x80]  }
0x159: {  	[tilespmem:s0+$0x20] =	vst v1;
	v1 =	vmul.f32 $1.131370830e+01, v2;
	v2 =	vld [tilespmem:s0+$0x90]  }
0x15a: {  	[tilespmem:s0+$0x30] =	vst v0;
	v5 =	vmul.f32 $1.131370830e+01, v5;
	v7 =	vld [tilespmem:s0+$0xA0]  }
.Ltmp3:
0x15b: {  	[tilespmem:s0+$0x40] =	vst v1;
	v6 =	vmul.f32 $1.131370830e+01, v6;
	v0 =	vld [tilespmem:s0+$0xB0];
	(pc) =	sbr.rel @p0 .LBB2_9-.Ltmp3, $4  }
0x15c: {  	[tilespmem:s0+$0x50] =	vst v5;
	v5 =	vmul.f32 $1.131370830e+01, v3;
	v1 =	vld [tilespmem:s0+$0xC0]  }
0x15d: {  	[tilespmem:s0+$0x60] =	vst v6;
	v6 =	vmul.f32 $1.131370830e+01, v4;
	v3 =	vld [tilespmem:s0+$0xD0]  }
0x15e: {  	[tilespmem:s0+$0x70] =	vst v5;
	v5 =	vmul.f32 $1.131370830e+01, v2;
	v2 =	vld [tilespmem:s0+$0xE0]  }
0x15f: {  	s0 =	sadd.s32 $0x200, s0;
	v4 =	vld [tilespmem:s26+$0xFFFFFF00];
	[tilespmem:s26+$0x80] =	vst v6;
	v6 =	vmul.f32 $1.131370830e+01, v7  }
0x160: {  	[tilespmem:s26+$0x90] =	vst v5;
	v0 =	vmul.f32 $1.131370830e+01, v0  }
0x161: {  	[tilespmem:s26+$0xA0] =	vst v6;
	v1 =	vmul.f32 $1.131370830e+01, v1  }
0x162: {  	s29 =	smul.u32 $0x300, s23;
	[tilespmem:s26+$0xB0] =	vst v0;
	v0 =	vmul.f32 $1.131370830e+01, v3  }
0x163: {  	[tilespmem:s26+$0xC0] =	vst v1;
	v1 =	vmul.f32 $1.131370830e+01, v2  }
0x164: {  	s0 =	sadd.s32 s5, s29;
	v2 =	vmul.f32 $1.131370830e+01, v4;
	[tilespmem:s26+$0xD0] =	vst v0  }
0x165: {  	s0 =	sshll.u32 s0, $0x4;
	[tilespmem:s26+$0xE0] =	vst v1  }
0x166: {  	s2 =	smul.u32 $0x3, s23;
	s0 =	sadd.s32 s3, s0;
	[tilespmem:s26+$0xFFFFFF00] =	vst v2  }
0x167: {  	[hbm4b:s0+s4] =	stream.linear.scatter [tilespmem:s19], [sflag:$0x2], $0x8000, $0x38;
	[tilespmem:$0x1E400] =	vst v63  }
0x168: {  	s26 =	sadd.s32 $0x2, s2;
	_ =	swait.ge [sflag:s31], $0x8000  }
0x169: {  	s8 =	sshll.u32 s26, $0x8;
	[sflag:s31] =	ssyncset.done $0x0  }
0x16a: {  	s0 =	sand.u32 $0x3FFFFF00, s8;
	[sflag:s31] =	ssyncadd.s32 $0xFFFF8000  }
0x16b: {  	[tilespmem:s28], [sflag:$0x1] =	stream.indirect.gather [hbm4b:s1+s18], $0x80, s0, s18, $0xb8;
	[tilespmem:$0x1E400] =	vst v63  }
0x16c: {  	s0 =	sor.u32 $0x80, s0  }
0x16d: {  	[tilespmem:s30], [sflag:$0x1] =	stream.indirect.gather [hbm4b:s1+s18], $0x80, s0, s18, $0xb8;
	[tilespmem:$0x1E400] =	vst v63  }
0x16e: {  	_ =	swait.ge [sflag:s25], $0x4000  }
0x16f: {  	[sflag:s25] =	ssyncset.done $0x0  }
0x170: {  	[sflag:s25] =	ssyncadd.s32 $0xFFFFC000  }
0x171: {  	_ =	swait.ge [sflag:s25], $0x4000  }
0x172: {  	[sflag:s25] =	ssyncset.done $0x0  }
0x173: {  	s2 =	simm.s32 $0xE500;
	[sflag:s25] =	ssyncadd.s32 $0xFFFFC000  }
0x174: {  	v0 =	vld [tilespmem:s2+$0xF0]  }
0x175: {  	v1 =	vld [tilespmem:s2+$0xFFFFFF10]  }
0x176: {  	v2 =	vld [tilespmem:s2+$0xFFFFFF20]  }
0x177: {  	v3 =	vld [tilespmem:s2+$0xFFFFFF30]  }
0x178: {  	v6 =	vld [tilespmem:s2+$0xFFFFFF60]  }
0x179: {  	v4 =	vld [tilespmem:s2+$0xFFFFFF40]  }
0x17a: {  	v5 =	vld [tilespmem:s2+$0xFFFFFF50];
	v0 =	vmul.f32 $1.131370830e+01, v0  }
0x17b: {  	v8 =	vld [tilespmem:s2+$0xFFFFFF80];
	v1 =	vmul.f32 $1.131370830e+01, v1  }
0x17c: {  	v7 =	vld [tilespmem:s2+$0xFFFFFF70];
	v2 =	vmul.f32 $1.131370830e+01, v2;
	[tilespmem:s2+$0xF0] =	vst v0  }
0x17d: {  	v6 =	vmul.f32 $1.131370830e+01, v6;
	v0 =	vld [tilespmem:s2+$0xFFFFFF90];
	[tilespmem:s2+$0xFFFFFF10] =	vst v1  }
0x17e: {  	v1 =	vmul.f32 $1.131370830e+01, v3;
	v3 =	vld [tilespmem:s2+$0xFFFFFFA0];
	[tilespmem:s2+$0xFFFFFF20] =	vst v2;
	v2 =	vmul.f32 $1.131370830e+01, v4  }
0x17f: {  	[tilespmem:s2+$0xFFFFFF60] =	vst v6;
	v6 =	vld [tilespmem:s2+$0xFFFFFFF0]  }
0x180: {  	v4 =	vld [tilespmem:s2+$0xFFFFFFB0];
	[tilespmem:s2+$0xFFFFFF40] =	vst v2;
	v2 =	vmul.f32 $1.131370830e+01, v8  }
0x181: {  	[tilespmem:s2+$0xFFFFFF30] =	vst v1;
	v1 =	vmul.f32 $1.131370830e+01, v5;
	v5 =	vld [tilespmem:s2+$0xFFFFFFC0]  }
0x182: {  	v8 =	vld [tilespmem:s2+$0xFFFFFFD0];
	[tilespmem:s2+$0xFFFFFF80] =	vst v2;
	v2 =	vmul.f32 $1.131370830e+01, v7  }
0x183: {  	[tilespmem:s2+$0xFFFFFF50] =	vst v1;
	v1 =	vld [tilespmem:s2+$0xFFFFFFE0];
	v0 =	vmul.f32 $1.131370830e+01, v0  }
0x184: {  	v7 =	vld [tilespmem:s2+$0x30];
	v6 =	vmul.f32 $1.131370830e+01, v6;
	[tilespmem:s2+$0xFFFFFF70] =	vst v2  }
0x185: {  	v2 =	vmul.f32 $1.131370830e+01, v3;
	v3 =	vld [tilespmem:s2+$0x0];
	[tilespmem:s2+$0xFFFFFF90] =	vst v0  }
0x186: {  	v0 =	vmul.f32 $1.131370830e+01, v4;
	v4 =	vld [tilespmem:s2+$0x10];
	[tilespmem:s2+$0xFFFFFFF0] =	vst v6  }
0x187: {  	[tilespmem:s2+$0xFFFFFFA0] =	vst v2;
	v2 =	vmul.f32 $1.131370830e+01, v5;
	v5 =	vld [tilespmem:s2+$0x20]  }
0x188: {  	v6 =	vld [tilespmem:s2+$0x80];
	[tilespmem:s2+$0xFFFFFFB0] =	vst v0;
	v0 =	vmul.f32 $1.131370830e+01, v8  }
0x189: {  	v1 =	vmul.f32 $1.131370830e+01, v1;
	[tilespmem:s2+$0xFFFFFFC0] =	vst v2;
	v2 =	vld [tilespmem:s2+$0x40]  }
0x18a: {  	[tilespmem:s2+$0xFFFFFFD0] =	vst v0;
	v0 =	vmul.f32 $1.131370830e+01, v3  }
0x18b: {  	v3 =	vld [tilespmem:s2+$0x50];
	[tilespmem:s2+$0xFFFFFFE0] =	vst v1;
	v4 =	vmul.f32 $1.131370830e+01, v4  }
0x18c: {  	v1 =	vld [tilespmem:s2+$0x60];
	[tilespmem:s2+$0x0] =	vst v0;
	v0 =	vmul.f32 $1.131370830e+01, v5  }
0x18d: {  	v6 =	vmul.f32 $1.131370830e+01, v6;
	v5 =	vld [tilespmem:s2+$0x70];
	[tilespmem:s2+$0x10] =	vst v4  }
0x18e: {  	v4 =	vmul.f32 $1.131370830e+01, v7;
	v7 =	vld [tilespmem:s2+$0x90];
	[tilespmem:s2+$0x20] =	vst v0;
	v0 =	vmul.f32 $1.131370830e+01, v2  }
0x18f: {  	v8 =	vld [tilespmem:s2+$0xA0];
	[tilespmem:s2+$0x80] =	vst v6  }
0x190: {  	v2 =	vmul.f32 $1.131370830e+01, v3;
	[tilespmem:s2+$0x40] =	vst v0;
	v0 =	vld [tilespmem:s2+$0xB0]  }
0x191: {  	[tilespmem:s2+$0x30] =	vst v4;
	v3 =	vmul.f32 $1.131370830e+01, v1;
	v1 =	vld [tilespmem:s2+$0xC0]  }
0x192: {  	[tilespmem:s2+$0x50] =	vst v2;
	v4 =	vmul.f32 $1.131370830e+01, v5;
	v2 =	vld [tilespmem:s2+$0xD0]  }
0x193: {  	[tilespmem:s2+$0x60] =	vst v3;
	v3 =	vld [tilespmem:s2+$0xE0];
	v5 =	vmul.f32 $1.131370830e+01, v7  }
0x194: {  	s8 =	simm.s32 $0xE700;
	s0 =	simm.s32 $0x0;
	v6 =	vmul.f32 $1.131370830e+01, v8;
	[tilespmem:s2+$0x70] =	vst v4;
	v4 =	vld [tilespmem:s2+$0xFFFFFF00]  }
.LBB2_11:
0x195: {  	v7 =	vld [tilespmem:s8+$0xF0];
	s0 =	sadd.s32 $0x4, s0;
	[tilespmem:s2+$0x90] =	vst v5;
	v0 =	vmul.f32 $1.131370830e+01, v0  }
0x196: {  	v5 =	vld [tilespmem:s8+$0xFFFFFF10];
	p0 =	slt.u32 s0, $0xFC;
	[tilespmem:s2+$0xA0] =	vst v6;
	v1 =	vmul.f32 $1.131370830e+01, v1  }
0x197: {  	v6 =	vld [tilespmem:s8+$0xFFFFFF20];
	[tilespmem:s2+$0xB0] =	vst v0;
	v0 =	vmul.f32 $1.131370830e+01, v2  }
0x198: {  	v2 =	vld [tilespmem:s8+$0xFFFFFF30];
	[tilespmem:s2+$0xC0] =	vst v1;
	v1 =	vmul.f32 $1.131370830e+01, v3  }
0x199: {  	v3 =	vld [tilespmem:s8+$0xFFFFFF40];
	v4 =	vmul.f32 $1.131370830e+01, v4;
	[tilespmem:s2+$0xD0] =	vst v0  }
0x19a: {  	v0 =	vld [tilespmem:s8+$0xFFFFFF50];
	v7 =	vmul.f32 $1.131370830e+01, v7;
	[tilespmem:s2+$0xE0] =	vst v1  }
0x19b: {  	v1 =	vmul.f32 $1.131370830e+01, v5;
	v5 =	vld [tilespmem:s8+$0xFFFFFF60];
	[tilespmem:s2+$0xFFFFFF00] =	vst v4;
	s2 =	smov.u32 s8  }
0x19c: {  	v4 =	vmul.f32 $1.131370830e+01, v6;
	v6 =	vld [tilespmem:s8+$0xFFFFFF70];
	[tilespmem:s8+$0xF0] =	vst v7  }
0x19d: {  	[tilespmem:s8+$0xFFFFFF10] =	vst v1;
	v1 =	vmul.f32 $1.131370830e+01, v2;
	v2 =	vld [tilespmem:s8+$0xFFFFFF80]  }
0x19e: {  	[tilespmem:s8+$0xFFFFFF20] =	vst v4;
	v3 =	vmul.f32 $1.131370830e+01, v3;
	v4 =	vld [tilespmem:s8+$0xFFFFFF90]  }
0x19f: {  	[tilespmem:s8+$0xFFFFFF30] =	vst v1;
	v0 =	vmul.f32 $1.131370830e+01, v0;
	v1 =	vld [tilespmem:s8+$0xFFFFFFA0]  }
0x1a0: {  	[tilespmem:s8+$0xFFFFFF40] =	vst v3;
	v3 =	vmul.f32 $1.131370830e+01, v5;
	v5 =	vld [tilespmem:s8+$0xFFFFFFB0]  }
0x1a1: {  	[tilespmem:s8+$0xFFFFFF50] =	vst v0;
	v0 =	vmul.f32 $1.131370830e+01, v6;
	v6 =	vld [tilespmem:s8+$0xFFFFFFC0]  }
0x1a2: {  	[tilespmem:s8+$0xFFFFFF60] =	vst v3;
	v2 =	vmul.f32 $1.131370830e+01, v2;
	v3 =	vld [tilespmem:s8+$0xFFFFFFD0]  }
0x1a3: {  	[tilespmem:s8+$0xFFFFFF70] =	vst v0;
	v0 =	vmul.f32 $1.131370830e+01, v4;
	v4 =	vld [tilespmem:s8+$0xFFFFFFE0]  }
0x1a4: {  	[tilespmem:s8+$0xFFFFFF80] =	vst v2;
	v1 =	vmul.f32 $1.131370830e+01, v1;
	v2 =	vld [tilespmem:s8+$0xFFFFFFF0]  }
0x1a5: {  	[tilespmem:s8+$0xFFFFFF90] =	vst v0;
	v0 =	vmul.f32 $1.131370830e+01, v5;
	v5 =	vld [tilespmem:s8+$0x0]  }
0x1a6: {  	[tilespmem:s8+$0xFFFFFFA0] =	vst v1;
	v1 =	vmul.f32 $1.131370830e+01, v6;
	v6 =	vld [tilespmem:s8+$0x10]  }
0x1a7: {  	[tilespmem:s8+$0xFFFFFFB0] =	vst v0;
	v0 =	vmul.f32 $1.131370830e+01, v3;
	v3 =	vld [tilespmem:s8+$0x20]  }
0x1a8: {  	[tilespmem:s8+$0xFFFFFFC0] =	vst v1;
	v1 =	vmul.f32 $1.131370830e+01, v4;
	v4 =	vld [tilespmem:s8+$0x30]  }
0x1a9: {  	[tilespmem:s8+$0xFFFFFFD0] =	vst v0;
	v0 =	vmul.f32 $1.131370830e+01, v2;
	v2 =	vld [tilespmem:s8+$0x40]  }
0x1aa: {  	[tilespmem:s8+$0xFFFFFFE0] =	vst v1;
	v1 =	vmul.f32 $1.131370830e+01, v5;
	v5 =	vld [tilespmem:s8+$0x50]  }
0x1ab: {  	[tilespmem:s8+$0xFFFFFFF0] =	vst v0;
	v0 =	vmul.f32 $1.131370830e+01, v6;
	v6 =	vld [tilespmem:s8+$0x60]  }
0x1ac: {  	[tilespmem:s8+$0x0] =	vst v1;
	v1 =	vmul.f32 $1.131370830e+01, v3;
	v3 =	vld [tilespmem:s8+$0x70]  }
0x1ad: {  	[tilespmem:s8+$0x10] =	vst v0;
	v0 =	vmul.f32 $1.131370830e+01, v4;
	v4 =	vld [tilespmem:s8+$0x80]  }
0x1ae: {  	[tilespmem:s8+$0x20] =	vst v1;
	v1 =	vmul.f32 $1.131370830e+01, v2;
	v7 =	vld [tilespmem:s8+$0x90]  }
0x1af: {  	[tilespmem:s8+$0x30] =	vst v0;
	v2 =	vmul.f32 $1.131370830e+01, v5;
	v8 =	vld [tilespmem:s8+$0xA0]  }
.Ltmp4:
0x1b0: {  	[tilespmem:s8+$0x40] =	vst v1;
	v5 =	vmul.f32 $1.131370830e+01, v6;
	v0 =	vld [tilespmem:s8+$0xB0];
	(pc) =	sbr.rel @p0 .LBB2_11-.Ltmp4, $4  }
0x1b1: {  	[tilespmem:s8+$0x50] =	vst v2;
	v3 =	vmul.f32 $1.131370830e+01, v3;
	v1 =	vld [tilespmem:s8+$0xC0]  }
0x1b2: {  	[tilespmem:s8+$0x60] =	vst v5;
	v6 =	vmul.f32 $1.131370830e+01, v4;
	v2 =	vld [tilespmem:s8+$0xD0]  }
0x1b3: {  	[tilespmem:s8+$0x70] =	vst v3;
	v5 =	vmul.f32 $1.131370830e+01, v7;
	v3 =	vld [tilespmem:s8+$0xE0]  }
0x1b4: {  	s8 =	sadd.s32 $0x200, s8;
	v4 =	vld [tilespmem:s2+$0xFFFFFF00];
	[tilespmem:s2+$0x80] =	vst v6;
	v6 =	vmul.f32 $1.131370830e+01, v8  }
0x1b5: {  	[tilespmem:s2+$0x90] =	vst v5;
	v0 =	vmul.f32 $1.131370830e+01, v0  }
0x1b6: {  	[tilespmem:s2+$0xA0] =	vst v6;
	v1 =	vmul.f32 $1.131370830e+01, v1  }
0x1b7: {  	[tilespmem:s2+$0xB0] =	vst v0;
	v0 =	vmul.f32 $1.131370830e+01, v2  }
0x1b8: {  	[tilespmem:s2+$0xC0] =	vst v1;
	v1 =	vmul.f32 $1.131370830e+01, v3  }
0x1b9: {  	s0 =	sadd.s32 s29, s11;
	v2 =	vmul.f32 $1.131370830e+01, v4;
	[tilespmem:s2+$0xD0] =	vst v0  }
0x1ba: {  	s0 =	sshll.u32 s0, $0x4;
	[tilespmem:s2+$0xE0] =	vst v1  }
0x1bb: {  	s0 =	sadd.s32 s3, s0;
	[tilespmem:s2+$0xFFFFFF00] =	vst v2;
	s2 =	smul.u32 $0xC00, s23  }
0x1bc: {  	[hbm4b:s0+s4] =	stream.linear.scatter [tilespmem:s22], [sflag:$0x2], $0x8000, $0x38;
	[tilespmem:$0x1E400] =	vst v63  }
0x1bd: {  	_ =	swait.ge [sflag:s31], $0x8000  }
0x1be: {  	s29 =	sshra.s32 s2, $0x2;
	[sflag:s31] =	ssyncset.done $0x0  }
0x1bf: {  	s0 =	sadd.s32 $0x300, s29;
	[sflag:s31] =	ssyncadd.s32 $0xFFFF8000  }
0x1c0: {  	[tilespmem:s19], [sflag:$0x1] =	stream.indirect.gather [hbm4b:s1+s18], $0x80, s0, s18, $0xb8;
	[tilespmem:$0x1E400] =	vst v63  }
0x1c1: {  	s8 =	sadd.s32 $0x380, s29  }
0x1c2: {  	[tilespmem:s20], [sflag:$0x1] =	stream.indirect.gather [hbm4b:s1+s18], $0x80, s8, s18, $0xb8;
	[tilespmem:$0x1E400] =	vst v63  }
0x1c3: {  	_ =	swait.ge [sflag:s25], $0x4000  }
0x1c4: {  	[sflag:s25] =	ssyncset.done $0x0  }
0x1c5: {  	[sflag:s25] =	ssyncadd.s32 $0xFFFFC000  }
0x1c6: {  	_ =	swait.ge [sflag:s25], $0x4000  }
0x1c7: {  	[sflag:s25] =	ssyncset.done $0x0  }
0x1c8: {  	s2 =	simm.s32 $0x16500;
	[sflag:s25] =	ssyncadd.s32 $0xFFFFC000  }
0x1c9: {  	v0 =	vld [tilespmem:s2+$0xF0]  }
0x1ca: {  	v1 =	vld [tilespmem:s2+$0xFFFFFF10]  }
0x1cb: {  	v2 =	vld [tilespmem:s2+$0xFFFFFF20]  }
0x1cc: {  	v3 =	vld [tilespmem:s2+$0xFFFFFF30]  }
0x1cd: {  	v6 =	vld [tilespmem:s2+$0xFFFFFF60]  }
0x1ce: {  	v4 =	vld [tilespmem:s2+$0xFFFFFF40]  }
0x1cf: {  	v5 =	vld [tilespmem:s2+$0xFFFFFF50];
	v0 =	vmul.f32 $1.131370830e+01, v0  }
0x1d0: {  	v8 =	vld [tilespmem:s2+$0xFFFFFF80];
	v1 =	vmul.f32 $1.131370830e+01, v1  }
0x1d1: {  	v7 =	vld [tilespmem:s2+$0xFFFFFF70];
	v2 =	vmul.f32 $1.131370830e+01, v2;
	[tilespmem:s2+$0xF0] =	vst v0  }
0x1d2: {  	v6 =	vmul.f32 $1.131370830e+01, v6;
	v0 =	vld [tilespmem:s2+$0xFFFFFF90];
	[tilespmem:s2+$0xFFFFFF10] =	vst v1  }
0x1d3: {  	v1 =	vmul.f32 $1.131370830e+01, v3;
	v3 =	vld [tilespmem:s2+$0xFFFFFFA0];
	[tilespmem:s2+$0xFFFFFF20] =	vst v2;
	v2 =	vmul.f32 $1.131370830e+01, v4  }
0x1d4: {  	[tilespmem:s2+$0xFFFFFF60] =	vst v6;
	v6 =	vld [tilespmem:s2+$0xFFFFFFF0]  }
0x1d5: {  	v4 =	vld [tilespmem:s2+$0xFFFFFFB0];
	[tilespmem:s2+$0xFFFFFF40] =	vst v2;
	v2 =	vmul.f32 $1.131370830e+01, v8  }
0x1d6: {  	[tilespmem:s2+$0xFFFFFF30] =	vst v1;
	v1 =	vmul.f32 $1.131370830e+01, v5;
	v5 =	vld [tilespmem:s2+$0xFFFFFFC0]  }
0x1d7: {  	v8 =	vld [tilespmem:s2+$0xFFFFFFD0];
	[tilespmem:s2+$0xFFFFFF80] =	vst v2;
	v2 =	vmul.f32 $1.131370830e+01, v7  }
0x1d8: {  	[tilespmem:s2+$0xFFFFFF50] =	vst v1;
	v1 =	vld [tilespmem:s2+$0xFFFFFFE0];
	v0 =	vmul.f32 $1.131370830e+01, v0  }
0x1d9: {  	v7 =	vld [tilespmem:s2+$0x30];
	v6 =	vmul.f32 $1.131370830e+01, v6;
	[tilespmem:s2+$0xFFFFFF70] =	vst v2  }
0x1da: {  	v2 =	vmul.f32 $1.131370830e+01, v3;
	v3 =	vld [tilespmem:s2+$0x0];
	[tilespmem:s2+$0xFFFFFF90] =	vst v0  }
0x1db: {  	v0 =	vmul.f32 $1.131370830e+01, v4;
	v4 =	vld [tilespmem:s2+$0x10];
	[tilespmem:s2+$0xFFFFFFF0] =	vst v6  }
0x1dc: {  	[tilespmem:s2+$0xFFFFFFA0] =	vst v2;
	v2 =	vmul.f32 $1.131370830e+01, v5;
	v5 =	vld [tilespmem:s2+$0x20]  }
0x1dd: {  	v6 =	vld [tilespmem:s2+$0x80];
	[tilespmem:s2+$0xFFFFFFB0] =	vst v0;
	v0 =	vmul.f32 $1.131370830e+01, v8  }
0x1de: {  	v1 =	vmul.f32 $1.131370830e+01, v1;
	[tilespmem:s2+$0xFFFFFFC0] =	vst v2;
	v2 =	vld [tilespmem:s2+$0x40]  }
0x1df: {  	[tilespmem:s2+$0xFFFFFFD0] =	vst v0;
	v0 =	vmul.f32 $1.131370830e+01, v3  }
0x1e0: {  	v3 =	vld [tilespmem:s2+$0x50];
	[tilespmem:s2+$0xFFFFFFE0] =	vst v1;
	v4 =	vmul.f32 $1.131370830e+01, v4  }
0x1e1: {  	v1 =	vld [tilespmem:s2+$0x60];
	[tilespmem:s2+$0x0] =	vst v0;
	v0 =	vmul.f32 $1.131370830e+01, v5  }
0x1e2: {  	v6 =	vmul.f32 $1.131370830e+01, v6;
	v5 =	vld [tilespmem:s2+$0x70];
	[tilespmem:s2+$0x10] =	vst v4  }
0x1e3: {  	v4 =	vmul.f32 $1.131370830e+01, v7;
	v7 =	vld [tilespmem:s2+$0x90];
	[tilespmem:s2+$0x20] =	vst v0;
	v0 =	vmul.f32 $1.131370830e+01, v2  }
0x1e4: {  	v8 =	vld [tilespmem:s2+$0xA0];
	[tilespmem:s2+$0x80] =	vst v6  }
0x1e5: {  	v2 =	vmul.f32 $1.131370830e+01, v3;
	[tilespmem:s2+$0x40] =	vst v0;
	v0 =	vld [tilespmem:s2+$0xB0]  }
0x1e6: {  	[tilespmem:s2+$0x30] =	vst v4;
	v3 =	vmul.f32 $1.131370830e+01, v1;
	v1 =	vld [tilespmem:s2+$0xC0]  }
0x1e7: {  	[tilespmem:s2+$0x50] =	vst v2;
	v4 =	vmul.f32 $1.131370830e+01, v5;
	v2 =	vld [tilespmem:s2+$0xD0]  }
0x1e8: {  	[tilespmem:s2+$0x60] =	vst v3;
	v3 =	vld [tilespmem:s2+$0xE0];
	v5 =	vmul.f32 $1.131370830e+01, v7  }
0x1e9: {  	s0 =	simm.s32 $0x0;
	s8 =	simm.s32 $0x16700;
	v6 =	vmul.f32 $1.131370830e+01, v8;
	[tilespmem:s2+$0x70] =	vst v4;
	v4 =	vld [tilespmem:s2+$0xFFFFFF00]  }
.LBB2_13:
0x1ea: {  	v7 =	vld [tilespmem:s8+$0xF0];
	s0 =	sadd.s32 $0x4, s0;
	[tilespmem:s2+$0x90] =	vst v5;
	v0 =	vmul.f32 $1.131370830e+01, v0  }
0x1eb: {  	v5 =	vld [tilespmem:s8+$0xFFFFFF10];
	p0 =	slt.u32 s0, $0xFC;
	[tilespmem:s2+$0xA0] =	vst v6;
	v1 =	vmul.f32 $1.131370830e+01, v1  }
0x1ec: {  	v6 =	vld [tilespmem:s8+$0xFFFFFF20];
	[tilespmem:s2+$0xB0] =	vst v0;
	v0 =	vmul.f32 $1.131370830e+01, v2  }
0x1ed: {  	v2 =	vld [tilespmem:s8+$0xFFFFFF30];
	[tilespmem:s2+$0xC0] =	vst v1;
	v1 =	vmul.f32 $1.131370830e+01, v3  }
0x1ee: {  	v3 =	vld [tilespmem:s8+$0xFFFFFF40];
	v4 =	vmul.f32 $1.131370830e+01, v4;
	[tilespmem:s2+$0xD0] =	vst v0  }
0x1ef: {  	v0 =	vld [tilespmem:s8+$0xFFFFFF50];
	v7 =	vmul.f32 $1.131370830e+01, v7;
	[tilespmem:s2+$0xE0] =	vst v1  }
0x1f0: {  	v1 =	vmul.f32 $1.131370830e+01, v5;
	v5 =	vld [tilespmem:s8+$0xFFFFFF60];
	[tilespmem:s2+$0xFFFFFF00] =	vst v4;
	s2 =	smov.u32 s8  }
0x1f1: {  	v4 =	vmul.f32 $1.131370830e+01, v6;
	v6 =	vld [tilespmem:s8+$0xFFFFFF70];
	[tilespmem:s8+$0xF0] =	vst v7  }
0x1f2: {  	[tilespmem:s8+$0xFFFFFF10] =	vst v1;
	v1 =	vmul.f32 $1.131370830e+01, v2;
	v2 =	vld [tilespmem:s8+$0xFFFFFF80]  }
0x1f3: {  	[tilespmem:s8+$0xFFFFFF20] =	vst v4;
	v3 =	vmul.f32 $1.131370830e+01, v3;
	v4 =	vld [tilespmem:s8+$0xFFFFFF90]  }
0x1f4: {  	[tilespmem:s8+$0xFFFFFF30] =	vst v1;
	v0 =	vmul.f32 $1.131370830e+01, v0;
	v1 =	vld [tilespmem:s8+$0xFFFFFFA0]  }
0x1f5: {  	[tilespmem:s8+$0xFFFFFF40] =	vst v3;
	v3 =	vmul.f32 $1.131370830e+01, v5;
	v5 =	vld [tilespmem:s8+$0xFFFFFFB0]  }
0x1f6: {  	[tilespmem:s8+$0xFFFFFF50] =	vst v0;
	v0 =	vmul.f32 $1.131370830e+01, v6;
	v6 =	vld [tilespmem:s8+$0xFFFFFFC0]  }
0x1f7: {  	[tilespmem:s8+$0xFFFFFF60] =	vst v3;
	v2 =	vmul.f32 $1.131370830e+01, v2;
	v3 =	vld [tilespmem:s8+$0xFFFFFFD0]  }
0x1f8: {  	[tilespmem:s8+$0xFFFFFF70] =	vst v0;
	v0 =	vmul.f32 $1.131370830e+01, v4;
	v4 =	vld [tilespmem:s8+$0xFFFFFFE0]  }
0x1f9: {  	[tilespmem:s8+$0xFFFFFF80] =	vst v2;
	v1 =	vmul.f32 $1.131370830e+01, v1;
	v2 =	vld [tilespmem:s8+$0xFFFFFFF0]  }
0x1fa: {  	[tilespmem:s8+$0xFFFFFF90] =	vst v0;
	v0 =	vmul.f32 $1.131370830e+01, v5;
	v5 =	vld [tilespmem:s8+$0x0]  }
0x1fb: {  	[tilespmem:s8+$0xFFFFFFA0] =	vst v1;
	v1 =	vmul.f32 $1.131370830e+01, v6;
	v6 =	vld [tilespmem:s8+$0x10]  }
0x1fc: {  	[tilespmem:s8+$0xFFFFFFB0] =	vst v0;
	v0 =	vmul.f32 $1.131370830e+01, v3;
	v3 =	vld [tilespmem:s8+$0x20]  }
0x1fd: {  	[tilespmem:s8+$0xFFFFFFC0] =	vst v1;
	v1 =	vmul.f32 $1.131370830e+01, v4;
	v4 =	vld [tilespmem:s8+$0x30]  }
0x1fe: {  	[tilespmem:s8+$0xFFFFFFD0] =	vst v0;
	v0 =	vmul.f32 $1.131370830e+01, v2;
	v2 =	vld [tilespmem:s8+$0x40]  }
0x1ff: {  	[tilespmem:s8+$0xFFFFFFE0] =	vst v1;
	v1 =	vmul.f32 $1.131370830e+01, v5;
	v5 =	vld [tilespmem:s8+$0x50]  }
0x200: {  	[tilespmem:s8+$0xFFFFFFF0] =	vst v0;
	v0 =	vmul.f32 $1.131370830e+01, v6;
	v6 =	vld [tilespmem:s8+$0x60]  }
0x201: {  	[tilespmem:s8+$0x0] =	vst v1;
	v1 =	vmul.f32 $1.131370830e+01, v3;
	v3 =	vld [tilespmem:s8+$0x70]  }
0x202: {  	[tilespmem:s8+$0x10] =	vst v0;
	v0 =	vmul.f32 $1.131370830e+01, v4;
	v4 =	vld [tilespmem:s8+$0x80]  }
0x203: {  	[tilespmem:s8+$0x20] =	vst v1;
	v1 =	vmul.f32 $1.131370830e+01, v2;
	v7 =	vld [tilespmem:s8+$0x90]  }
0x204: {  	[tilespmem:s8+$0x30] =	vst v0;
	v2 =	vmul.f32 $1.131370830e+01, v5;
	v8 =	vld [tilespmem:s8+$0xA0]  }
.Ltmp5:
0x205: {  	[tilespmem:s8+$0x40] =	vst v1;
	v5 =	vmul.f32 $1.131370830e+01, v6;
	v0 =	vld [tilespmem:s8+$0xB0];
	(pc) =	sbr.rel @p0 .LBB2_13-.Ltmp5, $4  }
0x206: {  	[tilespmem:s8+$0x50] =	vst v2;
	v3 =	vmul.f32 $1.131370830e+01, v3;
	v1 =	vld [tilespmem:s8+$0xC0]  }
0x207: {  	[tilespmem:s8+$0x60] =	vst v5;
	v6 =	vmul.f32 $1.131370830e+01, v4;
	v2 =	vld [tilespmem:s8+$0xD0]  }
0x208: {  	[tilespmem:s8+$0x70] =	vst v3;
	v5 =	vmul.f32 $1.131370830e+01, v7;
	v3 =	vld [tilespmem:s8+$0xE0]  }
0x209: {  	s8 =	sadd.s32 $0x200, s8;
	v4 =	vld [tilespmem:s2+$0xFFFFFF00];
	[tilespmem:s2+$0x80] =	vst v6;
	v6 =	vmul.f32 $1.131370830e+01, v8  }
0x20a: {  	[tilespmem:s2+$0x90] =	vst v5;
	v0 =	vmul.f32 $1.131370830e+01, v0  }
0x20b: {  	[tilespmem:s2+$0xA0] =	vst v6;
	v1 =	vmul.f32 $1.131370830e+01, v1  }
0x20c: {  	[tilespmem:s2+$0xB0] =	vst v0;
	v61 =	vmul.f32 $1.131370830e+01, v2  }
0x20d: {  	s0 =	sshll.u32 s26, $0xF;
	[tilespmem:s2+$0xC0] =	vst v1;
	v62 =	vmul.f32 $1.131370830e+01, v3  }
0x20e: {  	s0 =	sadd.s32 s6, s0;
	v63 =	vmul.f32 $1.131370830e+01, v4;
	[tilespmem:s2+$0xD0] =	vst v61  }
0x20f: {  	s0 =	sshrl.u32 s0, $0x3;
	[tilespmem:s2+$0xE0] =	vst v62  }
0x210: {  	s23 =	sadd.s32 $0x1, s23;
	s0 =	sadd.s32 s3, s0;
	[tilespmem:s2+$0xFFFFFF00] =	vst v63  }
0x211: {  	[hbm4b:s0+s4] =	stream.linear.scatter [tilespmem:s28], [sflag:$0x2], $0x8000, $0x38;
	[tilespmem:$0x1E400] =	vst v63  }
0x212: {  	p0 =	sne.s32 s23, $0x20;
	_ =	swait.ge [sflag:s31], $0x8000  }
.Ltmp6:
0x213: {  	[sflag:s31] =	ssyncset.done $0x0;
	(pc) =	sbr.rel @p0 .LBB2_8-.Ltmp6, $4  }
0x214: {  	s26 =	sadd.s32 $0x400, s29;
	[sflag:s31] =	ssyncadd.s32 $0xFFFF8000  }
0x215: {  	[tilespmem:s22], [sflag:$0x1] =	stream.indirect.gather [hbm4b:s1+s18], $0x80, s26, s18, $0xb8;
	[tilespmem:$0x1E400] =	vst v63  }
0x216: {  	s29 =	sadd.s32 $0x480, s29  }
0x217: {  	[tilespmem:s24], [sflag:$0x1] =	stream.indirect.gather [hbm4b:s1+s18], $0x80, s29, s18, $0xb8;
	[tilespmem:$0x1E400] =	vst v63  }
0x218: {  	_ =	swait.ge [sflag:s25], $0x4000  }
0x219: {  	[sflag:s25] =	ssyncset.done $0x0  }
0x21a: {  	[sflag:s25] =	ssyncadd.s32 $0xFFFFC000  }
0x21b: {  	_ =	swait.ge [sflag:s25], $0x4000  }
0x21c: {  	[sflag:s25] =	ssyncset.done $0x0  }
0x21d: {  	s2 =	simm.s32 $0x6500;
	[sflag:s25] =	ssyncadd.s32 $0xFFFFC000  }
0x21e: {  	v0 =	vld [tilespmem:s2+$0xF0]  }
0x21f: {  	v1 =	vld [tilespmem:s2+$0xFFFFFF10]  }
0x220: {  	v2 =	vld [tilespmem:s2+$0xFFFFFF20]  }
0x221: {  	v3 =	vld [tilespmem:s2+$0xFFFFFF30]  }
0x222: {  	v6 =	vld [tilespmem:s2+$0xFFFFFF60]  }
0x223: {  	v4 =	vld [tilespmem:s2+$0xFFFFFF40]  }
0x224: {  	v5 =	vld [tilespmem:s2+$0xFFFFFF50];
	v0 =	vmul.f32 $1.131370830e+01, v0  }
0x225: {  	v8 =	vld [tilespmem:s2+$0xFFFFFF80];
	v1 =	vmul.f32 $1.131370830e+01, v1  }
0x226: {  	v7 =	vld [tilespmem:s2+$0xFFFFFF70];
	v2 =	vmul.f32 $1.131370830e+01, v2;
	[tilespmem:s2+$0xF0] =	vst v0  }
0x227: {  	v6 =	vmul.f32 $1.131370830e+01, v6;
	v0 =	vld [tilespmem:s2+$0xFFFFFF90];
	[tilespmem:s2+$0xFFFFFF10] =	vst v1  }
0x228: {  	v1 =	vmul.f32 $1.131370830e+01, v3;
	v3 =	vld [tilespmem:s2+$0xFFFFFFA0];
	[tilespmem:s2+$0xFFFFFF20] =	vst v2;
	v2 =	vmul.f32 $1.131370830e+01, v4  }
0x229: {  	[tilespmem:s2+$0xFFFFFF60] =	vst v6;
	v6 =	vld [tilespmem:s2+$0xFFFFFFF0]  }
0x22a: {  	v4 =	vld [tilespmem:s2+$0xFFFFFFB0];
	[tilespmem:s2+$0xFFFFFF40] =	vst v2;
	v2 =	vmul.f32 $1.131370830e+01, v8  }
0x22b: {  	[tilespmem:s2+$0xFFFFFF30] =	vst v1;
	v1 =	vmul.f32 $1.131370830e+01, v5;
	v5 =	vld [tilespmem:s2+$0xFFFFFFC0]  }
0x22c: {  	v8 =	vld [tilespmem:s2+$0xFFFFFFD0];
	[tilespmem:s2+$0xFFFFFF80] =	vst v2;
	v2 =	vmul.f32 $1.131370830e+01, v7  }
0x22d: {  	[tilespmem:s2+$0xFFFFFF50] =	vst v1;
	v1 =	vld [tilespmem:s2+$0xFFFFFFE0];
	v0 =	vmul.f32 $1.131370830e+01, v0  }
0x22e: {  	v7 =	vld [tilespmem:s2+$0x30];
	v6 =	vmul.f32 $1.131370830e+01, v6;
	[tilespmem:s2+$0xFFFFFF70] =	vst v2  }
0x22f: {  	v2 =	vmul.f32 $1.131370830e+01, v3;
	v3 =	vld [tilespmem:s2+$0x0];
	[tilespmem:s2+$0xFFFFFF90] =	vst v0  }
0x230: {  	v0 =	vmul.f32 $1.131370830e+01, v4;
	v4 =	vld [tilespmem:s2+$0x10];
	[tilespmem:s2+$0xFFFFFFF0] =	vst v6  }
0x231: {  	[tilespmem:s2+$0xFFFFFFA0] =	vst v2;
	v2 =	vmul.f32 $1.131370830e+01, v5;
	v5 =	vld [tilespmem:s2+$0x20]  }
0x232: {  	v6 =	vld [tilespmem:s2+$0x80];
	[tilespmem:s2+$0xFFFFFFB0] =	vst v0;
	v0 =	vmul.f32 $1.131370830e+01, v8  }
0x233: {  	v1 =	vmul.f32 $1.131370830e+01, v1;
	[tilespmem:s2+$0xFFFFFFC0] =	vst v2;
	v2 =	vld [tilespmem:s2+$0x40]  }
0x234: {  	[tilespmem:s2+$0xFFFFFFD0] =	vst v0;
	v0 =	vmul.f32 $1.131370830e+01, v3  }
0x235: {  	v3 =	vld [tilespmem:s2+$0x50];
	[tilespmem:s2+$0xFFFFFFE0] =	vst v1;
	v4 =	vmul.f32 $1.131370830e+01, v4  }
0x236: {  	v1 =	vld [tilespmem:s2+$0x60];
	[tilespmem:s2+$0x0] =	vst v0;
	v0 =	vmul.f32 $1.131370830e+01, v5  }
0x237: {  	v6 =	vmul.f32 $1.131370830e+01, v6;
	v5 =	vld [tilespmem:s2+$0x70];
	[tilespmem:s2+$0x10] =	vst v4  }
0x238: {  	v4 =	vmul.f32 $1.131370830e+01, v7;
	v7 =	vld [tilespmem:s2+$0x90];
	[tilespmem:s2+$0x20] =	vst v0;
	v0 =	vmul.f32 $1.131370830e+01, v2  }
0x239: {  	v8 =	vld [tilespmem:s2+$0xA0];
	[tilespmem:s2+$0x80] =	vst v6  }
0x23a: {  	v2 =	vmul.f32 $1.131370830e+01, v3;
	[tilespmem:s2+$0x40] =	vst v0;
	v0 =	vld [tilespmem:s2+$0xB0]  }
0x23b: {  	[tilespmem:s2+$0x30] =	vst v4;
	v3 =	vmul.f32 $1.131370830e+01, v1;
	v1 =	vld [tilespmem:s2+$0xC0]  }
0x23c: {  	[tilespmem:s2+$0x50] =	vst v2;
	v4 =	vmul.f32 $1.131370830e+01, v5;
	v2 =	vld [tilespmem:s2+$0xD0]  }
0x23d: {  	[tilespmem:s2+$0x60] =	vst v3;
	v3 =	vld [tilespmem:s2+$0xE0];
	v5 =	vmul.f32 $1.131370830e+01, v7  }
0x23e: {  	s0 =	simm.s32 $0x0;
	s8 =	simm.s32 $0x6700;
	v6 =	vmul.f32 $1.131370830e+01, v8;
	[tilespmem:s2+$0x70] =	vst v4;
	v4 =	vld [tilespmem:s2+$0xFFFFFF00]  }
.LBB2_16:
0x23f: {  	v7 =	vld [tilespmem:s8+$0xF0];
	s0 =	sadd.s32 $0x4, s0;
	[tilespmem:s2+$0x90] =	vst v5;
	v0 =	vmul.f32 $1.131370830e+01, v0  }
0x240: {  	v5 =	vld [tilespmem:s8+$0xFFFFFF10];
	p0 =	slt.u32 s0, $0xFC;
	[tilespmem:s2+$0xA0] =	vst v6;
	v1 =	vmul.f32 $1.131370830e+01, v1  }
0x241: {  	v6 =	vld [tilespmem:s8+$0xFFFFFF20];
	[tilespmem:s2+$0xB0] =	vst v0;
	v0 =	vmul.f32 $1.131370830e+01, v2  }
0x242: {  	v2 =	vld [tilespmem:s8+$0xFFFFFF30];
	[tilespmem:s2+$0xC0] =	vst v1;
	v1 =	vmul.f32 $1.131370830e+01, v3  }
0x243: {  	v3 =	vld [tilespmem:s8+$0xFFFFFF40];
	v4 =	vmul.f32 $1.131370830e+01, v4;
	[tilespmem:s2+$0xD0] =	vst v0  }
0x244: {  	v0 =	vld [tilespmem:s8+$0xFFFFFF50];
	v7 =	vmul.f32 $1.131370830e+01, v7;
	[tilespmem:s2+$0xE0] =	vst v1  }
0x245: {  	v1 =	vmul.f32 $1.131370830e+01, v5;
	v5 =	vld [tilespmem:s8+$0xFFFFFF60];
	[tilespmem:s2+$0xFFFFFF00] =	vst v4;
	s2 =	smov.u32 s8  }
0x246: {  	v4 =	vmul.f32 $1.131370830e+01, v6;
	v6 =	vld [tilespmem:s8+$0xFFFFFF70];
	[tilespmem:s8+$0xF0] =	vst v7  }
0x247: {  	[tilespmem:s8+$0xFFFFFF10] =	vst v1;
	v1 =	vmul.f32 $1.131370830e+01, v2;
	v2 =	vld [tilespmem:s8+$0xFFFFFF80]  }
0x248: {  	[tilespmem:s8+$0xFFFFFF20] =	vst v4;
	v3 =	vmul.f32 $1.131370830e+01, v3;
	v4 =	vld [tilespmem:s8+$0xFFFFFF90]  }
0x249: {  	[tilespmem:s8+$0xFFFFFF30] =	vst v1;
	v0 =	vmul.f32 $1.131370830e+01, v0;
	v1 =	vld [tilespmem:s8+$0xFFFFFFA0]  }
0x24a: {  	[tilespmem:s8+$0xFFFFFF40] =	vst v3;
	v3 =	vmul.f32 $1.131370830e+01, v5;
	v5 =	vld [tilespmem:s8+$0xFFFFFFB0]  }
0x24b: {  	[tilespmem:s8+$0xFFFFFF50] =	vst v0;
	v0 =	vmul.f32 $1.131370830e+01, v6;
	v6 =	vld [tilespmem:s8+$0xFFFFFFC0]  }
0x24c: {  	[tilespmem:s8+$0xFFFFFF60] =	vst v3;
	v2 =	vmul.f32 $1.131370830e+01, v2;
	v3 =	vld [tilespmem:s8+$0xFFFFFFD0]  }
0x24d: {  	[tilespmem:s8+$0xFFFFFF70] =	vst v0;
	v0 =	vmul.f32 $1.131370830e+01, v4;
	v4 =	vld [tilespmem:s8+$0xFFFFFFE0]  }
0x24e: {  	[tilespmem:s8+$0xFFFFFF80] =	vst v2;
	v1 =	vmul.f32 $1.131370830e+01, v1;
	v2 =	vld [tilespmem:s8+$0xFFFFFFF0]  }
0x24f: {  	[tilespmem:s8+$0xFFFFFF90] =	vst v0;
	v0 =	vmul.f32 $1.131370830e+01, v5;
	v5 =	vld [tilespmem:s8+$0x0]  }
0x250: {  	[tilespmem:s8+$0xFFFFFFA0] =	vst v1;
	v1 =	vmul.f32 $1.131370830e+01, v6;
	v6 =	vld [tilespmem:s8+$0x10]  }
0x251: {  	[tilespmem:s8+$0xFFFFFFB0] =	vst v0;
	v0 =	vmul.f32 $1.131370830e+01, v3;
	v3 =	vld [tilespmem:s8+$0x20]  }
0x252: {  	[tilespmem:s8+$0xFFFFFFC0] =	vst v1;
	v1 =	vmul.f32 $1.131370830e+01, v4;
	v4 =	vld [tilespmem:s8+$0x30]  }
0x253: {  	[tilespmem:s8+$0xFFFFFFD0] =	vst v0;
	v0 =	vmul.f32 $1.131370830e+01, v2;
	v2 =	vld [tilespmem:s8+$0x40]  }
0x254: {  	[tilespmem:s8+$0xFFFFFFE0] =	vst v1;
	v1 =	vmul.f32 $1.131370830e+01, v5;
	v5 =	vld [tilespmem:s8+$0x50]  }
0x255: {  	[tilespmem:s8+$0xFFFFFFF0] =	vst v0;
	v0 =	vmul.f32 $1.131370830e+01, v6;
	v6 =	vld [tilespmem:s8+$0x60]  }
0x256: {  	[tilespmem:s8+$0x0] =	vst v1;
	v1 =	vmul.f32 $1.131370830e+01, v3;
	v3 =	vld [tilespmem:s8+$0x70]  }
0x257: {  	[tilespmem:s8+$0x10] =	vst v0;
	v0 =	vmul.f32 $1.131370830e+01, v4;
	v4 =	vld [tilespmem:s8+$0x80]  }
0x258: {  	[tilespmem:s8+$0x20] =	vst v1;
	v1 =	vmul.f32 $1.131370830e+01, v2;
	v7 =	vld [tilespmem:s8+$0x90]  }
0x259: {  	[tilespmem:s8+$0x30] =	vst v0;
	v2 =	vmul.f32 $1.131370830e+01, v5;
	v8 =	vld [tilespmem:s8+$0xA0]  }
.Ltmp7:
0x25a: {  	[tilespmem:s8+$0x40] =	vst v1;
	v5 =	vmul.f32 $1.131370830e+01, v6;
	v0 =	vld [tilespmem:s8+$0xB0];
	(pc) =	sbr.rel @p0 .LBB2_16-.Ltmp7, $4  }
0x25b: {  	[tilespmem:s8+$0x50] =	vst v2;
	v3 =	vmul.f32 $1.131370830e+01, v3;
	v1 =	vld [tilespmem:s8+$0xC0]  }
0x25c: {  	[tilespmem:s8+$0x60] =	vst v5;
	v6 =	vmul.f32 $1.131370830e+01, v4;
	v2 =	vld [tilespmem:s8+$0xD0]  }
0x25d: {  	[tilespmem:s8+$0x70] =	vst v3;
	v5 =	vmul.f32 $1.131370830e+01, v7;
	v3 =	vld [tilespmem:s8+$0xE0]  }
0x25e: {  	s8 =	sadd.s32 $0x200, s8;
	v4 =	vld [tilespmem:s2+$0xFFFFFF00];
	[tilespmem:s2+$0x80] =	vst v6;
	v6 =	vmul.f32 $1.131370830e+01, v8  }
0x25f: {  	[tilespmem:s2+$0x90] =	vst v5;
	v0 =	vmul.f32 $1.131370830e+01, v0  }
0x260: {  	[tilespmem:s2+$0xA0] =	vst v6;
	v1 =	vmul.f32 $1.131370830e+01, v1  }
0x261: {  	[tilespmem:s2+$0xB0] =	vst v0;
	v0 =	vmul.f32 $1.131370830e+01, v2  }
0x262: {  	[tilespmem:s2+$0xC0] =	vst v1;
	v1 =	vmul.f32 $1.131370830e+01, v3  }
0x263: {  	v2 =	vmul.f32 $1.131370830e+01, v4;
	[tilespmem:s2+$0xD0] =	vst v0  }
0x264: {  	[tilespmem:s2+$0xE0] =	vst v1  }
0x265: {  	[tilespmem:s2+$0xFFFFFF00] =	vst v2  }
0x266: {  	[hbm4b:s12+s4] =	stream.linear.scatter [tilespmem:s19], [sflag:$0x2], $0x8000, $0x38;
	[tilespmem:$0x1E400] =	vst v63  }
0x267: {  	_ =	swait.ge [sflag:s31], $0x8000  }
0x268: {  	[sflag:s31] =	ssyncset.done $0x0  }
0x269: {  	s0 =	simm.s32 $0x6200;
	[sflag:s31] =	ssyncadd.s32 $0xFFFF8000  }
0x26a: {  	[tilespmem:s28], [sflag:$0x1] =	stream.indirect.gather [hbm4b:s1+s18], $0x80, s0, s18, $0xb8;
	[tilespmem:$0x1E400] =	vst v63  }
0x26b: {  	s29 =	simm.s32 $0x6280  }
0x26c: {  	[tilespmem:s30], [sflag:$0x1] =	stream.indirect.gather [hbm4b:s1+s18], $0x80, s29, s18, $0xb8;
	[tilespmem:$0x1E400] =	vst v63  }
0x26d: {  	_ =	swait.ge [sflag:s25], $0x4000  }
0x26e: {  	[sflag:s25] =	ssyncset.done $0x0  }
0x26f: {  	[sflag:s25] =	ssyncadd.s32 $0xFFFFC000  }
0x270: {  	_ =	swait.ge [sflag:s25], $0x4000  }
0x271: {  	[sflag:s25] =	ssyncset.done $0x0  }
0x272: {  	s2 =	simm.s32 $0xE500;
	[sflag:s25] =	ssyncadd.s32 $0xFFFFC000  }
0x273: {  	v0 =	vld [tilespmem:s2+$0xF0]  }
0x274: {  	v1 =	vld [tilespmem:s2+$0xFFFFFF10]  }
0x275: {  	v2 =	vld [tilespmem:s2+$0xFFFFFF20]  }
0x276: {  	v3 =	vld [tilespmem:s2+$0xFFFFFF30]  }
0x277: {  	v6 =	vld [tilespmem:s2+$0xFFFFFF60]  }
0x278: {  	v4 =	vld [tilespmem:s2+$0xFFFFFF40]  }
0x279: {  	v5 =	vld [tilespmem:s2+$0xFFFFFF50];
	v0 =	vmul.f32 $1.131370830e+01, v0  }
0x27a: {  	v8 =	vld [tilespmem:s2+$0xFFFFFF80];
	v1 =	vmul.f32 $1.131370830e+01, v1  }
0x27b: {  	v7 =	vld [tilespmem:s2+$0xFFFFFF70];
	v2 =	vmul.f32 $1.131370830e+01, v2;
	[tilespmem:s2+$0xF0] =	vst v0  }
0x27c: {  	v6 =	vmul.f32 $1.131370830e+01, v6;
	v0 =	vld [tilespmem:s2+$0xFFFFFF90];
	[tilespmem:s2+$0xFFFFFF10] =	vst v1  }
0x27d: {  	v1 =	vmul.f32 $1.131370830e+01, v3;
	v3 =	vld [tilespmem:s2+$0xFFFFFFA0];
	[tilespmem:s2+$0xFFFFFF20] =	vst v2;
	v2 =	vmul.f32 $1.131370830e+01, v4  }
0x27e: {  	[tilespmem:s2+$0xFFFFFF60] =	vst v6;
	v6 =	vld [tilespmem:s2+$0xFFFFFFF0]  }
0x27f: {  	v4 =	vld [tilespmem:s2+$0xFFFFFFB0];
	[tilespmem:s2+$0xFFFFFF40] =	vst v2;
	v2 =	vmul.f32 $1.131370830e+01, v8  }
0x280: {  	[tilespmem:s2+$0xFFFFFF30] =	vst v1;
	v1 =	vmul.f32 $1.131370830e+01, v5;
	v5 =	vld [tilespmem:s2+$0xFFFFFFC0]  }
0x281: {  	v8 =	vld [tilespmem:s2+$0xFFFFFFD0];
	[tilespmem:s2+$0xFFFFFF80] =	vst v2;
	v2 =	vmul.f32 $1.131370830e+01, v7  }
0x282: {  	[tilespmem:s2+$0xFFFFFF50] =	vst v1;
	v1 =	vld [tilespmem:s2+$0xFFFFFFE0];
	v0 =	vmul.f32 $1.131370830e+01, v0  }
0x283: {  	v7 =	vld [tilespmem:s2+$0x30];
	v6 =	vmul.f32 $1.131370830e+01, v6;
	[tilespmem:s2+$0xFFFFFF70] =	vst v2  }
0x284: {  	v2 =	vmul.f32 $1.131370830e+01, v3;
	v3 =	vld [tilespmem:s2+$0x0];
	[tilespmem:s2+$0xFFFFFF90] =	vst v0  }
0x285: {  	v0 =	vmul.f32 $1.131370830e+01, v4;
	v4 =	vld [tilespmem:s2+$0x10];
	[tilespmem:s2+$0xFFFFFFF0] =	vst v6  }
0x286: {  	[tilespmem:s2+$0xFFFFFFA0] =	vst v2;
	v2 =	vmul.f32 $1.131370830e+01, v5;
	v5 =	vld [tilespmem:s2+$0x20]  }
0x287: {  	v6 =	vld [tilespmem:s2+$0x80];
	[tilespmem:s2+$0xFFFFFFB0] =	vst v0;
	v0 =	vmul.f32 $1.131370830e+01, v8  }
0x288: {  	v1 =	vmul.f32 $1.131370830e+01, v1;
	[tilespmem:s2+$0xFFFFFFC0] =	vst v2;
	v2 =	vld [tilespmem:s2+$0x40]  }
0x289: {  	[tilespmem:s2+$0xFFFFFFD0] =	vst v0;
	v0 =	vmul.f32 $1.131370830e+01, v3  }
0x28a: {  	v3 =	vld [tilespmem:s2+$0x50];
	[tilespmem:s2+$0xFFFFFFE0] =	vst v1;
	v4 =	vmul.f32 $1.131370830e+01, v4  }
0x28b: {  	v1 =	vld [tilespmem:s2+$0x60];
	[tilespmem:s2+$0x0] =	vst v0;
	v0 =	vmul.f32 $1.131370830e+01, v5  }
0x28c: {  	v6 =	vmul.f32 $1.131370830e+01, v6;
	v5 =	vld [tilespmem:s2+$0x70];
	[tilespmem:s2+$0x10] =	vst v4  }
0x28d: {  	v4 =	vmul.f32 $1.131370830e+01, v7;
	v7 =	vld [tilespmem:s2+$0x90];
	[tilespmem:s2+$0x20] =	vst v0;
	v0 =	vmul.f32 $1.131370830e+01, v2  }
0x28e: {  	v8 =	vld [tilespmem:s2+$0xA0];
	[tilespmem:s2+$0x80] =	vst v6  }
0x28f: {  	v2 =	vmul.f32 $1.131370830e+01, v3;
	[tilespmem:s2+$0x40] =	vst v0;
	v0 =	vld [tilespmem:s2+$0xB0]  }
0x290: {  	[tilespmem:s2+$0x30] =	vst v4;
	v3 =	vmul.f32 $1.131370830e+01, v1;
	v1 =	vld [tilespmem:s2+$0xC0]  }
0x291: {  	[tilespmem:s2+$0x50] =	vst v2;
	v4 =	vmul.f32 $1.131370830e+01, v5;
	v2 =	vld [tilespmem:s2+$0xD0]  }
0x292: {  	[tilespmem:s2+$0x60] =	vst v3;
	v3 =	vld [tilespmem:s2+$0xE0];
	v5 =	vmul.f32 $1.131370830e+01, v7  }
0x293: {  	s8 =	simm.s32 $0xE700;
	s0 =	simm.s32 $0x0;
	v6 =	vmul.f32 $1.131370830e+01, v8;
	[tilespmem:s2+$0x70] =	vst v4;
	v4 =	vld [tilespmem:s2+$0xFFFFFF00]  }
.LBB2_18:
0x294: {  	v7 =	vld [tilespmem:s8+$0xF0];
	s0 =	sadd.s32 $0x4, s0;
	[tilespmem:s2+$0x90] =	vst v5;
	v0 =	vmul.f32 $1.131370830e+01, v0  }
0x295: {  	v5 =	vld [tilespmem:s8+$0xFFFFFF10];
	p0 =	slt.u32 s0, $0xFC;
	[tilespmem:s2+$0xA0] =	vst v6;
	v1 =	vmul.f32 $1.131370830e+01, v1  }
0x296: {  	v6 =	vld [tilespmem:s8+$0xFFFFFF20];
	[tilespmem:s2+$0xB0] =	vst v0;
	v0 =	vmul.f32 $1.131370830e+01, v2  }
0x297: {  	v2 =	vld [tilespmem:s8+$0xFFFFFF30];
	[tilespmem:s2+$0xC0] =	vst v1;
	v1 =	vmul.f32 $1.131370830e+01, v3  }
0x298: {  	v3 =	vld [tilespmem:s8+$0xFFFFFF40];
	v4 =	vmul.f32 $1.131370830e+01, v4;
	[tilespmem:s2+$0xD0] =	vst v0  }
0x299: {  	v0 =	vld [tilespmem:s8+$0xFFFFFF50];
	v7 =	vmul.f32 $1.131370830e+01, v7;
	[tilespmem:s2+$0xE0] =	vst v1  }
0x29a: {  	v1 =	vmul.f32 $1.131370830e+01, v5;
	v5 =	vld [tilespmem:s8+$0xFFFFFF60];
	[tilespmem:s2+$0xFFFFFF00] =	vst v4;
	s2 =	smov.u32 s8  }
0x29b: {  	v4 =	vmul.f32 $1.131370830e+01, v6;
	v6 =	vld [tilespmem:s8+$0xFFFFFF70];
	[tilespmem:s8+$0xF0] =	vst v7  }
0x29c: {  	[tilespmem:s8+$0xFFFFFF10] =	vst v1;
	v1 =	vmul.f32 $1.131370830e+01, v2;
	v2 =	vld [tilespmem:s8+$0xFFFFFF80]  }
0x29d: {  	[tilespmem:s8+$0xFFFFFF20] =	vst v4;
	v3 =	vmul.f32 $1.131370830e+01, v3;
	v4 =	vld [tilespmem:s8+$0xFFFFFF90]  }
0x29e: {  	[tilespmem:s8+$0xFFFFFF30] =	vst v1;
	v0 =	vmul.f32 $1.131370830e+01, v0;
	v1 =	vld [tilespmem:s8+$0xFFFFFFA0]  }
0x29f: {  	[tilespmem:s8+$0xFFFFFF40] =	vst v3;
	v3 =	vmul.f32 $1.131370830e+01, v5;
	v5 =	vld [tilespmem:s8+$0xFFFFFFB0]  }
0x2a0: {  	[tilespmem:s8+$0xFFFFFF50] =	vst v0;
	v0 =	vmul.f32 $1.131370830e+01, v6;
	v6 =	vld [tilespmem:s8+$0xFFFFFFC0]  }
0x2a1: {  	[tilespmem:s8+$0xFFFFFF60] =	vst v3;
	v2 =	vmul.f32 $1.131370830e+01, v2;
	v3 =	vld [tilespmem:s8+$0xFFFFFFD0]  }
0x2a2: {  	[tilespmem:s8+$0xFFFFFF70] =	vst v0;
	v0 =	vmul.f32 $1.131370830e+01, v4;
	v4 =	vld [tilespmem:s8+$0xFFFFFFE0]  }
0x2a3: {  	[tilespmem:s8+$0xFFFFFF80] =	vst v2;
	v1 =	vmul.f32 $1.131370830e+01, v1;
	v2 =	vld [tilespmem:s8+$0xFFFFFFF0]  }
0x2a4: {  	[tilespmem:s8+$0xFFFFFF90] =	vst v0;
	v0 =	vmul.f32 $1.131370830e+01, v5;
	v5 =	vld [tilespmem:s8+$0x0]  }
0x2a5: {  	[tilespmem:s8+$0xFFFFFFA0] =	vst v1;
	v1 =	vmul.f32 $1.131370830e+01, v6;
	v6 =	vld [tilespmem:s8+$0x10]  }
0x2a6: {  	[tilespmem:s8+$0xFFFFFFB0] =	vst v0;
	v0 =	vmul.f32 $1.131370830e+01, v3;
	v3 =	vld [tilespmem:s8+$0x20]  }
0x2a7: {  	[tilespmem:s8+$0xFFFFFFC0] =	vst v1;
	v1 =	vmul.f32 $1.131370830e+01, v4;
	v4 =	vld [tilespmem:s8+$0x30]  }
0x2a8: {  	[tilespmem:s8+$0xFFFFFFD0] =	vst v0;
	v0 =	vmul.f32 $1.131370830e+01, v2;
	v2 =	vld [tilespmem:s8+$0x40]  }
0x2a9: {  	[tilespmem:s8+$0xFFFFFFE0] =	vst v1;
	v1 =	vmul.f32 $1.131370830e+01, v5;
	v5 =	vld [tilespmem:s8+$0x50]  }
0x2aa: {  	[tilespmem:s8+$0xFFFFFFF0] =	vst v0;
	v0 =	vmul.f32 $1.131370830e+01, v6;
	v6 =	vld [tilespmem:s8+$0x60]  }
0x2ab: {  	[tilespmem:s8+$0x0] =	vst v1;
	v1 =	vmul.f32 $1.131370830e+01, v3;
	v3 =	vld [tilespmem:s8+$0x70]  }
0x2ac: {  	[tilespmem:s8+$0x10] =	vst v0;
	v0 =	vmul.f32 $1.131370830e+01, v4;
	v4 =	vld [tilespmem:s8+$0x80]  }
0x2ad: {  	[tilespmem:s8+$0x20] =	vst v1;
	v1 =	vmul.f32 $1.131370830e+01, v2;
	v7 =	vld [tilespmem:s8+$0x90]  }
0x2ae: {  	[tilespmem:s8+$0x30] =	vst v0;
	v2 =	vmul.f32 $1.131370830e+01, v5;
	v8 =	vld [tilespmem:s8+$0xA0]  }
.Ltmp8:
0x2af: {  	[tilespmem:s8+$0x40] =	vst v1;
	v5 =	vmul.f32 $1.131370830e+01, v6;
	v0 =	vld [tilespmem:s8+$0xB0];
	(pc) =	sbr.rel @p0 .LBB2_18-.Ltmp8, $4  }
0x2b0: {  	[tilespmem:s8+$0x50] =	vst v2;
	v3 =	vmul.f32 $1.131370830e+01, v3;
	v1 =	vld [tilespmem:s8+$0xC0]  }
0x2b1: {  	[tilespmem:s8+$0x60] =	vst v5;
	v6 =	vmul.f32 $1.131370830e+01, v4;
	v2 =	vld [tilespmem:s8+$0xD0]  }
0x2b2: {  	[tilespmem:s8+$0x70] =	vst v3;
	v5 =	vmul.f32 $1.131370830e+01, v7;
	v3 =	vld [tilespmem:s8+$0xE0]  }
0x2b3: {  	s8 =	sadd.s32 $0x200, s8;
	v4 =	vld [tilespmem:s2+$0xFFFFFF00];
	[tilespmem:s2+$0x80] =	vst v6;
	v6 =	vmul.f32 $1.131370830e+01, v8  }
0x2b4: {  	[tilespmem:s2+$0x90] =	vst v5;
	v0 =	vmul.f32 $1.131370830e+01, v0  }
0x2b5: {  	[tilespmem:s2+$0xA0] =	vst v6;
	v1 =	vmul.f32 $1.131370830e+01, v1  }
0x2b6: {  	[tilespmem:s2+$0xB0] =	vst v0;
	v0 =	vmul.f32 $1.131370830e+01, v2  }
0x2b7: {  	[tilespmem:s2+$0xC0] =	vst v1;
	v1 =	vmul.f32 $1.131370830e+01, v3  }
0x2b8: {  	v2 =	vmul.f32 $1.131370830e+01, v4;
	[tilespmem:s2+$0xD0] =	vst v0  }
0x2b9: {  	[tilespmem:s2+$0xE0] =	vst v1  }
0x2ba: {  	[tilespmem:s2+$0xFFFFFF00] =	vst v2  }
0x2bb: {  	[hbm4b:s13+s4] =	stream.linear.scatter [tilespmem:s22], [sflag:$0x2], $0x8000, $0x38;
	[tilespmem:$0x1E400] =	vst v63  }
0x2bc: {  	_ =	swait.ge [sflag:s31], $0x8000  }
0x2bd: {  	[sflag:s31] =	ssyncset.done $0x0  }
0x2be: {  	s0 =	simm.s32 $0x6300;
	[sflag:s31] =	ssyncadd.s32 $0xFFFF8000  }
0x2bf: {  	[tilespmem:s19], [sflag:$0x1] =	stream.indirect.gather [hbm4b:s1+s18], $0x80, s0, s18, $0xb8;
	[tilespmem:$0x1E400] =	vst v63  }
0x2c0: {  	s29 =	simm.s32 $0x6380  }
0x2c1: {  	[tilespmem:s20], [sflag:$0x1] =	stream.indirect.gather [hbm4b:s1+s18], $0x80, s29, s18, $0xb8;
	[tilespmem:$0x1E400] =	vst v63  }
0x2c2: {  	_ =	swait.ge [sflag:s25], $0x4000  }
0x2c3: {  	[sflag:s25] =	ssyncset.done $0x0  }
0x2c4: {  	[sflag:s25] =	ssyncadd.s32 $0xFFFFC000  }
0x2c5: {  	_ =	swait.ge [sflag:s25], $0x4000  }
0x2c6: {  	[sflag:s25] =	ssyncset.done $0x0  }
0x2c7: {  	s2 =	simm.s32 $0x16500;
	[sflag:s25] =	ssyncadd.s32 $0xFFFFC000  }
0x2c8: {  	v0 =	vld [tilespmem:s2+$0xF0]  }
0x2c9: {  	v1 =	vld [tilespmem:s2+$0xFFFFFF10]  }
0x2ca: {  	v2 =	vld [tilespmem:s2+$0xFFFFFF20]  }
0x2cb: {  	v3 =	vld [tilespmem:s2+$0xFFFFFF30]  }
0x2cc: {  	v6 =	vld [tilespmem:s2+$0xFFFFFF60]  }
0x2cd: {  	v4 =	vld [tilespmem:s2+$0xFFFFFF40]  }
0x2ce: {  	v5 =	vld [tilespmem:s2+$0xFFFFFF50];
	v0 =	vmul.f32 $1.131370830e+01, v0  }
0x2cf: {  	v8 =	vld [tilespmem:s2+$0xFFFFFF80];
	v1 =	vmul.f32 $1.131370830e+01, v1  }
0x2d0: {  	v7 =	vld [tilespmem:s2+$0xFFFFFF70];
	v2 =	vmul.f32 $1.131370830e+01, v2;
	[tilespmem:s2+$0xF0] =	vst v0  }
0x2d1: {  	v6 =	vmul.f32 $1.131370830e+01, v6;
	v0 =	vld [tilespmem:s2+$0xFFFFFF90];
	[tilespmem:s2+$0xFFFFFF10] =	vst v1  }
0x2d2: {  	v1 =	vmul.f32 $1.131370830e+01, v3;
	v3 =	vld [tilespmem:s2+$0xFFFFFFA0];
	[tilespmem:s2+$0xFFFFFF20] =	vst v2;
	v2 =	vmul.f32 $1.131370830e+01, v4  }
0x2d3: {  	[tilespmem:s2+$0xFFFFFF60] =	vst v6;
	v6 =	vld [tilespmem:s2+$0xFFFFFFF0]  }
0x2d4: {  	v4 =	vld [tilespmem:s2+$0xFFFFFFB0];
	[tilespmem:s2+$0xFFFFFF40] =	vst v2;
	v2 =	vmul.f32 $1.131370830e+01, v8  }
0x2d5: {  	[tilespmem:s2+$0xFFFFFF30] =	vst v1;
	v1 =	vmul.f32 $1.131370830e+01, v5;
	v5 =	vld [tilespmem:s2+$0xFFFFFFC0]  }
0x2d6: {  	v8 =	vld [tilespmem:s2+$0xFFFFFFD0];
	[tilespmem:s2+$0xFFFFFF80] =	vst v2;
	v2 =	vmul.f32 $1.131370830e+01, v7  }
0x2d7: {  	[tilespmem:s2+$0xFFFFFF50] =	vst v1;
	v1 =	vld [tilespmem:s2+$0xFFFFFFE0];
	v0 =	vmul.f32 $1.131370830e+01, v0  }
0x2d8: {  	v7 =	vld [tilespmem:s2+$0x30];
	v6 =	vmul.f32 $1.131370830e+01, v6;
	[tilespmem:s2+$0xFFFFFF70] =	vst v2  }
0x2d9: {  	v2 =	vmul.f32 $1.131370830e+01, v3;
	v3 =	vld [tilespmem:s2+$0x0];
	[tilespmem:s2+$0xFFFFFF90] =	vst v0  }
0x2da: {  	v0 =	vmul.f32 $1.131370830e+01, v4;
	v4 =	vld [tilespmem:s2+$0x10];
	[tilespmem:s2+$0xFFFFFFF0] =	vst v6  }
0x2db: {  	[tilespmem:s2+$0xFFFFFFA0] =	vst v2;
	v2 =	vmul.f32 $1.131370830e+01, v5;
	v5 =	vld [tilespmem:s2+$0x20]  }
0x2dc: {  	v6 =	vld [tilespmem:s2+$0x80];
	[tilespmem:s2+$0xFFFFFFB0] =	vst v0;
	v0 =	vmul.f32 $1.131370830e+01, v8  }
0x2dd: {  	v1 =	vmul.f32 $1.131370830e+01, v1;
	[tilespmem:s2+$0xFFFFFFC0] =	vst v2;
	v2 =	vld [tilespmem:s2+$0x40]  }
0x2de: {  	[tilespmem:s2+$0xFFFFFFD0] =	vst v0;
	v0 =	vmul.f32 $1.131370830e+01, v3  }
0x2df: {  	v3 =	vld [tilespmem:s2+$0x50];
	[tilespmem:s2+$0xFFFFFFE0] =	vst v1;
	v4 =	vmul.f32 $1.131370830e+01, v4  }
0x2e0: {  	v1 =	vld [tilespmem:s2+$0x60];
	[tilespmem:s2+$0x0] =	vst v0;
	v0 =	vmul.f32 $1.131370830e+01, v5  }
0x2e1: {  	v6 =	vmul.f32 $1.131370830e+01, v6;
	v5 =	vld [tilespmem:s2+$0x70];
	[tilespmem:s2+$0x10] =	vst v4  }
0x2e2: {  	v4 =	vmul.f32 $1.131370830e+01, v7;
	v7 =	vld [tilespmem:s2+$0x90];
	[tilespmem:s2+$0x20] =	vst v0;
	v0 =	vmul.f32 $1.131370830e+01, v2  }
0x2e3: {  	v8 =	vld [tilespmem:s2+$0xA0];
	[tilespmem:s2+$0x80] =	vst v6  }
0x2e4: {  	v2 =	vmul.f32 $1.131370830e+01, v3;
	[tilespmem:s2+$0x40] =	vst v0;
	v0 =	vld [tilespmem:s2+$0xB0]  }
0x2e5: {  	[tilespmem:s2+$0x30] =	vst v4;
	v3 =	vmul.f32 $1.131370830e+01, v1;
	v1 =	vld [tilespmem:s2+$0xC0]  }
0x2e6: {  	[tilespmem:s2+$0x50] =	vst v2;
	v4 =	vmul.f32 $1.131370830e+01, v5;
	v2 =	vld [tilespmem:s2+$0xD0]  }
0x2e7: {  	[tilespmem:s2+$0x60] =	vst v3;
	v3 =	vld [tilespmem:s2+$0xE0];
	v5 =	vmul.f32 $1.131370830e+01, v7  }
0x2e8: {  	s8 =	simm.s32 $0x16700;
	s0 =	simm.s32 $0x0;
	v6 =	vmul.f32 $1.131370830e+01, v8;
	[tilespmem:s2+$0x70] =	vst v4;
	v4 =	vld [tilespmem:s2+$0xFFFFFF00]  }
.LBB2_20:
0x2e9: {  	v7 =	vld [tilespmem:s8+$0xF0];
	s0 =	sadd.s32 $0x4, s0;
	[tilespmem:s2+$0x90] =	vst v5;
	v0 =	vmul.f32 $1.131370830e+01, v0  }
0x2ea: {  	v5 =	vld [tilespmem:s8+$0xFFFFFF10];
	p0 =	slt.u32 s0, $0xFC;
	[tilespmem:s2+$0xA0] =	vst v6;
	v1 =	vmul.f32 $1.131370830e+01, v1  }
0x2eb: {  	v6 =	vld [tilespmem:s8+$0xFFFFFF20];
	[tilespmem:s2+$0xB0] =	vst v0;
	v0 =	vmul.f32 $1.131370830e+01, v2  }
0x2ec: {  	v2 =	vld [tilespmem:s8+$0xFFFFFF30];
	[tilespmem:s2+$0xC0] =	vst v1;
	v1 =	vmul.f32 $1.131370830e+01, v3  }
0x2ed: {  	v3 =	vld [tilespmem:s8+$0xFFFFFF40];
	v4 =	vmul.f32 $1.131370830e+01, v4;
	[tilespmem:s2+$0xD0] =	vst v0  }
0x2ee: {  	v0 =	vld [tilespmem:s8+$0xFFFFFF50];
	v7 =	vmul.f32 $1.131370830e+01, v7;
	[tilespmem:s2+$0xE0] =	vst v1  }
0x2ef: {  	v1 =	vmul.f32 $1.131370830e+01, v5;
	v5 =	vld [tilespmem:s8+$0xFFFFFF60];
	[tilespmem:s2+$0xFFFFFF00] =	vst v4;
	s2 =	smov.u32 s8  }
0x2f0: {  	v4 =	vmul.f32 $1.131370830e+01, v6;
	v6 =	vld [tilespmem:s8+$0xFFFFFF70];
	[tilespmem:s8+$0xF0] =	vst v7  }
0x2f1: {  	[tilespmem:s8+$0xFFFFFF10] =	vst v1;
	v1 =	vmul.f32 $1.131370830e+01, v2;
	v2 =	vld [tilespmem:s8+$0xFFFFFF80]  }
0x2f2: {  	[tilespmem:s8+$0xFFFFFF20] =	vst v4;
	v3 =	vmul.f32 $1.131370830e+01, v3;
	v4 =	vld [tilespmem:s8+$0xFFFFFF90]  }
0x2f3: {  	[tilespmem:s8+$0xFFFFFF30] =	vst v1;
	v0 =	vmul.f32 $1.131370830e+01, v0;
	v1 =	vld [tilespmem:s8+$0xFFFFFFA0]  }
0x2f4: {  	[tilespmem:s8+$0xFFFFFF40] =	vst v3;
	v3 =	vmul.f32 $1.131370830e+01, v5;
	v5 =	vld [tilespmem:s8+$0xFFFFFFB0]  }
0x2f5: {  	[tilespmem:s8+$0xFFFFFF50] =	vst v0;
	v0 =	vmul.f32 $1.131370830e+01, v6;
	v6 =	vld [tilespmem:s8+$0xFFFFFFC0]  }
0x2f6: {  	[tilespmem:s8+$0xFFFFFF60] =	vst v3;
	v2 =	vmul.f32 $1.131370830e+01, v2;
	v3 =	vld [tilespmem:s8+$0xFFFFFFD0]  }
0x2f7: {  	[tilespmem:s8+$0xFFFFFF70] =	vst v0;
	v0 =	vmul.f32 $1.131370830e+01, v4;
	v4 =	vld [tilespmem:s8+$0xFFFFFFE0]  }
0x2f8: {  	[tilespmem:s8+$0xFFFFFF80] =	vst v2;
	v1 =	vmul.f32 $1.131370830e+01, v1;
	v2 =	vld [tilespmem:s8+$0xFFFFFFF0]  }
0x2f9: {  	[tilespmem:s8+$0xFFFFFF90] =	vst v0;
	v0 =	vmul.f32 $1.131370830e+01, v5;
	v5 =	vld [tilespmem:s8+$0x0]  }
0x2fa: {  	[tilespmem:s8+$0xFFFFFFA0] =	vst v1;
	v1 =	vmul.f32 $1.131370830e+01, v6;
	v6 =	vld [tilespmem:s8+$0x10]  }
0x2fb: {  	[tilespmem:s8+$0xFFFFFFB0] =	vst v0;
	v0 =	vmul.f32 $1.131370830e+01, v3;
	v3 =	vld [tilespmem:s8+$0x20]  }
0x2fc: {  	[tilespmem:s8+$0xFFFFFFC0] =	vst v1;
	v1 =	vmul.f32 $1.131370830e+01, v4;
	v4 =	vld [tilespmem:s8+$0x30]  }
0x2fd: {  	[tilespmem:s8+$0xFFFFFFD0] =	vst v0;
	v0 =	vmul.f32 $1.131370830e+01, v2;
	v2 =	vld [tilespmem:s8+$0x40]  }
0x2fe: {  	[tilespmem:s8+$0xFFFFFFE0] =	vst v1;
	v1 =	vmul.f32 $1.131370830e+01, v5;
	v5 =	vld [tilespmem:s8+$0x50]  }
0x2ff: {  	[tilespmem:s8+$0xFFFFFFF0] =	vst v0;
	v0 =	vmul.f32 $1.131370830e+01, v6;
	v6 =	vld [tilespmem:s8+$0x60]  }
0x300: {  	[tilespmem:s8+$0x0] =	vst v1;
	v1 =	vmul.f32 $1.131370830e+01, v3;
	v3 =	vld [tilespmem:s8+$0x70]  }
0x301: {  	[tilespmem:s8+$0x10] =	vst v0;
	v0 =	vmul.f32 $1.131370830e+01, v4;
	v4 =	vld [tilespmem:s8+$0x80]  }
0x302: {  	[tilespmem:s8+$0x20] =	vst v1;
	v1 =	vmul.f32 $1.131370830e+01, v2;
	v7 =	vld [tilespmem:s8+$0x90]  }
0x303: {  	[tilespmem:s8+$0x30] =	vst v0;
	v2 =	vmul.f32 $1.131370830e+01, v5;
	v8 =	vld [tilespmem:s8+$0xA0]  }
.Ltmp9:
0x304: {  	[tilespmem:s8+$0x40] =	vst v1;
	v5 =	vmul.f32 $1.131370830e+01, v6;
	v0 =	vld [tilespmem:s8+$0xB0];
	(pc) =	sbr.rel @p0 .LBB2_20-.Ltmp9, $4  }
0x305: {  	[tilespmem:s8+$0x50] =	vst v2;
	v3 =	vmul.f32 $1.131370830e+01, v3;
	v1 =	vld [tilespmem:s8+$0xC0]  }
0x306: {  	[tilespmem:s8+$0x60] =	vst v5;
	v6 =	vmul.f32 $1.131370830e+01, v4;
	v2 =	vld [tilespmem:s8+$0xD0]  }
0x307: {  	[tilespmem:s8+$0x70] =	vst v3;
	v5 =	vmul.f32 $1.131370830e+01, v7;
	v3 =	vld [tilespmem:s8+$0xE0]  }
0x308: {  	s8 =	sadd.s32 $0x200, s8;
	v4 =	vld [tilespmem:s2+$0xFFFFFF00];
	[tilespmem:s2+$0x80] =	vst v6;
	v6 =	vmul.f32 $1.131370830e+01, v8  }
0x309: {  	[tilespmem:s2+$0x90] =	vst v5;
	v0 =	vmul.f32 $1.131370830e+01, v0  }
0x30a: {  	[tilespmem:s2+$0xA0] =	vst v6;
	v1 =	vmul.f32 $1.131370830e+01, v1  }
0x30b: {  	[tilespmem:s2+$0xB0] =	vst v0;
	v0 =	vmul.f32 $1.131370830e+01, v2  }
0x30c: {  	[tilespmem:s2+$0xC0] =	vst v1;
	v1 =	vmul.f32 $1.131370830e+01, v3  }
0x30d: {  	v2 =	vmul.f32 $1.131370830e+01, v4;
	[tilespmem:s2+$0xD0] =	vst v0  }
0x30e: {  	[tilespmem:s2+$0xE0] =	vst v1  }
0x30f: {  	[tilespmem:s2+$0xFFFFFF00] =	vst v2  }
0x310: {  	[hbm4b:s14+s4] =	stream.linear.scatter [tilespmem:s28], [sflag:$0x2], $0x8000, $0x38;
	[tilespmem:$0x1E400] =	vst v63  }
0x311: {  	_ =	swait.ge [sflag:s31], $0x8000  }
0x312: {  	[sflag:s31] =	ssyncset.done $0x0  }
0x313: {  	[sflag:s31] =	ssyncadd.s32 $0xFFFF8000  }
0x314: {  	_ =	swait.ge [sflag:s25], $0x4000  }
0x315: {  	[sflag:s25] =	ssyncset.done $0x0  }
0x316: {  	[sflag:s25] =	ssyncadd.s32 $0xFFFFC000  }
0x317: {  	_ =	swait.ge [sflag:s25], $0x4000  }
0x318: {  	[sflag:s25] =	ssyncset.done $0x0  }
0x319: {  	s2 =	simm.s32 $0x6500;
	[sflag:s25] =	ssyncadd.s32 $0xFFFFC000  }
0x31a: {  	v0 =	vld [tilespmem:s2+$0xF0]  }
0x31b: {  	v1 =	vld [tilespmem:s2+$0xFFFFFF10]  }
0x31c: {  	v2 =	vld [tilespmem:s2+$0xFFFFFF20]  }
0x31d: {  	v3 =	vld [tilespmem:s2+$0xFFFFFF30]  }
0x31e: {  	v6 =	vld [tilespmem:s2+$0xFFFFFF60]  }
0x31f: {  	v4 =	vld [tilespmem:s2+$0xFFFFFF40]  }
0x320: {  	v5 =	vld [tilespmem:s2+$0xFFFFFF50];
	v0 =	vmul.f32 $1.131370830e+01, v0  }
0x321: {  	v8 =	vld [tilespmem:s2+$0xFFFFFF80];
	v1 =	vmul.f32 $1.131370830e+01, v1  }
0x322: {  	v7 =	vld [tilespmem:s2+$0xFFFFFF70];
	v2 =	vmul.f32 $1.131370830e+01, v2;
	[tilespmem:s2+$0xF0] =	vst v0  }
0x323: {  	v6 =	vmul.f32 $1.131370830e+01, v6;
	v0 =	vld [tilespmem:s2+$0xFFFFFF90];
	[tilespmem:s2+$0xFFFFFF10] =	vst v1  }
0x324: {  	v1 =	vmul.f32 $1.131370830e+01, v3;
	v3 =	vld [tilespmem:s2+$0xFFFFFFA0];
	[tilespmem:s2+$0xFFFFFF20] =	vst v2;
	v2 =	vmul.f32 $1.131370830e+01, v4  }
0x325: {  	[tilespmem:s2+$0xFFFFFF60] =	vst v6;
	v6 =	vld [tilespmem:s2+$0xFFFFFFF0]  }
0x326: {  	v4 =	vld [tilespmem:s2+$0xFFFFFFB0];
	[tilespmem:s2+$0xFFFFFF40] =	vst v2;
	v2 =	vmul.f32 $1.131370830e+01, v8  }
0x327: {  	[tilespmem:s2+$0xFFFFFF30] =	vst v1;
	v1 =	vmul.f32 $1.131370830e+01, v5;
	v5 =	vld [tilespmem:s2+$0xFFFFFFC0]  }
0x328: {  	v8 =	vld [tilespmem:s2+$0xFFFFFFD0];
	[tilespmem:s2+$0xFFFFFF80] =	vst v2;
	v2 =	vmul.f32 $1.131370830e+01, v7  }
0x329: {  	[tilespmem:s2+$0xFFFFFF50] =	vst v1;
	v1 =	vld [tilespmem:s2+$0xFFFFFFE0];
	v0 =	vmul.f32 $1.131370830e+01, v0  }
0x32a: {  	v7 =	vld [tilespmem:s2+$0x30];
	v6 =	vmul.f32 $1.131370830e+01, v6;
	[tilespmem:s2+$0xFFFFFF70] =	vst v2  }
0x32b: {  	v2 =	vmul.f32 $1.131370830e+01, v3;
	v3 =	vld [tilespmem:s2+$0x0];
	[tilespmem:s2+$0xFFFFFF90] =	vst v0  }
0x32c: {  	v0 =	vmul.f32 $1.131370830e+01, v4;
	v4 =	vld [tilespmem:s2+$0x10];
	[tilespmem:s2+$0xFFFFFFF0] =	vst v6  }
0x32d: {  	[tilespmem:s2+$0xFFFFFFA0] =	vst v2;
	v2 =	vmul.f32 $1.131370830e+01, v5;
	v5 =	vld [tilespmem:s2+$0x20]  }
0x32e: {  	v6 =	vld [tilespmem:s2+$0x80];
	[tilespmem:s2+$0xFFFFFFB0] =	vst v0;
	v0 =	vmul.f32 $1.131370830e+01, v8  }
0x32f: {  	v1 =	vmul.f32 $1.131370830e+01, v1;
	[tilespmem:s2+$0xFFFFFFC0] =	vst v2;
	v2 =	vld [tilespmem:s2+$0x40]  }
0x330: {  	[tilespmem:s2+$0xFFFFFFD0] =	vst v0;
	v0 =	vmul.f32 $1.131370830e+01, v3  }
0x331: {  	v3 =	vld [tilespmem:s2+$0x50];
	[tilespmem:s2+$0xFFFFFFE0] =	vst v1;
	v4 =	vmul.f32 $1.131370830e+01, v4  }
0x332: {  	v1 =	vld [tilespmem:s2+$0x60];
	[tilespmem:s2+$0x0] =	vst v0;
	v0 =	vmul.f32 $1.131370830e+01, v5  }
0x333: {  	v6 =	vmul.f32 $1.131370830e+01, v6;
	v5 =	vld [tilespmem:s2+$0x70];
	[tilespmem:s2+$0x10] =	vst v4  }
0x334: {  	v4 =	vmul.f32 $1.131370830e+01, v7;
	v7 =	vld [tilespmem:s2+$0x90];
	[tilespmem:s2+$0x20] =	vst v0;
	v0 =	vmul.f32 $1.131370830e+01, v2  }
0x335: {  	v8 =	vld [tilespmem:s2+$0xA0];
	[tilespmem:s2+$0x80] =	vst v6  }
0x336: {  	v2 =	vmul.f32 $1.131370830e+01, v3;
	[tilespmem:s2+$0x40] =	vst v0;
	v0 =	vld [tilespmem:s2+$0xB0]  }
0x337: {  	[tilespmem:s2+$0x30] =	vst v4;
	v3 =	vmul.f32 $1.131370830e+01, v1;
	v1 =	vld [tilespmem:s2+$0xC0]  }
0x338: {  	[tilespmem:s2+$0x50] =	vst v2;
	v4 =	vmul.f32 $1.131370830e+01, v5;
	v2 =	vld [tilespmem:s2+$0xD0]  }
0x339: {  	[tilespmem:s2+$0x60] =	vst v3;
	v3 =	vld [tilespmem:s2+$0xE0];
	v5 =	vmul.f32 $1.131370830e+01, v7  }
0x33a: {  	s0 =	simm.s32 $0x0;
	s8 =	simm.s32 $0x6700;
	v6 =	vmul.f32 $1.131370830e+01, v8;
	[tilespmem:s2+$0x70] =	vst v4;
	v4 =	vld [tilespmem:s2+$0xFFFFFF00]  }
.LBB2_22:
0x33b: {  	v7 =	vld [tilespmem:s8+$0xF0];
	s0 =	sadd.s32 $0x4, s0;
	[tilespmem:s2+$0x90] =	vst v5;
	v0 =	vmul.f32 $1.131370830e+01, v0  }
0x33c: {  	v5 =	vld [tilespmem:s8+$0xFFFFFF10];
	p0 =	slt.u32 s0, $0xFC;
	[tilespmem:s2+$0xA0] =	vst v6;
	v1 =	vmul.f32 $1.131370830e+01, v1  }
0x33d: {  	v6 =	vld [tilespmem:s8+$0xFFFFFF20];
	[tilespmem:s2+$0xB0] =	vst v0;
	v0 =	vmul.f32 $1.131370830e+01, v2  }
0x33e: {  	v2 =	vld [tilespmem:s8+$0xFFFFFF30];
	[tilespmem:s2+$0xC0] =	vst v1;
	v1 =	vmul.f32 $1.131370830e+01, v3  }
0x33f: {  	v3 =	vld [tilespmem:s8+$0xFFFFFF40];
	v4 =	vmul.f32 $1.131370830e+01, v4;
	[tilespmem:s2+$0xD0] =	vst v0  }
0x340: {  	v0 =	vld [tilespmem:s8+$0xFFFFFF50];
	v7 =	vmul.f32 $1.131370830e+01, v7;
	[tilespmem:s2+$0xE0] =	vst v1  }
0x341: {  	v1 =	vmul.f32 $1.131370830e+01, v5;
	v5 =	vld [tilespmem:s8+$0xFFFFFF60];
	[tilespmem:s2+$0xFFFFFF00] =	vst v4;
	s2 =	smov.u32 s8  }
0x342: {  	v4 =	vmul.f32 $1.131370830e+01, v6;
	v6 =	vld [tilespmem:s8+$0xFFFFFF70];
	[tilespmem:s8+$0xF0] =	vst v7  }
0x343: {  	[tilespmem:s8+$0xFFFFFF10] =	vst v1;
	v1 =	vmul.f32 $1.131370830e+01, v2;
	v2 =	vld [tilespmem:s8+$0xFFFFFF80]  }
0x344: {  	[tilespmem:s8+$0xFFFFFF20] =	vst v4;
	v3 =	vmul.f32 $1.131370830e+01, v3;
	v4 =	vld [tilespmem:s8+$0xFFFFFF90]  }
0x345: {  	[tilespmem:s8+$0xFFFFFF30] =	vst v1;
	v0 =	vmul.f32 $1.131370830e+01, v0;
	v1 =	vld [tilespmem:s8+$0xFFFFFFA0]  }
0x346: {  	[tilespmem:s8+$0xFFFFFF40] =	vst v3;
	v3 =	vmul.f32 $1.131370830e+01, v5;
	v5 =	vld [tilespmem:s8+$0xFFFFFFB0]  }
0x347: {  	[tilespmem:s8+$0xFFFFFF50] =	vst v0;
	v0 =	vmul.f32 $1.131370830e+01, v6;
	v6 =	vld [tilespmem:s8+$0xFFFFFFC0]  }
0x348: {  	[tilespmem:s8+$0xFFFFFF60] =	vst v3;
	v2 =	vmul.f32 $1.131370830e+01, v2;
	v3 =	vld [tilespmem:s8+$0xFFFFFFD0]  }
0x349: {  	[tilespmem:s8+$0xFFFFFF70] =	vst v0;
	v0 =	vmul.f32 $1.131370830e+01, v4;
	v4 =	vld [tilespmem:s8+$0xFFFFFFE0]  }
0x34a: {  	[tilespmem:s8+$0xFFFFFF80] =	vst v2;
	v1 =	vmul.f32 $1.131370830e+01, v1;
	v2 =	vld [tilespmem:s8+$0xFFFFFFF0]  }
0x34b: {  	[tilespmem:s8+$0xFFFFFF90] =	vst v0;
	v0 =	vmul.f32 $1.131370830e+01, v5;
	v5 =	vld [tilespmem:s8+$0x0]  }
0x34c: {  	[tilespmem:s8+$0xFFFFFFA0] =	vst v1;
	v1 =	vmul.f32 $1.131370830e+01, v6;
	v6 =	vld [tilespmem:s8+$0x10]  }
0x34d: {  	[tilespmem:s8+$0xFFFFFFB0] =	vst v0;
	v0 =	vmul.f32 $1.131370830e+01, v3;
	v3 =	vld [tilespmem:s8+$0x20]  }
0x34e: {  	[tilespmem:s8+$0xFFFFFFC0] =	vst v1;
	v1 =	vmul.f32 $1.131370830e+01, v4;
	v4 =	vld [tilespmem:s8+$0x30]  }
0x34f: {  	[tilespmem:s8+$0xFFFFFFD0] =	vst v0;
	v0 =	vmul.f32 $1.131370830e+01, v2;
	v2 =	vld [tilespmem:s8+$0x40]  }
0x350: {  	[tilespmem:s8+$0xFFFFFFE0] =	vst v1;
	v1 =	vmul.f32 $1.131370830e+01, v5;
	v5 =	vld [tilespmem:s8+$0x50]  }
0x351: {  	[tilespmem:s8+$0xFFFFFFF0] =	vst v0;
	v0 =	vmul.f32 $1.131370830e+01, v6;
	v6 =	vld [tilespmem:s8+$0x60]  }
0x352: {  	[tilespmem:s8+$0x0] =	vst v1;
	v1 =	vmul.f32 $1.131370830e+01, v3;
	v3 =	vld [tilespmem:s8+$0x70]  }
0x353: {  	[tilespmem:s8+$0x10] =	vst v0;
	v0 =	vmul.f32 $1.131370830e+01, v4;
	v4 =	vld [tilespmem:s8+$0x80]  }
0x354: {  	[tilespmem:s8+$0x20] =	vst v1;
	v1 =	vmul.f32 $1.131370830e+01, v2;
	v7 =	vld [tilespmem:s8+$0x90]  }
0x355: {  	[tilespmem:s8+$0x30] =	vst v0;
	v2 =	vmul.f32 $1.131370830e+01, v5;
	v8 =	vld [tilespmem:s8+$0xA0]  }
.Ltmp10:
0x356: {  	[tilespmem:s8+$0x40] =	vst v1;
	v5 =	vmul.f32 $1.131370830e+01, v6;
	v0 =	vld [tilespmem:s8+$0xB0];
	(pc) =	sbr.rel @p0 .LBB2_22-.Ltmp10, $4  }
0x357: {  	[tilespmem:s8+$0x50] =	vst v2;
	v3 =	vmul.f32 $1.131370830e+01, v3;
	v1 =	vld [tilespmem:s8+$0xC0]  }
0x358: {  	[tilespmem:s8+$0x60] =	vst v5;
	v6 =	vmul.f32 $1.131370830e+01, v4;
	v2 =	vld [tilespmem:s8+$0xD0]  }
0x359: {  	[tilespmem:s8+$0x70] =	vst v3;
	v5 =	vmul.f32 $1.131370830e+01, v7;
	v3 =	vld [tilespmem:s8+$0xE0]  }
0x35a: {  	s8 =	sadd.s32 $0x200, s8;
	v4 =	vld [tilespmem:s2+$0xFFFFFF00];
	[tilespmem:s2+$0x80] =	vst v6;
	v6 =	vmul.f32 $1.131370830e+01, v8  }
0x35b: {  	[tilespmem:s2+$0x90] =	vst v5;
	v0 =	vmul.f32 $1.131370830e+01, v0  }
0x35c: {  	[tilespmem:s2+$0xA0] =	vst v6;
	v1 =	vmul.f32 $1.131370830e+01, v1  }
0x35d: {  	[tilespmem:s2+$0xB0] =	vst v0;
	v61 =	vmul.f32 $1.131370830e+01, v2  }
0x35e: {  	[tilespmem:s2+$0xC0] =	vst v1;
	v62 =	vmul.f32 $1.131370830e+01, v3  }
0x35f: {  	v63 =	vmul.f32 $1.131370830e+01, v4;
	[tilespmem:s2+$0xD0] =	vst v61  }
0x360: {  	[tilespmem:s2+$0xE0] =	vst v62  }
0x361: {  	s21 =	sadd.s32 $0x1, s21;
	[tilespmem:s2+$0xFFFFFF00] =	vst v63  }
0x362: {  	[hbm4b:s15+s4] =	stream.linear.scatter [tilespmem:s19], [sflag:$0x2], $0x8000, $0x38;
	[tilespmem:$0x1E400] =	vst v63  }
0x363: {  	p0 =	sne.s32 s21, s16;
	_ =	swait.ge [sflag:s31], $0x8000  }
.Ltmp11:
0x364: {  	[sflag:s31] =	ssyncset.done $0x0;
	(pc) =	sbr.rel @p0 .LBB2_1-.Ltmp11, $4  }
0x365: {  	[sflag:s31] =	ssyncadd.s32 $0xFFFF8000  }
0x366: {  	_ =	swait.ge [sflag:s31], $0x8000  }
0x367: {  	[sflag:s31] =	ssyncset.done $0x0  }
0x368: {  	[sflag:s31] =	ssyncadd.s32 $0xFFFF8000  }
0x369: {  	_ =	sfence.sel $0x180000  }
0x36a: {  	[bflag:$0x0] =	sbarrier.arrive $0xFFFF  }
0x36b: {  	_ =	strace $0x90000047  }
0x36c: {  	s0 =	stileid.u32;
	[bflag:$0x2] =	sbarrier.arrive $0xFFFF  }
0x36d: {  	p0 =	sne.s32 s0, $0x0;
	s0 =	rddreg [dreg:$0x3]  }
0x36e: {  	s0 =	sadd.s32 @!p0 $0x100000, s0  }
0x36f: {  	[sflag:s0] =	ssyncadd.tile.s32 @!p0 $0x1;
	_ =	shalt  }
.Lfunc_end2:
_tile_overlayer_lowered:
.L_overlay_start_2:
0x370: {  	(tag) =	ssettag $0x2  }
0x371: {  	s0 =	rddreg [dreg:$0x0];
	s2 =	stileid.u32  }
0x372: {  	s1 =	rddreg [dreg:$0x1];
	p0 =	sne.s32 s2, $0x0  }
0x373: {  	s3 =	rddreg [dreg:$0x2];
	[bflag:$0x3] =	sbarrier.arrive $0xFFFF;
	s2 =	simm.s32 @!p0 $0x1C03  }
0x374: {  	[timem:s3], [sflag:s2] =	dma.local @!p0 [hbm:s0], s1  }
0x375: {  	s0 =	simm.s32 @!p0 $0x3  }
0x376: {  	_ =	swait.ge @!p0 [sflag:s0], s1  }
0x377: {  	s1 =	ssub.s32 @!p0 $0x0, s1;
	[sflag:s0] =	ssyncset.done @!p0 $0x0  }
0x378: {  	[sflag:s0] =	ssyncadd.s32 @!p0 s1  }
0x379: {  	[bflag:$0x3] =	sbarrier.arrive $0xFFFF  }
0x37a: {  	_ =	shalt  }

</sc_bundles>
